<compile_context>
chip_gen: v7x
topology: tpu7x:2x2x1
jax: 0.10.2.dev20260603
libtpu: 0.0.44.dev20260713+nightly
codegen_flags: <defaults>
</compile_context>

<pallas_src>
import functools

import jax
import jax.numpy as jnp
from jax import lax
from jax.experimental import pallas as pl
from jax.experimental.pallas import tpu as pltpu
from jax.experimental.pallas import tpu_sc as plsc

MAX_ROWS = 8192
D = 1024
NB = 4
NT = 8192

NC = 2
NS = 16
NW = NC * NS

N = NB * NT
ROWS_PER_W = N // NW
K = 16
CHUNKS = ROWS_PER_W // K
LANES = 16
VECS_PER_ROW = D // LANES


def _sc_body(x_hbm, idx_hbm, table_hbm, out_hbm,
             idx_v, bufx0, bufx1, bufg0, bufg1, bufo0, bufo1,
             sx0, sx1, sg0, sg1, so0, so1):
    wid = lax.axis_index("s") * NC + lax.axis_index("c")
    row0 = wid * ROWS_PER_W

    bufxs = (bufx0, bufx1)
    bufgs = (bufg0, bufg1)
    bufos = (bufo0, bufo1)
    sxs = (sx0, sx1)
    sgs = (sg0, sg1)
    sos = (so0, so1)

    pltpu.sync_copy(idx_hbm.at[pl.ds(row0, ROWS_PER_W)], idx_v)

    def in_descs(c, b):
        base = row0 + c * K
        dx = pltpu.make_async_copy(
            x_hbm.at[pl.ds(base, K), :], bufxs[b], sxs[b])
        dg = pltpu.make_async_copy(
            table_hbm.at[idx_v.at[pl.ds(c * K, K)]], bufgs[b], sgs[b])
        return dx, dg

    def out_desc(c, b):
        base = row0 + c * K
        return pltpu.make_async_copy(
            bufos[b], out_hbm.at[pl.ds(base, K), :], sos[b])

    for c in range(2):
        dx, dg = in_descs(c, c)
        dx.start()
        dg.start()

    def two_chunks(cc, carry):
        for b in range(2):
            c = 2 * cc + b
            dx, dg = in_descs(c, b)
            dx.wait()
            dg.wait()

            @pl.when(c >= 2)
            def _wait_out():
                out_desc(c - 2, b).wait()

            bx, bg, bo = bufxs[b], bufgs[b], bufos[b]

            @plsc.parallel_loop(0, K, 1)
            def _add_row(r):
                for v in range(VECS_PER_ROW):
                    sl = pl.ds(v * LANES, LANES)
                    bo[r, sl] = bx[r, sl] + bg[r, sl]

            out_desc(c, b).start()

            @pl.when(c + 2 < CHUNKS)
            def _issue_next():
                ndx, ndg = in_descs(c + 2, b)
                ndx.start()
                ndg.start()
        return carry

    lax.fori_loop(0, CHUNKS // 2, two_chunks, 0, unroll=False)

    out_desc(CHUNKS - 2, 0).wait()
    out_desc(CHUNKS - 1, 1).wait()


@functools.partial(jax.jit, donate_argnums=())
def kernel(x, times_bt, embeddings_tc):
    xf = x.reshape(N, D)
    idx = times_bt.astype(jnp.int32).reshape(N)

    mesh = plsc.VectorSubcoreMesh(
        core_axis_name="c", subcore_axis_name="s", num_cores=NC,
        num_subcores=NS)
    run = pl.kernel(
        _sc_body,
        out_type=jax.ShapeDtypeStruct((N, D), jnp.float32),
        mesh=mesh,
        compiler_params=pltpu.CompilerParams(use_tc_tiling_on_sc=True),
        scratch_types=[
            pltpu.VMEM((ROWS_PER_W,), jnp.int32),
            pltpu.VMEM((K, D), jnp.float32),
            pltpu.VMEM((K, D), jnp.float32),
            pltpu.VMEM((K, D), jnp.float32),
            pltpu.VMEM((K, D), jnp.float32),
            pltpu.VMEM((K, D), jnp.float32),
            pltpu.VMEM((K, D), jnp.float32),
            pltpu.SemaphoreType.DMA,
            pltpu.SemaphoreType.DMA,
            pltpu.SemaphoreType.DMA,
            pltpu.SemaphoreType.DMA,
            pltpu.SemaphoreType.DMA,
            pltpu.SemaphoreType.DMA,
        ],
    )
    out = run(xf, idx, embeddings_tc)
    return out.reshape(NB, NT, D)

# --- scband reference (transcript-rebuilt; emitter-appended) ---
"""Pipeline reference for scband-learned-positional-embeddings-32323923870109 (READ-ONLY COPY).

The authoritative reference and input builder live on the scoring server;
editing this copy changes nothing except your own understanding.
"""

import jax, jax.numpy as jnp
import numpy as np

MAX_TSZ = 8192
EMBED_DIM = 1024
B = 4
T = 8192

def setup_inputs(seed: int = 0) -> dict:
    key = jax.random.key(seed)
    k1, k2, k3 = jax.random.split(key, 3)
    x = jax.random.normal(k1, (B, T, EMBED_DIM), dtype=jnp.float32)
    times_bt = jax.random.randint(k2, (B, T), 0, MAX_TSZ, dtype=jnp.int64 if jax.config.jax_enable_x64 else jnp.int32)
    # learned positional embedding table, normal init (std=1.0 per torch normal init)
    embeddings_tc = jax.random.normal(k3, (MAX_TSZ, EMBED_DIM), dtype=jnp.float32)
    return {"x": x, "times_bt": times_bt, "embeddings_tc": embeddings_tc}

def reference(x, times_bt, embeddings_tc):
    # forward with times_bt provided: gather rows of embeddings table by [B, T] indices
    # equivalent to torch: x + self.embeddings_tc[times_bt]
    pos = jnp.take(embeddings_tc, times_bt, axis=0)  # [B, T, D] gather
    return x + pos

if __name__ == "__main__":
    import jax
    _d = setup_inputs()
    print(jax.jit(kernel)(*tuple(_d.values())))

</pallas_src>

<mosaic_0001>
#map = affine_map<(d0, d1) -> (0, 0)>
#map1 = affine_map<(d0, d1) -> (0)>
module attributes {stable_mosaic.version = 14 : i64} {
  func.func @_sc_body(%arg0: i32, %arg1: i32, %arg2: memref<32768x1024xf32, #tpu.memory_space<hbm>>, %arg3: memref<32768xi32, #tpu.memory_space<hbm>>, %arg4: memref<8192x1024xf32, #tpu.memory_space<hbm>>, %arg5: memref<32768x1024xf32, #tpu.memory_space<hbm>>, %arg6: memref<1024xi32, #tpu.memory_space<vmem>>, %arg7: memref<16x1024xf32, #tpu.memory_space<vmem>>, %arg8: memref<16x1024xf32, #tpu.memory_space<vmem>>, %arg9: memref<16x1024xf32, #tpu.memory_space<vmem>>, %arg10: memref<16x1024xf32, #tpu.memory_space<vmem>>, %arg11: memref<16x1024xf32, #tpu.memory_space<vmem>>, %arg12: memref<16x1024xf32, #tpu.memory_space<vmem>>, %arg13: memref<!tpu.dma_semaphore, #tpu.memory_space<semaphore_mem>>, %arg14: memref<!tpu.dma_semaphore, #tpu.memory_space<semaphore_mem>>, %arg15: memref<!tpu.dma_semaphore, #tpu.memory_space<semaphore_mem>>, %arg16: memref<!tpu.dma_semaphore, #tpu.memory_space<semaphore_mem>>, %arg17: memref<!tpu.dma_semaphore, #tpu.memory_space<semaphore_mem>>, %arg18: memref<!tpu.dma_semaphore, #tpu.memory_space<semaphore_mem>>) attributes {dimension_semantics = [#tpu.dimension_semantics<core_parallel>, #tpu.dimension_semantics<subcore_parallel>], iteration_bounds = array<i64: 2, 16>, scalar_prefetch = 0 : i64, scratch_operands = 13 : i64, tpu.core_type = #tpu.core_type<sc_vector_subcore>, window_params = [{transform_indices = #map}, {transform_indices = #map1}, {transform_indices = #map}, {transform_indices = #map}]} {
    %mul3A = arith.constant 2 : i32
    %mul3A_0 = arith.muli %arg1, %mul3A : i32
    %add3A = arith.addi %mul3A_0, %arg0 : i32
    %mul3A_1 = arith.constant 1024 : i32
    %mul3A_2 = arith.muli %add3A, %mul3A_1 : i32
    "tpu.region"() ({
      %run_scoped3A = tpu.sem_alloc : memref<!tpu.dma_semaphore, #tpu.memory_space<semaphore_mem>>
      %dma_start3A_40 = tpu.memref_slice %arg3[%mul3A_2] : memref<32768xi32, #tpu.memory_space<hbm>> -> memref<1024xi32, #tpu.memory_space<hbm>>
      %dma_start3A_41 = tpu.memref_slice %arg3[%mul3A_2] : memref<32768xi32, #tpu.memory_space<hbm>> -> memref<1024xi32, #tpu.memory_space<hbm>>
      tpu.enqueue_dma source(%dma_start3A_41 : memref<1024xi32, #tpu.memory_space<hbm>>) target(%arg6 : memref<1024xi32, #tpu.memory_space<vmem>>) target_semaphore(%run_scoped3A : memref<!tpu.dma_semaphore, #tpu.memory_space<semaphore_mem>>)
      %dma_wait3A_42 = tpu.memref_slice %arg3[%mul3A_2] : memref<32768xi32, #tpu.memory_space<hbm>> -> memref<1024xi32, #tpu.memory_space<hbm>>
      %dma_wait3A_43 = tpu.memref_slice %arg3[%mul3A_2] : memref<32768xi32, #tpu.memory_space<hbm>> -> memref<1024xi32, #tpu.memory_space<hbm>>
      tpu.wait_dma2 semaphore(%run_scoped3A : memref<!tpu.dma_semaphore, #tpu.memory_space<semaphore_mem>>) src(%dma_wait3A_43 : memref<1024xi32, #tpu.memory_space<hbm>>) dst(%arg6 : memref<1024xi32, #tpu.memory_space<vmem>>)
      tpu.yield
    }) : () -> ()
    %add3A_3 = arith.constant 0 : i32
    %add3A_4 = arith.addi %mul3A_2, %add3A_3 : i32
    %dma_start3A = arith.constant 0 : i32
    %dma_start3A_5 = tpu.memref_slice %arg2[%add3A_4, %dma_start3A] : memref<32768x1024xf32, #tpu.memory_space<hbm>> -> memref<16x1024xf32, #tpu.memory_space<hbm>>
    %dma_start3A_6 = arith.constant 0 : i32
    %dma_start3A_7 = tpu.memref_slice %arg2[%add3A_4, %dma_start3A_6] : memref<32768x1024xf32, #tpu.memory_space<hbm>> -> memref<16x1024xf32, #tpu.memory_space<hbm>>
    tpu.enqueue_dma source(%dma_start3A_7 : memref<16x1024xf32, #tpu.memory_space<hbm>>) target(%arg7 : memref<16x1024xf32, #tpu.memory_space<vmem>>) target_semaphore(%arg13 : memref<!tpu.dma_semaphore, #tpu.memory_space<semaphore_mem>>)
    %dma_start3A_8 = arith.constant 0 : i32
    %dma_start3A_9 = tpu.memref_slice %arg6[%dma_start3A_8] : memref<1024xi32, #tpu.memory_space<vmem>> -> memref<16xi32, #tpu.memory_space<vmem>>
    %dma_start3A_10 = arith.constant 0 : i32
    %dma_start3A_11 = arith.constant 0 : i32
    %dma_start3A_12 = tpu.memref_slice %arg4[%dma_start3A_10, %dma_start3A_11] : memref<8192x1024xf32, #tpu.memory_space<hbm>> -> memref<8192x1024xf32, #tpu.memory_space<hbm>>
    tpu.enqueue_indirect_dma source(%dma_start3A_12 : memref<8192x1024xf32, #tpu.memory_space<hbm>>) target(%arg9 : memref<16x1024xf32, #tpu.memory_space<vmem>>) offsets(%dma_start3A_9 : memref<16xi32, #tpu.memory_space<vmem>>) semaphore(%arg15 : memref<!tpu.dma_semaphore, #tpu.memory_space<semaphore_mem>>)
    %add3A_13 = arith.constant 16 : i32
    %add3A_14 = arith.addi %mul3A_2, %add3A_13 : i32
    %dma_start3A_15 = arith.constant 0 : i32
    %dma_start3A_16 = tpu.memref_slice %arg2[%add3A_14, %dma_start3A_15] : memref<32768x1024xf32, #tpu.memory_space<hbm>> -> memref<16x1024xf32, #tpu.memory_space<hbm>>
    %dma_start3A_17 = arith.constant 0 : i32
    %dma_start3A_18 = tpu.memref_slice %arg2[%add3A_14, %dma_start3A_17] : memref<32768x1024xf32, #tpu.memory_space<hbm>> -> memref<16x1024xf32, #tpu.memory_space<hbm>>
    tpu.enqueue_dma source(%dma_start3A_18 : memref<16x1024xf32, #tpu.memory_space<hbm>>) target(%arg8 : memref<16x1024xf32, #tpu.memory_space<vmem>>) target_semaphore(%arg14 : memref<!tpu.dma_semaphore, #tpu.memory_space<semaphore_mem>>)
    %dma_start3A_19 = arith.constant 16 : i32
    %dma_start3A_20 = tpu.memref_slice %arg6[%dma_start3A_19] : memref<1024xi32, #tpu.memory_space<vmem>> -> memref<16xi32, #tpu.memory_space<vmem>>
    %dma_start3A_21 = arith.constant 0 : i32
    %dma_start3A_22 = arith.constant 0 : i32
    %dma_start3A_23 = tpu.memref_slice %arg4[%dma_start3A_21, %dma_start3A_22] : memref<8192x1024xf32, #tpu.memory_space<hbm>> -> memref<8192x1024xf32, #tpu.memory_space<hbm>>
    tpu.enqueue_indirect_dma source(%dma_start3A_23 : memref<8192x1024xf32, #tpu.memory_space<hbm>>) target(%arg10 : memref<16x1024xf32, #tpu.memory_space<vmem>>) offsets(%dma_start3A_20 : memref<16xi32, #tpu.memory_space<vmem>>) semaphore(%arg16 : memref<!tpu.dma_semaphore, #tpu.memory_space<semaphore_mem>>)
    %scan3A = arith.constant 0 : i32
    %scan3A_24 = arith.constant 0 : i32
    %scan3A_25 = arith.constant 32 : i32
    %scan3A_26 = arith.addi %scan3A_24, %scan3A_25 : i32
    %scan3A_27 = arith.constant 1 : i32
    scf.for %scan3A_40 = %scan3A_24 to %scan3A_26 step %scan3A_27  : i32 {
      %mul3A_41 = arith.constant 2 : i32
      %mul3A_42 = arith.muli %mul3A_41, %scan3A_40 : i32
      %add3A_43 = arith.constant 0 : i32
      %add3A_44 = arith.addi %mul3A_42, %add3A_43 : i32
      %mul3A_45 = arith.constant 16 : i32
      %mul3A_46 = arith.muli %add3A_44, %mul3A_45 : i32
      %add3A_47 = arith.addi %mul3A_2, %mul3A_46 : i32
      %mul3A_48 = arith.constant 16 : i32
      %mul3A_49 = arith.muli %add3A_44, %mul3A_48 : i32
      %dma_wait3A_50 = arith.constant 0 : i32
      %dma_wait3A_51 = tpu.memref_slice %arg2[%add3A_47, %dma_wait3A_50] : memref<32768x1024xf32, #tpu.memory_space<hbm>> -> memref<16x1024xf32, #tpu.memory_space<hbm>>
      %dma_wait3A_52 = arith.constant 0 : i32
      %dma_wait3A_53 = tpu.memref_slice %arg2[%add3A_47, %dma_wait3A_52] : memref<32768x1024xf32, #tpu.memory_space<hbm>> -> memref<16x1024xf32, #tpu.memory_space<hbm>>
      tpu.wait_dma2 semaphore(%arg13 : memref<!tpu.dma_semaphore, #tpu.memory_space<semaphore_mem>>) src(%dma_wait3A_53 : memref<16x1024xf32, #tpu.memory_space<hbm>>) dst(%arg7 : memref<16x1024xf32, #tpu.memory_space<vmem>>)
      %dma_wait3A_54 = tpu.memref_slice %arg6[%mul3A_49] : memref<1024xi32, #tpu.memory_space<vmem>> -> memref<16xi32, #tpu.memory_space<vmem>>
      %dma_wait3A_55 = arith.constant 0 : i32
      %dma_wait3A_56 = arith.constant 0 : i32
      %dma_wait3A_57 = tpu.memref_slice %arg4[%dma_wait3A_55, %dma_wait3A_56] : memref<8192x1024xf32, #tpu.memory_space<hbm>> -> memref<8192x1024xf32, #tpu.memory_space<hbm>>
      tpu.wait_indirect_dma semaphore(%arg15 : memref<!tpu.dma_semaphore, #tpu.memory_space<semaphore_mem>>) src(%dma_wait3A_57 : memref<8192x1024xf32, #tpu.memory_space<hbm>>) dst(%arg9 : memref<16x1024xf32, #tpu.memory_space<vmem>>)
      %ge3A = arith.constant 2 : i32
      %ge3A_58 = arith.cmpi sge, %add3A_44, %ge3A : i32
      %convert_element_type3A = arith.extui %ge3A_58 : i1 to i32
      %cond3A = arith.constant 0 : i32
      %cond3A_59 = arith.cmpi ne, %convert_element_type3A, %cond3A : i32
      scf.if %cond3A_59 {
        %sub3A = arith.constant 2 : i32
        %sub3A_114 = arith.subi %add3A_44, %sub3A : i32
        %mul3A_115 = arith.constant 16 : i32
        %mul3A_116 = arith.muli %sub3A_114, %mul3A_115 : i32
        %add3A_117 = arith.addi %mul3A_2, %mul3A_116 : i32
        %dma_wait3A_118 = arith.constant 0 : i32
        %dma_wait3A_119 = tpu.memref_slice %arg5[%add3A_117, %dma_wait3A_118] : memref<32768x1024xf32, #tpu.memory_space<hbm>> -> memref<16x1024xf32, #tpu.memory_space<hbm>>
        %dma_wait3A_120 = arith.constant 0 : i32
        %dma_wait3A_121 = tpu.memref_slice %arg5[%add3A_117, %dma_wait3A_120] : memref<32768x1024xf32, #tpu.memory_space<hbm>> -> memref<16x1024xf32, #tpu.memory_space<hbm>>
        tpu.wait_dma2 semaphore(%arg17 : memref<!tpu.dma_semaphore, #tpu.memory_space<semaphore_mem>>) src(%arg11 : memref<16x1024xf32, #tpu.memory_space<vmem>>) dst(%dma_wait3A_121 : memref<16x1024xf32, #tpu.memory_space<hbm>>)
      } else {
      }
      %parallel_loop3A = arith.constant 0 : i32
      %parallel_loop3A_60 = arith.constant 16 : i32
      %parallel_loop3A_61 = arith.constant 1 : i32
      scf.for %parallel_loop3A_114 = %parallel_loop3A to %parallel_loop3A_60 step %parallel_loop3A_61  : i32 {
        %parallel_loop3A_115 = arith.index_cast %parallel_loop3A_114 : i32 to index
        %parallel_loop3A_116 = arith.constant 0 : index
        %parallel_loop3A_117 = tpu.vector_load %arg7[%parallel_loop3A_115, %parallel_loop3A_116] {strides = array<i32>} : memref<16x1024xf32, #tpu.memory_space<vmem>>, vector<1x16xf32>,
        %parallel_loop3A_118 = vector.shape_cast %parallel_loop3A_117 : vector<1x16xf32> to vector<16xf32>
        %parallel_loop3A_119 = arith.index_cast %parallel_loop3A_114 : i32 to index
        %parallel_loop3A_120 = arith.constant 0 : index
        %parallel_loop3A_121 = tpu.vector_load %arg9[%parallel_loop3A_119, %parallel_loop3A_120] {strides = array<i32>} : memref<16x1024xf32, #tpu.memory_space<vmem>>, vector<1x16xf32>,
        %parallel_loop3A_122 = vector.shape_cast %parallel_loop3A_121 : vector<1x16xf32> to vector<16xf32>
        %parallel_loop3A_123 = arith.addf %parallel_loop3A_118, %parallel_loop3A_122 : vector<16xf32>
        %parallel_loop3A_124 = arith.index_cast %parallel_loop3A_114 : i32 to index
        %parallel_loop3A_125 = arith.constant 0 : index
        %parallel_loop3A_126 = tpu.vector_load %arg11[%parallel_loop3A_124, %parallel_loop3A_125] {strides = array<i32>} : memref<16x1024xf32, #tpu.memory_space<vmem>>, vector<1x16xf32>,
        %parallel_loop3A_127 = vector.shape_cast %parallel_loop3A_126 : vector<1x16xf32> to vector<16xf32>
        %parallel_loop3A_128 = vector.shape_cast %parallel_loop3A_123 : vector<16xf32> to vector<1x16xf32>
        tpu.vector_store %arg11[%parallel_loop3A_124, %parallel_loop3A_125], %parallel_loop3A_128 {strides = array<i32>} : memref<16x1024xf32, #tpu.memory_space<vmem>>, vector<1x16xf32>,
        %parallel_loop3A_129 = arith.index_cast %parallel_loop3A_114 : i32 to index
        %parallel_loop3A_130 = arith.constant 16 : index
        %parallel_loop3A_131 = tpu.vector_load %arg7[%parallel_loop3A_129, %parallel_loop3A_130] {strides = array<i32>} : memref<16x1024xf32, #tpu.memory_space<vmem>>, vector<1x16xf32>,
        %parallel_loop3A_132 = vector.shape_cast %parallel_loop3A_131 : vector<1x16xf32> to vector<16xf32>
        %parallel_loop3A_133 = arith.index_cast %parallel_loop3A_114 : i32 to index
        %parallel_loop3A_134 = arith.constant 16 : index
        %parallel_loop3A_135 = tpu.vector_load %arg9[%parallel_loop3A_133, %parallel_loop3A_134] {strides = array<i32>} : memref<16x1024xf32, #tpu.memory_space<vmem>>, vector<1x16xf32>,
        %parallel_loop3A_136 = vector.shape_cast %parallel_loop3A_135 : vector<1x16xf32> to vector<16xf32>
        %parallel_loop3A_137 = arith.addf %parallel_loop3A_132, %parallel_loop3A_136 : vector<16xf32>
        %parallel_loop3A_138 = arith.index_cast %parallel_loop3A_114 : i32 to index
        %parallel_loop3A_139 = arith.constant 16 : index
        %parallel_loop3A_140 = tpu.vector_load %arg11[%parallel_loop3A_138, %parallel_loop3A_139] {strides = array<i32>} : memref<16x1024xf32, #tpu.memory_space<vmem>>, vector<1x16xf32>,
        %parallel_loop3A_141 = vector.shape_cast %parallel_loop3A_140 : vector<1x16xf32> to vector<16xf32>
        %parallel_loop3A_142 = vector.shape_cast %parallel_loop3A_137 : vector<16xf32> to vector<1x16xf32>
        tpu.vector_store %arg11[%parallel_loop3A_138, %parallel_loop3A_139], %parallel_loop3A_142 {strides = array<i32>} : memref<16x1024xf32, #tpu.memory_space<vmem>>, vector<1x16xf32>,
        %parallel_loop3A_143 = arith.index_cast %parallel_loop3A_114 : i32 to index
        %parallel_loop3A_144 = arith.constant 32 : index
        %parallel_loop3A_145 = tpu.vector_load %arg7[%parallel_loop3A_143, %parallel_loop3A_144] {strides = array<i32>} : memref<16x1024xf32, #tpu.memory_space<vmem>>, vector<1x16xf32>,
        %parallel_loop3A_146 = vector.shape_cast %parallel_loop3A_145 : vector<1x16xf32> to vector<16xf32>
        %parallel_loop3A_147 = arith.index_cast %parallel_loop3A_114 : i32 to index
        %parallel_loop3A_148 = arith.constant 32 : index
        %parallel_loop3A_149 = tpu.vector_load %arg9[%parallel_loop3A_147, %parallel_loop3A_148] {strides = array<i32>} : memref<16x1024xf32, #tpu.memory_space<vmem>>, vector<1x16xf32>,
        %parallel_loop3A_150 = vector.shape_cast %parallel_loop3A_149 : vector<1x16xf32> to vector<16xf32>
        %parallel_loop3A_151 = arith.addf %parallel_loop3A_146, %parallel_loop3A_150 : vector<16xf32>
        %parallel_loop3A_152 = arith.index_cast %parallel_loop3A_114 : i32 to index
        %parallel_loop3A_153 = arith.constant 32 : index
        %parallel_loop3A_154 = tpu.vector_load %arg11[%parallel_loop3A_152, %parallel_loop3A_153] {strides = array<i32>} : memref<16x1024xf32, #tpu.memory_space<vmem>>, vector<1x16xf32>,
        %parallel_loop3A_155 = vector.shape_cast %parallel_loop3A_154 : vector<1x16xf32> to vector<16xf32>
        %parallel_loop3A_156 = vector.shape_cast %parallel_loop3A_151 : vector<16xf32> to vector<1x16xf32>
        tpu.vector_store %arg11[%parallel_loop3A_152, %parallel_loop3A_153], %parallel_loop3A_156 {strides = array<i32>} : memref<16x1024xf32, #tpu.memory_space<vmem>>, vector<1x16xf32>,
        %parallel_loop3A_157 = arith.index_cast %parallel_loop3A_114 : i32 to index
        %parallel_loop3A_158 = arith.constant 48 : index
        %parallel_loop3A_159 = tpu.vector_load %arg7[%parallel_loop3A_157, %parallel_loop3A_158] {strides = array<i32>} : memref<16x1024xf32, #tpu.memory_space<vmem>>, vector<1x16xf32>,
        %parallel_loop3A_160 = vector.shape_cast %parallel_loop3A_159 : vector<1x16xf32> to vector<16xf32>
        %parallel_loop3A_161 = arith.index_cast %parallel_loop3A_114 : i32 to index
        %parallel_loop3A_162 = arith.constant 48 : index
        %parallel_loop3A_163 = tpu.vector_load %arg9[%parallel_loop3A_161, %parallel_loop3A_162] {strides = array<i32>} : memref<16x1024xf32, #tpu.memory_space<vmem>>, vector<1x16xf32>,
        %parallel_loop3A_164 = vector.shape_cast %parallel_loop3A_163 : vector<1x16xf32> to vector<16xf32>
        %parallel_loop3A_165 = arith.addf %parallel_loop3A_160, %parallel_loop3A_164 : vector<16xf32>
        %parallel_loop3A_166 = arith.index_cast %parallel_loop3A_114 : i32 to index
        %parallel_loop3A_167 = arith.constant 48 : index
        %parallel_loop3A_168 = tpu.vector_load %arg11[%parallel_loop3A_166, %parallel_loop3A_167] {strides = array<i32>} : memref<16x1024xf32, #tpu.memory_space<vmem>>, vector<1x16xf32>,
        %parallel_loop3A_169 = vector.shape_cast %parallel_loop3A_168 : vector<1x16xf32> to vector<16xf32>
        %parallel_loop3A_170 = vector.shape_cast %parallel_loop3A_165 : vector<16xf32> to vector<1x16xf32>
        tpu.vector_store %arg11[%parallel_loop3A_166, %parallel_loop3A_167], %parallel_loop3A_170 {strides = array<i32>} : memref<16x1024xf32, #tpu.memory_space<vmem>>, vector<1x16xf32>,
        %parallel_loop3A_171 = arith.index_cast %parallel_loop3A_114 : i32 to index
        %parallel_loop3A_172 = arith.constant 64 : index
        %parallel_loop3A_173 = tpu.vector_load %arg7[%parallel_loop3A_171, %parallel_loop3A_172] {strides = array<i32>} : memref<16x1024xf32, #tpu.memory_space<vmem>>, vector<1x16xf32>,
        %parallel_loop3A_174 = vector.shape_cast %parallel_loop3A_173 : vector<1x16xf32> to vector<16xf32>
        %parallel_loop3A_175 = arith.index_cast %parallel_loop3A_114 : i32 to index
        %parallel_loop3A_176 = arith.constant 64 : index
        %parallel_loop3A_177 = tpu.vector_load %arg9[%parallel_loop3A_175, %parallel_loop3A_176] {strides = array<i32>} : memref<16x1024xf32, #tpu.memory_space<vmem>>, vector<1x16xf32>,
        %parallel_loop3A_178 = vector.shape_cast %parallel_loop3A_177 : vector<1x16xf32> to vector<16xf32>
        %parallel_loop3A_179 = arith.addf %parallel_loop3A_174, %parallel_loop3A_178 : vector<16xf32>
        %parallel_loop3A_180 = arith.index_cast %parallel_loop3A_114 : i32 to index
        %parallel_loop3A_181 = arith.constant 64 : index
        %parallel_loop3A_182 = tpu.vector_load %arg11[%parallel_loop3A_180, %parallel_loop3A_181] {strides = array<i32>} : memref<16x1024xf32, #tpu.memory_space<vmem>>, vector<1x16xf32>,
        %parallel_loop3A_183 = vector.shape_cast %parallel_loop3A_182 : vector<1x16xf32> to vector<16xf32>
        %parallel_loop3A_184 = vector.shape_cast %parallel_loop3A_179 : vector<16xf32> to vector<1x16xf32>
        tpu.vector_store %arg11[%parallel_loop3A_180, %parallel_loop3A_181], %parallel_loop3A_184 {strides = array<i32>} : memref<16x1024xf32, #tpu.memory_space<vmem>>, vector<1x16xf32>,
        %parallel_loop3A_185 = arith.index_cast %parallel_loop3A_114 : i32 to index
        %parallel_loop3A_186 = arith.constant 80 : index
        %parallel_loop3A_187 = tpu.vector_load %arg7[%parallel_loop3A_185, %parallel_loop3A_186] {strides = array<i32>} : memref<16x1024xf32, #tpu.memory_space<vmem>>, vector<1x16xf32>,
        %parallel_loop3A_188 = vector.shape_cast %parallel_loop3A_187 : vector<1x16xf32> to vector<16xf32>
        %parallel_loop3A_189 = arith.index_cast %parallel_loop3A_114 : i32 to index
        %parallel_loop3A_190 = arith.constant 80 : index
        %parallel_loop3A_191 = tpu.vector_load %arg9[%parallel_loop3A_189, %parallel_loop3A_190] {strides = array<i32>} : memref<16x1024xf32, #tpu.memory_space<vmem>>, vector<1x16xf32>,
        %parallel_loop3A_192 = vector.shape_cast %parallel_loop3A_191 : vector<1x16xf32> to vector<16xf32>
        %parallel_loop3A_193 = arith.addf %parallel_loop3A_188, %parallel_loop3A_192 : vector<16xf32>
        %parallel_loop3A_194 = arith.index_cast %parallel_loop3A_114 : i32 to index
        %parallel_loop3A_195 = arith.constant 80 : index
        %parallel_loop3A_196 = tpu.vector_load %arg11[%parallel_loop3A_194, %parallel_loop3A_195] {strides = array<i32>} : memref<16x1024xf32, #tpu.memory_space<vmem>>, vector<1x16xf32>,
        %parallel_loop3A_197 = vector.shape_cast %parallel_loop3A_196 : vector<1x16xf32> to vector<16xf32>
        %parallel_loop3A_198 = vector.shape_cast %parallel_loop3A_193 : vector<16xf32> to vector<1x16xf32>
        tpu.vector_store %arg11[%parallel_loop3A_194, %parallel_loop3A_195], %parallel_loop3A_198 {strides = array<i32>} : memref<16x1024xf32, #tpu.memory_space<vmem>>, vector<1x16xf32>,
        %parallel_loop3A_199 = arith.index_cast %parallel_loop3A_114 : i32 to index
        %parallel_loop3A_200 = arith.constant 96 : index
        %parallel_loop3A_201 = tpu.vector_load %arg7[%parallel_loop3A_199, %parallel_loop3A_200] {strides = array<i32>} : memref<16x1024xf32, #tpu.memory_space<vmem>>, vector<1x16xf32>,
        %parallel_loop3A_202 = vector.shape_cast %parallel_loop3A_201 : vector<1x16xf32> to vector<16xf32>
        %parallel_loop3A_203 = arith.index_cast %parallel_loop3A_114 : i32 to index
        %parallel_loop3A_204 = arith.constant 96 : index
        %parallel_loop3A_205 = tpu.vector_load %arg9[%parallel_loop3A_203, %parallel_loop3A_204] {strides = array<i32>} : memref<16x1024xf32, #tpu.memory_space<vmem>>, vector<1x16xf32>,
        %parallel_loop3A_206 = vector.shape_cast %parallel_loop3A_205 : vector<1x16xf32> to vector<16xf32>
        %parallel_loop3A_207 = arith.addf %parallel_loop3A_202, %parallel_loop3A_206 : vector<16xf32>
        %parallel_loop3A_208 = arith.index_cast %parallel_loop3A_114 : i32 to index
        %parallel_loop3A_209 = arith.constant 96 : index
        %parallel_loop3A_210 = tpu.vector_load %arg11[%parallel_loop3A_208, %parallel_loop3A_209] {strides = array<i32>} : memref<16x1024xf32, #tpu.memory_space<vmem>>, vector<1x16xf32>,
        %parallel_loop3A_211 = vector.shape_cast %parallel_loop3A_210 : vector<1x16xf32> to vector<16xf32>
        %parallel_loop3A_212 = vector.shape_cast %parallel_loop3A_207 : vector<16xf32> to vector<1x16xf32>
        tpu.vector_store %arg11[%parallel_loop3A_208, %parallel_loop3A_209], %parallel_loop3A_212 {strides = array<i32>} : memref<16x1024xf32, #tpu.memory_space<vmem>>, vector<1x16xf32>,
        %parallel_loop3A_213 = arith.index_cast %parallel_loop3A_114 : i32 to index
        %parallel_loop3A_214 = arith.constant 112 : index
        %parallel_loop3A_215 = tpu.vector_load %arg7[%parallel_loop3A_213, %parallel_loop3A_214] {strides = array<i32>} : memref<16x1024xf32, #tpu.memory_space<vmem>>, vector<1x16xf32>,
        %parallel_loop3A_216 = vector.shape_cast %parallel_loop3A_215 : vector<1x16xf32> to vector<16xf32>
        %parallel_loop3A_217 = arith.index_cast %parallel_loop3A_114 : i32 to index
        %parallel_loop3A_218 = arith.constant 112 : index
        %parallel_loop3A_219 = tpu.vector_load %arg9[%parallel_loop3A_217, %parallel_loop3A_218] {strides = array<i32>} : memref<16x1024xf32, #tpu.memory_space<vmem>>, vector<1x16xf32>,
        %parallel_loop3A_220 = vector.shape_cast %parallel_loop3A_219 : vector<1x16xf32> to vector<16xf32>
        %parallel_loop3A_221 = arith.addf %parallel_loop3A_216, %parallel_loop3A_220 : vector<16xf32>
        %parallel_loop3A_222 = arith.index_cast %parallel_loop3A_114 : i32 to index
        %parallel_loop3A_223 = arith.constant 112 : index
        %parallel_loop3A_224 = tpu.vector_load %arg11[%parallel_loop3A_222, %parallel_loop3A_223] {strides = array<i32>} : memref<16x1024xf32, #tpu.memory_space<vmem>>, vector<1x16xf32>,
        %parallel_loop3A_225 = vector.shape_cast %parallel_loop3A_224 : vector<1x16xf32> to vector<16xf32>
        %parallel_loop3A_226 = vector.shape_cast %parallel_loop3A_221 : vector<16xf32> to vector<1x16xf32>
        tpu.vector_store %arg11[%parallel_loop3A_222, %parallel_loop3A_223], %parallel_loop3A_226 {strides = array<i32>} : memref<16x1024xf32, #tpu.memory_space<vmem>>, vector<1x16xf32>,
        %parallel_loop3A_227 = arith.index_cast %parallel_loop3A_114 : i32 to index
        %parallel_loop3A_228 = arith.constant 128 : index
        %parallel_loop3A_229 = tpu.vector_load %arg7[%parallel_loop3A_227, %parallel_loop3A_228] {strides = array<i32>} : memref<16x1024xf32, #tpu.memory_space<vmem>>, vector<1x16xf32>,
        %parallel_loop3A_230 = vector.shape_cast %parallel_loop3A_229 : vector<1x16xf32> to vector<16xf32>
        %parallel_loop3A_231 = arith.index_cast %parallel_loop3A_114 : i32 to index
        %parallel_loop3A_232 = arith.constant 128 : index
        %parallel_loop3A_233 = tpu.vector_load %arg9[%parallel_loop3A_231, %parallel_loop3A_232] {strides = array<i32>} : memref<16x1024xf32, #tpu.memory_space<vmem>>, vector<1x16xf32>,
        %parallel_loop3A_234 = vector.shape_cast %parallel_loop3A_233 : vector<1x16xf32> to vector<16xf32>
        %parallel_loop3A_235 = arith.addf %parallel_loop3A_230, %parallel_loop3A_234 : vector<16xf32>
        %parallel_loop3A_236 = arith.index_cast %parallel_loop3A_114 : i32 to index
        %parallel_loop3A_237 = arith.constant 128 : index
        %parallel_loop3A_238 = tpu.vector_load %arg11[%parallel_loop3A_236, %parallel_loop3A_237] {strides = array<i32>} : memref<16x1024xf32, #tpu.memory_space<vmem>>, vector<1x16xf32>,
        %parallel_loop3A_239 = vector.shape_cast %parallel_loop3A_238 : vector<1x16xf32> to vector<16xf32>
        %parallel_loop3A_240 = vector.shape_cast %parallel_loop3A_235 : vector<16xf32> to vector<1x16xf32>
        tpu.vector_store %arg11[%parallel_loop3A_236, %parallel_loop3A_237], %parallel_loop3A_240 {strides = array<i32>} : memref<16x1024xf32, #tpu.memory_space<vmem>>, vector<1x16xf32>,
        %parallel_loop3A_241 = arith.index_cast %parallel_loop3A_114 : i32 to index
        %parallel_loop3A_242 = arith.constant 144 : index
        %parallel_loop3A_243 = tpu.vector_load %arg7[%parallel_loop3A_241, %parallel_loop3A_242] {strides = array<i32>} : memref<16x1024xf32, #tpu.memory_space<vmem>>, vector<1x16xf32>,
        %parallel_loop3A_244 = vector.shape_cast %parallel_loop3A_243 : vector<1x16xf32> to vector<16xf32>
        %parallel_loop3A_245 = arith.index_cast %parallel_loop3A_114 : i32 to index
        %parallel_loop3A_246 = arith.constant 144 : index
        %parallel_loop3A_247 = tpu.vector_load %arg9[%parallel_loop3A_245, %parallel_loop3A_246] {strides = array<i32>} : memref<16x1024xf32, #tpu.memory_space<vmem>>, vector<1x16xf32>,
        %parallel_loop3A_248 = vector.shape_cast %parallel_loop3A_247 : vector<1x16xf32> to vector<16xf32>
        %parallel_loop3A_249 = arith.addf %parallel_loop3A_244, %parallel_loop3A_248 : vector<16xf32>
        %parallel_loop3A_250 = arith.index_cast %parallel_loop3A_114 : i32 to index
        %parallel_loop3A_251 = arith.constant 144 : index
        %parallel_loop3A_252 = tpu.vector_load %arg11[%parallel_loop3A_250, %parallel_loop3A_251] {strides = array<i32>} : memref<16x1024xf32, #tpu.memory_space<vmem>>, vector<1x16xf32>,
        %parallel_loop3A_253 = vector.shape_cast %parallel_loop3A_252 : vector<1x16xf32> to vector<16xf32>
        %parallel_loop3A_254 = vector.shape_cast %parallel_loop3A_249 : vector<16xf32> to vector<1x16xf32>
        tpu.vector_store %arg11[%parallel_loop3A_250, %parallel_loop3A_251], %parallel_loop3A_254 {strides = array<i32>} : memref<16x1024xf32, #tpu.memory_space<vmem>>, vector<1x16xf32>,
        %parallel_loop3A_255 = arith.index_cast %parallel_loop3A_114 : i32 to index
        %parallel_loop3A_256 = arith.constant 160 : index
        %parallel_loop3A_257 = tpu.vector_load %arg7[%parallel_loop3A_255, %parallel_loop3A_256] {strides = array<i32>} : memref<16x1024xf32, #tpu.memory_space<vmem>>, vector<1x16xf32>,
        %parallel_loop3A_258 = vector.shape_cast %parallel_loop3A_257 : vector<1x16xf32> to vector<16xf32>
        %parallel_loop3A_259 = arith.index_cast %parallel_loop3A_114 : i32 to index
        %parallel_loop3A_260 = arith.constant 160 : index
        %parallel_loop3A_261 = tpu.vector_load %arg9[%parallel_loop3A_259, %parallel_loop3A_260] {strides = array<i32>} : memref<16x1024xf32, #tpu.memory_space<vmem>>, vector<1x16xf32>,
        %parallel_loop3A_262 = vector.shape_cast %parallel_loop3A_261 : vector<1x16xf32> to vector<16xf32>
        %parallel_loop3A_263 = arith.addf %parallel_loop3A_258, %parallel_loop3A_262 : vector<16xf32>
        %parallel_loop3A_264 = arith.index_cast %parallel_loop3A_114 : i32 to index
        %parallel_loop3A_265 = arith.constant 160 : index
        %parallel_loop3A_266 = tpu.vector_load %arg11[%parallel_loop3A_264, %parallel_loop3A_265] {strides = array<i32>} : memref<16x1024xf32, #tpu.memory_space<vmem>>, vector<1x16xf32>,
        %parallel_loop3A_267 = vector.shape_cast %parallel_loop3A_266 : vector<1x16xf32> to vector<16xf32>
        %parallel_loop3A_268 = vector.shape_cast %parallel_loop3A_263 : vector<16xf32> to vector<1x16xf32>
        tpu.vector_store %arg11[%parallel_loop3A_264, %parallel_loop3A_265], %parallel_loop3A_268 {strides = array<i32>} : memref<16x1024xf32, #tpu.memory_space<vmem>>, vector<1x16xf32>,
        %parallel_loop3A_269 = arith.index_cast %parallel_loop3A_114 : i32 to index
        %parallel_loop3A_270 = arith.constant 176 : index
        %parallel_loop3A_271 = tpu.vector_load %arg7[%parallel_loop3A_269, %parallel_loop3A_270] {strides = array<i32>} : memref<16x1024xf32, #tpu.memory_space<vmem>>, vector<1x16xf32>,
        %parallel_loop3A_272 = vector.shape_cast %parallel_loop3A_271 : vector<1x16xf32> to vector<16xf32>
        %parallel_loop3A_273 = arith.index_cast %parallel_loop3A_114 : i32 to index
        %parallel_loop3A_274 = arith.constant 176 : index
        %parallel_loop3A_275 = tpu.vector_load %arg9[%parallel_loop3A_273, %parallel_loop3A_274] {strides = array<i32>} : memref<16x1024xf32, #tpu.memory_space<vmem>>, vector<1x16xf32>,
        %parallel_loop3A_276 = vector.shape_cast %parallel_loop3A_275 : vector<1x16xf32> to vector<16xf32>
        %parallel_loop3A_277 = arith.addf %parallel_loop3A_272, %parallel_loop3A_276 : vector<16xf32>
        %parallel_loop3A_278 = arith.index_cast %parallel_loop3A_114 : i32 to index
        %parallel_loop3A_279 = arith.constant 176 : index
        %parallel_loop3A_280 = tpu.vector_load %arg11[%parallel_loop3A_278, %parallel_loop3A_279] {strides = array<i32>} : memref<16x1024xf32, #tpu.memory_space<vmem>>, vector<1x16xf32>,
        %parallel_loop3A_281 = vector.shape_cast %parallel_loop3A_280 : vector<1x16xf32> to vector<16xf32>
        %parallel_loop3A_282 = vector.shape_cast %parallel_loop3A_277 : vector<16xf32> to vector<1x16xf32>
        tpu.vector_store %arg11[%parallel_loop3A_278, %parallel_loop3A_279], %parallel_loop3A_282 {strides = array<i32>} : memref<16x1024xf32, #tpu.memory_space<vmem>>, vector<1x16xf32>,
        %parallel_loop3A_283 = arith.index_cast %parallel_loop3A_114 : i32 to index
        %parallel_loop3A_284 = arith.constant 192 : index
        %parallel_loop3A_285 = tpu.vector_load %arg7[%parallel_loop3A_283, %parallel_loop3A_284] {strides = array<i32>} : memref<16x1024xf32, #tpu.memory_space<vmem>>, vector<1x16xf32>,
        %parallel_loop3A_286 = vector.shape_cast %parallel_loop3A_285 : vector<1x16xf32> to vector<16xf32>
        %parallel_loop3A_287 = arith.index_cast %parallel_loop3A_114 : i32 to index
        %parallel_loop3A_288 = arith.constant 192 : index
        %parallel_loop3A_289 = tpu.vector_load %arg9[%parallel_loop3A_287, %parallel_loop3A_288] {strides = array<i32>} : memref<16x1024xf32, #tpu.memory_space<vmem>>, vector<1x16xf32>,
        %parallel_loop3A_290 = vector.shape_cast %parallel_loop3A_289 : vector<1x16xf32> to vector<16xf32>
        %parallel_loop3A_291 = arith.addf %parallel_loop3A_286, %parallel_loop3A_290 : vector<16xf32>
        %parallel_loop3A_292 = arith.index_cast %parallel_loop3A_114 : i32 to index
        %parallel_loop3A_293 = arith.constant 192 : index
        %parallel_loop3A_294 = tpu.vector_load %arg11[%parallel_loop3A_292, %parallel_loop3A_293] {strides = array<i32>} : memref<16x1024xf32, #tpu.memory_space<vmem>>, vector<1x16xf32>,
        %parallel_loop3A_295 = vector.shape_cast %parallel_loop3A_294 : vector<1x16xf32> to vector<16xf32>
        %parallel_loop3A_296 = vector.shape_cast %parallel_loop3A_291 : vector<16xf32> to vector<1x16xf32>
        tpu.vector_store %arg11[%parallel_loop3A_292, %parallel_loop3A_293], %parallel_loop3A_296 {strides = array<i32>} : memref<16x1024xf32, #tpu.memory_space<vmem>>, vector<1x16xf32>,
        %parallel_loop3A_297 = arith.index_cast %parallel_loop3A_114 : i32 to index
        %parallel_loop3A_298 = arith.constant 208 : index
        %parallel_loop3A_299 = tpu.vector_load %arg7[%parallel_loop3A_297, %parallel_loop3A_298] {strides = array<i32>} : memref<16x1024xf32, #tpu.memory_space<vmem>>, vector<1x16xf32>,
        %parallel_loop3A_300 = vector.shape_cast %parallel_loop3A_299 : vector<1x16xf32> to vector<16xf32>
        %parallel_loop3A_301 = arith.index_cast %parallel_loop3A_114 : i32 to index
        %parallel_loop3A_302 = arith.constant 208 : index
        %parallel_loop3A_303 = tpu.vector_load %arg9[%parallel_loop3A_301, %parallel_loop3A_302] {strides = array<i32>} : memref<16x1024xf32, #tpu.memory_space<vmem>>, vector<1x16xf32>,
        %parallel_loop3A_304 = vector.shape_cast %parallel_loop3A_303 : vector<1x16xf32> to vector<16xf32>
        %parallel_loop3A_305 = arith.addf %parallel_loop3A_300, %parallel_loop3A_304 : vector<16xf32>
        %parallel_loop3A_306 = arith.index_cast %parallel_loop3A_114 : i32 to index
        %parallel_loop3A_307 = arith.constant 208 : index
        %parallel_loop3A_308 = tpu.vector_load %arg11[%parallel_loop3A_306, %parallel_loop3A_307] {strides = array<i32>} : memref<16x1024xf32, #tpu.memory_space<vmem>>, vector<1x16xf32>,
        %parallel_loop3A_309 = vector.shape_cast %parallel_loop3A_308 : vector<1x16xf32> to vector<16xf32>
        %parallel_loop3A_310 = vector.shape_cast %parallel_loop3A_305 : vector<16xf32> to vector<1x16xf32>
        tpu.vector_store %arg11[%parallel_loop3A_306, %parallel_loop3A_307], %parallel_loop3A_310 {strides = array<i32>} : memref<16x1024xf32, #tpu.memory_space<vmem>>, vector<1x16xf32>,
        %parallel_loop3A_311 = arith.index_cast %parallel_loop3A_114 : i32 to index
        %parallel_loop3A_312 = arith.constant 224 : index
        %parallel_loop3A_313 = tpu.vector_load %arg7[%parallel_loop3A_311, %parallel_loop3A_312] {strides = array<i32>} : memref<16x1024xf32, #tpu.memory_space<vmem>>, vector<1x16xf32>,
        %parallel_loop3A_314 = vector.shape_cast %parallel_loop3A_313 : vector<1x16xf32> to vector<16xf32>
        %parallel_loop3A_315 = arith.index_cast %parallel_loop3A_114 : i32 to index
        %parallel_loop3A_316 = arith.constant 224 : index
        %parallel_loop3A_317 = tpu.vector_load %arg9[%parallel_loop3A_315, %parallel_loop3A_316] {strides = array<i32>} : memref<16x1024xf32, #tpu.memory_space<vmem>>, vector<1x16xf32>,
        %parallel_loop3A_318 = vector.shape_cast %parallel_loop3A_317 : vector<1x16xf32> to vector<16xf32>
        %parallel_loop3A_319 = arith.addf %parallel_loop3A_314, %parallel_loop3A_318 : vector<16xf32>
        %parallel_loop3A_320 = arith.index_cast %parallel_loop3A_114 : i32 to index
        %parallel_loop3A_321 = arith.constant 224 : index
        %parallel_loop3A_322 = tpu.vector_load %arg11[%parallel_loop3A_320, %parallel_loop3A_321] {strides = array<i32>} : memref<16x1024xf32, #tpu.memory_space<vmem>>, vector<1x16xf32>,
        %parallel_loop3A_323 = vector.shape_cast %parallel_loop3A_322 : vector<1x16xf32> to vector<16xf32>
        %parallel_loop3A_324 = vector.shape_cast %parallel_loop3A_319 : vector<16xf32> to vector<1x16xf32>
        tpu.vector_store %arg11[%parallel_loop3A_320, %parallel_loop3A_321], %parallel_loop3A_324 {strides = array<i32>} : memref<16x1024xf32, #tpu.memory_space<vmem>>, vector<1x16xf32>,
        %parallel_loop3A_325 = arith.index_cast %parallel_loop3A_114 : i32 to index
        %parallel_loop3A_326 = arith.constant 240 : index
        %parallel_loop3A_327 = tpu.vector_load %arg7[%parallel_loop3A_325, %parallel_loop3A_326] {strides = array<i32>} : memref<16x1024xf32, #tpu.memory_space<vmem>>, vector<1x16xf32>,
        %parallel_loop3A_328 = vector.shape_cast %parallel_loop3A_327 : vector<1x16xf32> to vector<16xf32>
        %parallel_loop3A_329 = arith.index_cast %parallel_loop3A_114 : i32 to index
        %parallel_loop3A_330 = arith.constant 240 : index
        %parallel_loop3A_331 = tpu.vector_load %arg9[%parallel_loop3A_329, %parallel_loop3A_330] {strides = array<i32>} : memref<16x1024xf32, #tpu.memory_space<vmem>>, vector<1x16xf32>,
        %parallel_loop3A_332 = vector.shape_cast %parallel_loop3A_331 : vector<1x16xf32> to vector<16xf32>
        %parallel_loop3A_333 = arith.addf %parallel_loop3A_328, %parallel_loop3A_332 : vector<16xf32>
        %parallel_loop3A_334 = arith.index_cast %parallel_loop3A_114 : i32 to index
        %parallel_loop3A_335 = arith.constant 240 : index
        %parallel_loop3A_336 = tpu.vector_load %arg11[%parallel_loop3A_334, %parallel_loop3A_335] {strides = array<i32>} : memref<16x1024xf32, #tpu.memory_space<vmem>>, vector<1x16xf32>,
        %parallel_loop3A_337 = vector.shape_cast %parallel_loop3A_336 : vector<1x16xf32> to vector<16xf32>
        %parallel_loop3A_338 = vector.shape_cast %parallel_loop3A_333 : vector<16xf32> to vector<1x16xf32>
        tpu.vector_store %arg11[%parallel_loop3A_334, %parallel_loop3A_335], %parallel_loop3A_338 {strides = array<i32>} : memref<16x1024xf32, #tpu.memory_space<vmem>>, vector<1x16xf32>,
        %parallel_loop3A_339 = arith.index_cast %parallel_loop3A_114 : i32 to index
        %parallel_loop3A_340 = arith.constant 256 : index
        %parallel_loop3A_341 = tpu.vector_load %arg7[%parallel_loop3A_339, %parallel_loop3A_340] {strides = array<i32>} : memref<16x1024xf32, #tpu.memory_space<vmem>>, vector<1x16xf32>,
        %parallel_loop3A_342 = vector.shape_cast %parallel_loop3A_341 : vector<1x16xf32> to vector<16xf32>
        %parallel_loop3A_343 = arith.index_cast %parallel_loop3A_114 : i32 to index
        %parallel_loop3A_344 = arith.constant 256 : index
        %parallel_loop3A_345 = tpu.vector_load %arg9[%parallel_loop3A_343, %parallel_loop3A_344] {strides = array<i32>} : memref<16x1024xf32, #tpu.memory_space<vmem>>, vector<1x16xf32>,
        %parallel_loop3A_346 = vector.shape_cast %parallel_loop3A_345 : vector<1x16xf32> to vector<16xf32>
        %parallel_loop3A_347 = arith.addf %parallel_loop3A_342, %parallel_loop3A_346 : vector<16xf32>
        %parallel_loop3A_348 = arith.index_cast %parallel_loop3A_114 : i32 to index
        %parallel_loop3A_349 = arith.constant 256 : index
        %parallel_loop3A_350 = tpu.vector_load %arg11[%parallel_loop3A_348, %parallel_loop3A_349] {strides = array<i32>} : memref<16x1024xf32, #tpu.memory_space<vmem>>, vector<1x16xf32>,
        %parallel_loop3A_351 = vector.shape_cast %parallel_loop3A_350 : vector<1x16xf32> to vector<16xf32>
        %parallel_loop3A_352 = vector.shape_cast %parallel_loop3A_347 : vector<16xf32> to vector<1x16xf32>
        tpu.vector_store %arg11[%parallel_loop3A_348, %parallel_loop3A_349], %parallel_loop3A_352 {strides = array<i32>} : memref<16x1024xf32, #tpu.memory_space<vmem>>, vector<1x16xf32>,
        %parallel_loop3A_353 = arith.index_cast %parallel_loop3A_114 : i32 to index
        %parallel_loop3A_354 = arith.constant 272 : index
        %parallel_loop3A_355 = tpu.vector_load %arg7[%parallel_loop3A_353, %parallel_loop3A_354] {strides = array<i32>} : memref<16x1024xf32, #tpu.memory_space<vmem>>, vector<1x16xf32>,
        %parallel_loop3A_356 = vector.shape_cast %parallel_loop3A_355 : vector<1x16xf32> to vector<16xf32>
        %parallel_loop3A_357 = arith.index_cast %parallel_loop3A_114 : i32 to index
        %parallel_loop3A_358 = arith.constant 272 : index
        %parallel_loop3A_359 = tpu.vector_load %arg9[%parallel_loop3A_357, %parallel_loop3A_358] {strides = array<i32>} : memref<16x1024xf32, #tpu.memory_space<vmem>>, vector<1x16xf32>,
        %parallel_loop3A_360 = vector.shape_cast %parallel_loop3A_359 : vector<1x16xf32> to vector<16xf32>
        %parallel_loop3A_361 = arith.addf %parallel_loop3A_356, %parallel_loop3A_360 : vector<16xf32>
        %parallel_loop3A_362 = arith.index_cast %parallel_loop3A_114 : i32 to index
        %parallel_loop3A_363 = arith.constant 272 : index
        %parallel_loop3A_364 = tpu.vector_load %arg11[%parallel_loop3A_362, %parallel_loop3A_363] {strides = array<i32>} : memref<16x1024xf32, #tpu.memory_space<vmem>>, vector<1x16xf32>,
        %parallel_loop3A_365 = vector.shape_cast %parallel_loop3A_364 : vector<1x16xf32> to vector<16xf32>
        %parallel_loop3A_366 = vector.shape_cast %parallel_loop3A_361 : vector<16xf32> to vector<1x16xf32>
        tpu.vector_store %arg11[%parallel_loop3A_362, %parallel_loop3A_363], %parallel_loop3A_366 {strides = array<i32>} : memref<16x1024xf32, #tpu.memory_space<vmem>>, vector<1x16xf32>,
        %parallel_loop3A_367 = arith.index_cast %parallel_loop3A_114 : i32 to index
        %parallel_loop3A_368 = arith.constant 288 : index
        %parallel_loop3A_369 = tpu.vector_load %arg7[%parallel_loop3A_367, %parallel_loop3A_368] {strides = array<i32>} : memref<16x1024xf32, #tpu.memory_space<vmem>>, vector<1x16xf32>,
        %parallel_loop3A_370 = vector.shape_cast %parallel_loop3A_369 : vector<1x16xf32> to vector<16xf32>
        %parallel_loop3A_371 = arith.index_cast %parallel_loop3A_114 : i32 to index
        %parallel_loop3A_372 = arith.constant 288 : index
        %parallel_loop3A_373 = tpu.vector_load %arg9[%parallel_loop3A_371, %parallel_loop3A_372] {strides = array<i32>} : memref<16x1024xf32, #tpu.memory_space<vmem>>, vector<1x16xf32>,
        %parallel_loop3A_374 = vector.shape_cast %parallel_loop3A_373 : vector<1x16xf32> to vector<16xf32>
        %parallel_loop3A_375 = arith.addf %parallel_loop3A_370, %parallel_loop3A_374 : vector<16xf32>
        %parallel_loop3A_376 = arith.index_cast %parallel_loop3A_114 : i32 to index
        %parallel_loop3A_377 = arith.constant 288 : index
        %parallel_loop3A_378 = tpu.vector_load %arg11[%parallel_loop3A_376, %parallel_loop3A_377] {strides = array<i32>} : memref<16x1024xf32, #tpu.memory_space<vmem>>, vector<1x16xf32>,
        %parallel_loop3A_379 = vector.shape_cast %parallel_loop3A_378 : vector<1x16xf32> to vector<16xf32>
        %parallel_loop3A_380 = vector.shape_cast %parallel_loop3A_375 : vector<16xf32> to vector<1x16xf32>
        tpu.vector_store %arg11[%parallel_loop3A_376, %parallel_loop3A_377], %parallel_loop3A_380 {strides = array<i32>} : memref<16x1024xf32, #tpu.memory_space<vmem>>, vector<1x16xf32>,
        %parallel_loop3A_381 = arith.index_cast %parallel_loop3A_114 : i32 to index
        %parallel_loop3A_382 = arith.constant 304 : index
        %parallel_loop3A_383 = tpu.vector_load %arg7[%parallel_loop3A_381, %parallel_loop3A_382] {strides = array<i32>} : memref<16x1024xf32, #tpu.memory_space<vmem>>, vector<1x16xf32>,
        %parallel_loop3A_384 = vector.shape_cast %parallel_loop3A_383 : vector<1x16xf32> to vector<16xf32>
        %parallel_loop3A_385 = arith.index_cast %parallel_loop3A_114 : i32 to index
        %parallel_loop3A_386 = arith.constant 304 : index
        %parallel_loop3A_387 = tpu.vector_load %arg9[%parallel_loop3A_385, %parallel_loop3A_386] {strides = array<i32>} : memref<16x1024xf32, #tpu.memory_space<vmem>>, vector<1x16xf32>,
        %parallel_loop3A_388 = vector.shape_cast %parallel_loop3A_387 : vector<1x16xf32> to vector<16xf32>
        %parallel_loop3A_389 = arith.addf %parallel_loop3A_384, %parallel_loop3A_388 : vector<16xf32>
        %parallel_loop3A_390 = arith.index_cast %parallel_loop3A_114 : i32 to index
        %parallel_loop3A_391 = arith.constant 304 : index
        %parallel_loop3A_392 = tpu.vector_load %arg11[%parallel_loop3A_390, %parallel_loop3A_391] {strides = array<i32>} : memref<16x1024xf32, #tpu.memory_space<vmem>>, vector<1x16xf32>,
        %parallel_loop3A_393 = vector.shape_cast %parallel_loop3A_392 : vector<1x16xf32> to vector<16xf32>
        %parallel_loop3A_394 = vector.shape_cast %parallel_loop3A_389 : vector<16xf32> to vector<1x16xf32>
        tpu.vector_store %arg11[%parallel_loop3A_390, %parallel_loop3A_391], %parallel_loop3A_394 {strides = array<i32>} : memref<16x1024xf32, #tpu.memory_space<vmem>>, vector<1x16xf32>,
        %parallel_loop3A_395 = arith.index_cast %parallel_loop3A_114 : i32 to index
        %parallel_loop3A_396 = arith.constant 320 : index
        %parallel_loop3A_397 = tpu.vector_load %arg7[%parallel_loop3A_395, %parallel_loop3A_396] {strides = array<i32>} : memref<16x1024xf32, #tpu.memory_space<vmem>>, vector<1x16xf32>,
        %parallel_loop3A_398 = vector.shape_cast %parallel_loop3A_397 : vector<1x16xf32> to vector<16xf32>
        %parallel_loop3A_399 = arith.index_cast %parallel_loop3A_114 : i32 to index
        %parallel_loop3A_400 = arith.constant 320 : index
        %parallel_loop3A_401 = tpu.vector_load %arg9[%parallel_loop3A_399, %parallel_loop3A_400] {strides = array<i32>} : memref<16x1024xf32, #tpu.memory_space<vmem>>, vector<1x16xf32>,
        %parallel_loop3A_402 = vector.shape_cast %parallel_loop3A_401 : vector<1x16xf32> to vector<16xf32>
        %parallel_loop3A_403 = arith.addf %parallel_loop3A_398, %parallel_loop3A_402 : vector<16xf32>
        %parallel_loop3A_404 = arith.index_cast %parallel_loop3A_114 : i32 to index
        %parallel_loop3A_405 = arith.constant 320 : index
        %parallel_loop3A_406 = tpu.vector_load %arg11[%parallel_loop3A_404, %parallel_loop3A_405] {strides = array<i32>} : memref<16x1024xf32, #tpu.memory_space<vmem>>, vector<1x16xf32>,
        %parallel_loop3A_407 = vector.shape_cast %parallel_loop3A_406 : vector<1x16xf32> to vector<16xf32>
        %parallel_loop3A_408 = vector.shape_cast %parallel_loop3A_403 : vector<16xf32> to vector<1x16xf32>
        tpu.vector_store %arg11[%parallel_loop3A_404, %parallel_loop3A_405], %parallel_loop3A_408 {strides = array<i32>} : memref<16x1024xf32, #tpu.memory_space<vmem>>, vector<1x16xf32>,
        %parallel_loop3A_409 = arith.index_cast %parallel_loop3A_114 : i32 to index
        %parallel_loop3A_410 = arith.constant 336 : index
        %parallel_loop3A_411 = tpu.vector_load %arg7[%parallel_loop3A_409, %parallel_loop3A_410] {strides = array<i32>} : memref<16x1024xf32, #tpu.memory_space<vmem>>, vector<1x16xf32>,
        %parallel_loop3A_412 = vector.shape_cast %parallel_loop3A_411 : vector<1x16xf32> to vector<16xf32>
        %parallel_loop3A_413 = arith.index_cast %parallel_loop3A_114 : i32 to index
        %parallel_loop3A_414 = arith.constant 336 : index
        %parallel_loop3A_415 = tpu.vector_load %arg9[%parallel_loop3A_413, %parallel_loop3A_414] {strides = array<i32>} : memref<16x1024xf32, #tpu.memory_space<vmem>>, vector<1x16xf32>,
        %parallel_loop3A_416 = vector.shape_cast %parallel_loop3A_415 : vector<1x16xf32> to vector<16xf32>
        %parallel_loop3A_417 = arith.addf %parallel_loop3A_412, %parallel_loop3A_416 : vector<16xf32>
        %parallel_loop3A_418 = arith.index_cast %parallel_loop3A_114 : i32 to index
        %parallel_loop3A_419 = arith.constant 336 : index
        %parallel_loop3A_420 = tpu.vector_load %arg11[%parallel_loop3A_418, %parallel_loop3A_419] {strides = array<i32>} : memref<16x1024xf32, #tpu.memory_space<vmem>>, vector<1x16xf32>,
        %parallel_loop3A_421 = vector.shape_cast %parallel_loop3A_420 : vector<1x16xf32> to vector<16xf32>
        %parallel_loop3A_422 = vector.shape_cast %parallel_loop3A_417 : vector<16xf32> to vector<1x16xf32>
        tpu.vector_store %arg11[%parallel_loop3A_418, %parallel_loop3A_419], %parallel_loop3A_422 {strides = array<i32>} : memref<16x1024xf32, #tpu.memory_space<vmem>>, vector<1x16xf32>,
        %parallel_loop3A_423 = arith.index_cast %parallel_loop3A_114 : i32 to index
        %parallel_loop3A_424 = arith.constant 352 : index
        %parallel_loop3A_425 = tpu.vector_load %arg7[%parallel_loop3A_423, %parallel_loop3A_424] {strides = array<i32>} : memref<16x1024xf32, #tpu.memory_space<vmem>>, vector<1x16xf32>,
        %parallel_loop3A_426 = vector.shape_cast %parallel_loop3A_425 : vector<1x16xf32> to vector<16xf32>
        %parallel_loop3A_427 = arith.index_cast %parallel_loop3A_114 : i32 to index
        %parallel_loop3A_428 = arith.constant 352 : index
        %parallel_loop3A_429 = tpu.vector_load %arg9[%parallel_loop3A_427, %parallel_loop3A_428] {strides = array<i32>} : memref<16x1024xf32, #tpu.memory_space<vmem>>, vector<1x16xf32>,
        %parallel_loop3A_430 = vector.shape_cast %parallel_loop3A_429 : vector<1x16xf32> to vector<16xf32>
        %parallel_loop3A_431 = arith.addf %parallel_loop3A_426, %parallel_loop3A_430 : vector<16xf32>
        %parallel_loop3A_432 = arith.index_cast %parallel_loop3A_114 : i32 to index
        %parallel_loop3A_433 = arith.constant 352 : index
        %parallel_loop3A_434 = tpu.vector_load %arg11[%parallel_loop3A_432, %parallel_loop3A_433] {strides = array<i32>} : memref<16x1024xf32, #tpu.memory_space<vmem>>, vector<1x16xf32>,
        %parallel_loop3A_435 = vector.shape_cast %parallel_loop3A_434 : vector<1x16xf32> to vector<16xf32>
        %parallel_loop3A_436 = vector.shape_cast %parallel_loop3A_431 : vector<16xf32> to vector<1x16xf32>
        tpu.vector_store %arg11[%parallel_loop3A_432, %parallel_loop3A_433], %parallel_loop3A_436 {strides = array<i32>} : memref<16x1024xf32, #tpu.memory_space<vmem>>, vector<1x16xf32>,
        %parallel_loop3A_437 = arith.index_cast %parallel_loop3A_114 : i32 to index
        %parallel_loop3A_438 = arith.constant 368 : index
        %parallel_loop3A_439 = tpu.vector_load %arg7[%parallel_loop3A_437, %parallel_loop3A_438] {strides = array<i32>} : memref<16x1024xf32, #tpu.memory_space<vmem>>, vector<1x16xf32>,
        %parallel_loop3A_440 = vector.shape_cast %parallel_loop3A_439 : vector<1x16xf32> to vector<16xf32>
        %parallel_loop3A_441 = arith.index_cast %parallel_loop3A_114 : i32 to index
        %parallel_loop3A_442 = arith.constant 368 : index
        %parallel_loop3A_443 = tpu.vector_load %arg9[%parallel_loop3A_441, %parallel_loop3A_442] {strides = array<i32>} : memref<16x1024xf32, #tpu.memory_space<vmem>>, vector<1x16xf32>,
        %parallel_loop3A_444 = vector.shape_cast %parallel_loop3A_443 : vector<1x16xf32> to vector<16xf32>
        %parallel_loop3A_445 = arith.addf %parallel_loop3A_440, %parallel_loop3A_444 : vector<16xf32>
        %parallel_loop3A_446 = arith.index_cast %parallel_loop3A_114 : i32 to index
        %parallel_loop3A_447 = arith.constant 368 : index
        %parallel_loop3A_448 = tpu.vector_load %arg11[%parallel_loop3A_446, %parallel_loop3A_447] {strides = array<i32>} : memref<16x1024xf32, #tpu.memory_space<vmem>>, vector<1x16xf32>,
        %parallel_loop3A_449 = vector.shape_cast %parallel_loop3A_448 : vector<1x16xf32> to vector<16xf32>
        %parallel_loop3A_450 = vector.shape_cast %parallel_loop3A_445 : vector<16xf32> to vector<1x16xf32>
        tpu.vector_store %arg11[%parallel_loop3A_446, %parallel_loop3A_447], %parallel_loop3A_450 {strides = array<i32>} : memref<16x1024xf32, #tpu.memory_space<vmem>>, vector<1x16xf32>,
        %parallel_loop3A_451 = arith.index_cast %parallel_loop3A_114 : i32 to index
        %parallel_loop3A_452 = arith.constant 384 : index
        %parallel_loop3A_453 = tpu.vector_load %arg7[%parallel_loop3A_451, %parallel_loop3A_452] {strides = array<i32>} : memref<16x1024xf32, #tpu.memory_space<vmem>>, vector<1x16xf32>,
        %parallel_loop3A_454 = vector.shape_cast %parallel_loop3A_453 : vector<1x16xf32> to vector<16xf32>
        %parallel_loop3A_455 = arith.index_cast %parallel_loop3A_114 : i32 to index
        %parallel_loop3A_456 = arith.constant 384 : index
        %parallel_loop3A_457 = tpu.vector_load %arg9[%parallel_loop3A_455, %parallel_loop3A_456] {strides = array<i32>} : memref<16x1024xf32, #tpu.memory_space<vmem>>, vector<1x16xf32>,
        %parallel_loop3A_458 = vector.shape_cast %parallel_loop3A_457 : vector<1x16xf32> to vector<16xf32>
        %parallel_loop3A_459 = arith.addf %parallel_loop3A_454, %parallel_loop3A_458 : vector<16xf32>
        %parallel_loop3A_460 = arith.index_cast %parallel_loop3A_114 : i32 to index
        %parallel_loop3A_461 = arith.constant 384 : index
        %parallel_loop3A_462 = tpu.vector_load %arg11[%parallel_loop3A_460, %parallel_loop3A_461] {strides = array<i32>} : memref<16x1024xf32, #tpu.memory_space<vmem>>, vector<1x16xf32>,
        %parallel_loop3A_463 = vector.shape_cast %parallel_loop3A_462 : vector<1x16xf32> to vector<16xf32>
        %parallel_loop3A_464 = vector.shape_cast %parallel_loop3A_459 : vector<16xf32> to vector<1x16xf32>
        tpu.vector_store %arg11[%parallel_loop3A_460, %parallel_loop3A_461], %parallel_loop3A_464 {strides = array<i32>} : memref<16x1024xf32, #tpu.memory_space<vmem>>, vector<1x16xf32>,
        %parallel_loop3A_465 = arith.index_cast %parallel_loop3A_114 : i32 to index
        %parallel_loop3A_466 = arith.constant 400 : index
        %parallel_loop3A_467 = tpu.vector_load %arg7[%parallel_loop3A_465, %parallel_loop3A_466] {strides = array<i32>} : memref<16x1024xf32, #tpu.memory_space<vmem>>, vector<1x16xf32>,
        %parallel_loop3A_468 = vector.shape_cast %parallel_loop3A_467 : vector<1x16xf32> to vector<16xf32>
        %parallel_loop3A_469 = arith.index_cast %parallel_loop3A_114 : i32 to index
        %parallel_loop3A_470 = arith.constant 400 : index
        %parallel_loop3A_471 = tpu.vector_load %arg9[%parallel_loop3A_469, %parallel_loop3A_470] {strides = array<i32>} : memref<16x1024xf32, #tpu.memory_space<vmem>>, vector<1x16xf32>,
        %parallel_loop3A_472 = vector.shape_cast %parallel_loop3A_471 : vector<1x16xf32> to vector<16xf32>
        %parallel_loop3A_473 = arith.addf %parallel_loop3A_468, %parallel_loop3A_472 : vector<16xf32>
        %parallel_loop3A_474 = arith.index_cast %parallel_loop3A_114 : i32 to index
        %parallel_loop3A_475 = arith.constant 400 : index
        %parallel_loop3A_476 = tpu.vector_load %arg11[%parallel_loop3A_474, %parallel_loop3A_475] {strides = array<i32>} : memref<16x1024xf32, #tpu.memory_space<vmem>>, vector<1x16xf32>,
        %parallel_loop3A_477 = vector.shape_cast %parallel_loop3A_476 : vector<1x16xf32> to vector<16xf32>
        %parallel_loop3A_478 = vector.shape_cast %parallel_loop3A_473 : vector<16xf32> to vector<1x16xf32>
        tpu.vector_store %arg11[%parallel_loop3A_474, %parallel_loop3A_475], %parallel_loop3A_478 {strides = array<i32>} : memref<16x1024xf32, #tpu.memory_space<vmem>>, vector<1x16xf32>,
        %parallel_loop3A_479 = arith.index_cast %parallel_loop3A_114 : i32 to index
        %parallel_loop3A_480 = arith.constant 416 : index
        %parallel_loop3A_481 = tpu.vector_load %arg7[%parallel_loop3A_479, %parallel_loop3A_480] {strides = array<i32>} : memref<16x1024xf32, #tpu.memory_space<vmem>>, vector<1x16xf32>,
        %parallel_loop3A_482 = vector.shape_cast %parallel_loop3A_481 : vector<1x16xf32> to vector<16xf32>
        %parallel_loop3A_483 = arith.index_cast %parallel_loop3A_114 : i32 to index
        %parallel_loop3A_484 = arith.constant 416 : index
        %parallel_loop3A_485 = tpu.vector_load %arg9[%parallel_loop3A_483, %parallel_loop3A_484] {strides = array<i32>} : memref<16x1024xf32, #tpu.memory_space<vmem>>, vector<1x16xf32>,
        %parallel_loop3A_486 = vector.shape_cast %parallel_loop3A_485 : vector<1x16xf32> to vector<16xf32>
        %parallel_loop3A_487 = arith.addf %parallel_loop3A_482, %parallel_loop3A_486 : vector<16xf32>
        %parallel_loop3A_488 = arith.index_cast %parallel_loop3A_114 : i32 to index
        %parallel_loop3A_489 = arith.constant 416 : index
        %parallel_loop3A_490 = tpu.vector_load %arg11[%parallel_loop3A_488, %parallel_loop3A_489] {strides = array<i32>} : memref<16x1024xf32, #tpu.memory_space<vmem>>, vector<1x16xf32>,
        %parallel_loop3A_491 = vector.shape_cast %parallel_loop3A_490 : vector<1x16xf32> to vector<16xf32>
        %parallel_loop3A_492 = vector.shape_cast %parallel_loop3A_487 : vector<16xf32> to vector<1x16xf32>
        tpu.vector_store %arg11[%parallel_loop3A_488, %parallel_loop3A_489], %parallel_loop3A_492 {strides = array<i32>} : memref<16x1024xf32, #tpu.memory_space<vmem>>, vector<1x16xf32>,
        %parallel_loop3A_493 = arith.index_cast %parallel_loop3A_114 : i32 to index
        %parallel_loop3A_494 = arith.constant 432 : index
        %parallel_loop3A_495 = tpu.vector_load %arg7[%parallel_loop3A_493, %parallel_loop3A_494] {strides = array<i32>} : memref<16x1024xf32, #tpu.memory_space<vmem>>, vector<1x16xf32>,
        %parallel_loop3A_496 = vector.shape_cast %parallel_loop3A_495 : vector<1x16xf32> to vector<16xf32>
        %parallel_loop3A_497 = arith.index_cast %parallel_loop3A_114 : i32 to index
        %parallel_loop3A_498 = arith.constant 432 : index
        %parallel_loop3A_499 = tpu.vector_load %arg9[%parallel_loop3A_497, %parallel_loop3A_498] {strides = array<i32>} : memref<16x1024xf32, #tpu.memory_space<vmem>>, vector<1x16xf32>,
        %parallel_loop3A_500 = vector.shape_cast %parallel_loop3A_499 : vector<1x16xf32> to vector<16xf32>
        %parallel_loop3A_501 = arith.addf %parallel_loop3A_496, %parallel_loop3A_500 : vector<16xf32>
        %parallel_loop3A_502 = arith.index_cast %parallel_loop3A_114 : i32 to index
        %parallel_loop3A_503 = arith.constant 432 : index
        %parallel_loop3A_504 = tpu.vector_load %arg11[%parallel_loop3A_502, %parallel_loop3A_503] {strides = array<i32>} : memref<16x1024xf32, #tpu.memory_space<vmem>>, vector<1x16xf32>,
        %parallel_loop3A_505 = vector.shape_cast %parallel_loop3A_504 : vector<1x16xf32> to vector<16xf32>
        %parallel_loop3A_506 = vector.shape_cast %parallel_loop3A_501 : vector<16xf32> to vector<1x16xf32>
        tpu.vector_store %arg11[%parallel_loop3A_502, %parallel_loop3A_503], %parallel_loop3A_506 {strides = array<i32>} : memref<16x1024xf32, #tpu.memory_space<vmem>>, vector<1x16xf32>,
        %parallel_loop3A_507 = arith.index_cast %parallel_loop3A_114 : i32 to index
        %parallel_loop3A_508 = arith.constant 448 : index
        %parallel_loop3A_509 = tpu.vector_load %arg7[%parallel_loop3A_507, %parallel_loop3A_508] {strides = array<i32>} : memref<16x1024xf32, #tpu.memory_space<vmem>>, vector<1x16xf32>,
        %parallel_loop3A_510 = vector.shape_cast %parallel_loop3A_509 : vector<1x16xf32> to vector<16xf32>
        %parallel_loop3A_511 = arith.index_cast %parallel_loop3A_114 : i32 to index
        %parallel_loop3A_512 = arith.constant 448 : index
        %parallel_loop3A_513 = tpu.vector_load %arg9[%parallel_loop3A_511, %parallel_loop3A_512] {strides = array<i32>} : memref<16x1024xf32, #tpu.memory_space<vmem>>, vector<1x16xf32>,
        %parallel_loop3A_514 = vector.shape_cast %parallel_loop3A_513 : vector<1x16xf32> to vector<16xf32>
        %parallel_loop3A_515 = arith.addf %parallel_loop3A_510, %parallel_loop3A_514 : vector<16xf32>
        %parallel_loop3A_516 = arith.index_cast %parallel_loop3A_114 : i32 to index
        %parallel_loop3A_517 = arith.constant 448 : index
        %parallel_loop3A_518 = tpu.vector_load %arg11[%parallel_loop3A_516, %parallel_loop3A_517] {strides = array<i32>} : memref<16x1024xf32, #tpu.memory_space<vmem>>, vector<1x16xf32>,
        %parallel_loop3A_519 = vector.shape_cast %parallel_loop3A_518 : vector<1x16xf32> to vector<16xf32>
        %parallel_loop3A_520 = vector.shape_cast %parallel_loop3A_515 : vector<16xf32> to vector<1x16xf32>
        tpu.vector_store %arg11[%parallel_loop3A_516, %parallel_loop3A_517], %parallel_loop3A_520 {strides = array<i32>} : memref<16x1024xf32, #tpu.memory_space<vmem>>, vector<1x16xf32>,
        %parallel_loop3A_521 = arith.index_cast %parallel_loop3A_114 : i32 to index
        %parallel_loop3A_522 = arith.constant 464 : index
        %parallel_loop3A_523 = tpu.vector_load %arg7[%parallel_loop3A_521, %parallel_loop3A_522] {strides = array<i32>} : memref<16x1024xf32, #tpu.memory_space<vmem>>, vector<1x16xf32>,
        %parallel_loop3A_524 = vector.shape_cast %parallel_loop3A_523 : vector<1x16xf32> to vector<16xf32>
        %parallel_loop3A_525 = arith.index_cast %parallel_loop3A_114 : i32 to index
        %parallel_loop3A_526 = arith.constant 464 : index
        %parallel_loop3A_527 = tpu.vector_load %arg9[%parallel_loop3A_525, %parallel_loop3A_526] {strides = array<i32>} : memref<16x1024xf32, #tpu.memory_space<vmem>>, vector<1x16xf32>,
        %parallel_loop3A_528 = vector.shape_cast %parallel_loop3A_527 : vector<1x16xf32> to vector<16xf32>
        %parallel_loop3A_529 = arith.addf %parallel_loop3A_524, %parallel_loop3A_528 : vector<16xf32>
        %parallel_loop3A_530 = arith.index_cast %parallel_loop3A_114 : i32 to index
        %parallel_loop3A_531 = arith.constant 464 : index
        %parallel_loop3A_532 = tpu.vector_load %arg11[%parallel_loop3A_530, %parallel_loop3A_531] {strides = array<i32>} : memref<16x1024xf32, #tpu.memory_space<vmem>>, vector<1x16xf32>,
        %parallel_loop3A_533 = vector.shape_cast %parallel_loop3A_532 : vector<1x16xf32> to vector<16xf32>
        %parallel_loop3A_534 = vector.shape_cast %parallel_loop3A_529 : vector<16xf32> to vector<1x16xf32>
        tpu.vector_store %arg11[%parallel_loop3A_530, %parallel_loop3A_531], %parallel_loop3A_534 {strides = array<i32>} : memref<16x1024xf32, #tpu.memory_space<vmem>>, vector<1x16xf32>,
        %parallel_loop3A_535 = arith.index_cast %parallel_loop3A_114 : i32 to index
        %parallel_loop3A_536 = arith.constant 480 : index
        %parallel_loop3A_537 = tpu.vector_load %arg7[%parallel_loop3A_535, %parallel_loop3A_536] {strides = array<i32>} : memref<16x1024xf32, #tpu.memory_space<vmem>>, vector<1x16xf32>,
        %parallel_loop3A_538 = vector.shape_cast %parallel_loop3A_537 : vector<1x16xf32> to vector<16xf32>
        %parallel_loop3A_539 = arith.index_cast %parallel_loop3A_114 : i32 to index
        %parallel_loop3A_540 = arith.constant 480 : index
        %parallel_loop3A_541 = tpu.vector_load %arg9[%parallel_loop3A_539, %parallel_loop3A_540] {strides = array<i32>} : memref<16x1024xf32, #tpu.memory_space<vmem>>, vector<1x16xf32>,
        %parallel_loop3A_542 = vector.shape_cast %parallel_loop3A_541 : vector<1x16xf32> to vector<16xf32>
        %parallel_loop3A_543 = arith.addf %parallel_loop3A_538, %parallel_loop3A_542 : vector<16xf32>
        %parallel_loop3A_544 = arith.index_cast %parallel_loop3A_114 : i32 to index
        %parallel_loop3A_545 = arith.constant 480 : index
        %parallel_loop3A_546 = tpu.vector_load %arg11[%parallel_loop3A_544, %parallel_loop3A_545] {strides = array<i32>} : memref<16x1024xf32, #tpu.memory_space<vmem>>, vector<1x16xf32>,
        %parallel_loop3A_547 = vector.shape_cast %parallel_loop3A_546 : vector<1x16xf32> to vector<16xf32>
        %parallel_loop3A_548 = vector.shape_cast %parallel_loop3A_543 : vector<16xf32> to vector<1x16xf32>
        tpu.vector_store %arg11[%parallel_loop3A_544, %parallel_loop3A_545], %parallel_loop3A_548 {strides = array<i32>} : memref<16x1024xf32, #tpu.memory_space<vmem>>, vector<1x16xf32>,
        %parallel_loop3A_549 = arith.index_cast %parallel_loop3A_114 : i32 to index
        %parallel_loop3A_550 = arith.constant 496 : index
        %parallel_loop3A_551 = tpu.vector_load %arg7[%parallel_loop3A_549, %parallel_loop3A_550] {strides = array<i32>} : memref<16x1024xf32, #tpu.memory_space<vmem>>, vector<1x16xf32>,
        %parallel_loop3A_552 = vector.shape_cast %parallel_loop3A_551 : vector<1x16xf32> to vector<16xf32>
        %parallel_loop3A_553 = arith.index_cast %parallel_loop3A_114 : i32 to index
        %parallel_loop3A_554 = arith.constant 496 : index
        %parallel_loop3A_555 = tpu.vector_load %arg9[%parallel_loop3A_553, %parallel_loop3A_554] {strides = array<i32>} : memref<16x1024xf32, #tpu.memory_space<vmem>>, vector<1x16xf32>,
        %parallel_loop3A_556 = vector.shape_cast %parallel_loop3A_555 : vector<1x16xf32> to vector<16xf32>
        %parallel_loop3A_557 = arith.addf %parallel_loop3A_552, %parallel_loop3A_556 : vector<16xf32>
        %parallel_loop3A_558 = arith.index_cast %parallel_loop3A_114 : i32 to index
        %parallel_loop3A_559 = arith.constant 496 : index
        %parallel_loop3A_560 = tpu.vector_load %arg11[%parallel_loop3A_558, %parallel_loop3A_559] {strides = array<i32>} : memref<16x1024xf32, #tpu.memory_space<vmem>>, vector<1x16xf32>,
        %parallel_loop3A_561 = vector.shape_cast %parallel_loop3A_560 : vector<1x16xf32> to vector<16xf32>
        %parallel_loop3A_562 = vector.shape_cast %parallel_loop3A_557 : vector<16xf32> to vector<1x16xf32>
        tpu.vector_store %arg11[%parallel_loop3A_558, %parallel_loop3A_559], %parallel_loop3A_562 {strides = array<i32>} : memref<16x1024xf32, #tpu.memory_space<vmem>>, vector<1x16xf32>,
        %parallel_loop3A_563 = arith.index_cast %parallel_loop3A_114 : i32 to index
        %parallel_loop3A_564 = arith.constant 512 : index
        %parallel_loop3A_565 = tpu.vector_load %arg7[%parallel_loop3A_563, %parallel_loop3A_564] {strides = array<i32>} : memref<16x1024xf32, #tpu.memory_space<vmem>>, vector<1x16xf32>,
        %parallel_loop3A_566 = vector.shape_cast %parallel_loop3A_565 : vector<1x16xf32> to vector<16xf32>
        %parallel_loop3A_567 = arith.index_cast %parallel_loop3A_114 : i32 to index
        %parallel_loop3A_568 = arith.constant 512 : index
        %parallel_loop3A_569 = tpu.vector_load %arg9[%parallel_loop3A_567, %parallel_loop3A_568] {strides = array<i32>} : memref<16x1024xf32, #tpu.memory_space<vmem>>, vector<1x16xf32>,
        %parallel_loop3A_570 = vector.shape_cast %parallel_loop3A_569 : vector<1x16xf32> to vector<16xf32>
        %parallel_loop3A_571 = arith.addf %parallel_loop3A_566, %parallel_loop3A_570 : vector<16xf32>
        %parallel_loop3A_572 = arith.index_cast %parallel_loop3A_114 : i32 to index
        %parallel_loop3A_573 = arith.constant 512 : index
        %parallel_loop3A_574 = tpu.vector_load %arg11[%parallel_loop3A_572, %parallel_loop3A_573] {strides = array<i32>} : memref<16x1024xf32, #tpu.memory_space<vmem>>, vector<1x16xf32>,
        %parallel_loop3A_575 = vector.shape_cast %parallel_loop3A_574 : vector<1x16xf32> to vector<16xf32>
        %parallel_loop3A_576 = vector.shape_cast %parallel_loop3A_571 : vector<16xf32> to vector<1x16xf32>
        tpu.vector_store %arg11[%parallel_loop3A_572, %parallel_loop3A_573], %parallel_loop3A_576 {strides = array<i32>} : memref<16x1024xf32, #tpu.memory_space<vmem>>, vector<1x16xf32>,
        %parallel_loop3A_577 = arith.index_cast %parallel_loop3A_114 : i32 to index
        %parallel_loop3A_578 = arith.constant 528 : index
        %parallel_loop3A_579 = tpu.vector_load %arg7[%parallel_loop3A_577, %parallel_loop3A_578] {strides = array<i32>} : memref<16x1024xf32, #tpu.memory_space<vmem>>, vector<1x16xf32>,
        %parallel_loop3A_580 = vector.shape_cast %parallel_loop3A_579 : vector<1x16xf32> to vector<16xf32>
        %parallel_loop3A_581 = arith.index_cast %parallel_loop3A_114 : i32 to index
        %parallel_loop3A_582 = arith.constant 528 : index
        %parallel_loop3A_583 = tpu.vector_load %arg9[%parallel_loop3A_581, %parallel_loop3A_582] {strides = array<i32>} : memref<16x1024xf32, #tpu.memory_space<vmem>>, vector<1x16xf32>,
        %parallel_loop3A_584 = vector.shape_cast %parallel_loop3A_583 : vector<1x16xf32> to vector<16xf32>
        %parallel_loop3A_585 = arith.addf %parallel_loop3A_580, %parallel_loop3A_584 : vector<16xf32>
        %parallel_loop3A_586 = arith.index_cast %parallel_loop3A_114 : i32 to index
        %parallel_loop3A_587 = arith.constant 528 : index
        %parallel_loop3A_588 = tpu.vector_load %arg11[%parallel_loop3A_586, %parallel_loop3A_587] {strides = array<i32>} : memref<16x1024xf32, #tpu.memory_space<vmem>>, vector<1x16xf32>,
        %parallel_loop3A_589 = vector.shape_cast %parallel_loop3A_588 : vector<1x16xf32> to vector<16xf32>
        %parallel_loop3A_590 = vector.shape_cast %parallel_loop3A_585 : vector<16xf32> to vector<1x16xf32>
        tpu.vector_store %arg11[%parallel_loop3A_586, %parallel_loop3A_587], %parallel_loop3A_590 {strides = array<i32>} : memref<16x1024xf32, #tpu.memory_space<vmem>>, vector<1x16xf32>,
        %parallel_loop3A_591 = arith.index_cast %parallel_loop3A_114 : i32 to index
        %parallel_loop3A_592 = arith.constant 544 : index
        %parallel_loop3A_593 = tpu.vector_load %arg7[%parallel_loop3A_591, %parallel_loop3A_592] {strides = array<i32>} : memref<16x1024xf32, #tpu.memory_space<vmem>>, vector<1x16xf32>,
        %parallel_loop3A_594 = vector.shape_cast %parallel_loop3A_593 : vector<1x16xf32> to vector<16xf32>
        %parallel_loop3A_595 = arith.index_cast %parallel_loop3A_114 : i32 to index
        %parallel_loop3A_596 = arith.constant 544 : index
        %parallel_loop3A_597 = tpu.vector_load %arg9[%parallel_loop3A_595, %parallel_loop3A_596] {strides = array<i32>} : memref<16x1024xf32, #tpu.memory_space<vmem>>, vector<1x16xf32>,
        %parallel_loop3A_598 = vector.shape_cast %parallel_loop3A_597 : vector<1x16xf32> to vector<16xf32>
        %parallel_loop3A_599 = arith.addf %parallel_loop3A_594, %parallel_loop3A_598 : vector<16xf32>
        %parallel_loop3A_600 = arith.index_cast %parallel_loop3A_114 : i32 to index
        %parallel_loop3A_601 = arith.constant 544 : index
        %parallel_loop3A_602 = tpu.vector_load %arg11[%parallel_loop3A_600, %parallel_loop3A_601] {strides = array<i32>} : memref<16x1024xf32, #tpu.memory_space<vmem>>, vector<1x16xf32>,
        %parallel_loop3A_603 = vector.shape_cast %parallel_loop3A_602 : vector<1x16xf32> to vector<16xf32>
        %parallel_loop3A_604 = vector.shape_cast %parallel_loop3A_599 : vector<16xf32> to vector<1x16xf32>
        tpu.vector_store %arg11[%parallel_loop3A_600, %parallel_loop3A_601], %parallel_loop3A_604 {strides = array<i32>} : memref<16x1024xf32, #tpu.memory_space<vmem>>, vector<1x16xf32>,
        %parallel_loop3A_605 = arith.index_cast %parallel_loop3A_114 : i32 to index
        %parallel_loop3A_606 = arith.constant 560 : index
        %parallel_loop3A_607 = tpu.vector_load %arg7[%parallel_loop3A_605, %parallel_loop3A_606] {strides = array<i32>} : memref<16x1024xf32, #tpu.memory_space<vmem>>, vector<1x16xf32>,
        %parallel_loop3A_608 = vector.shape_cast %parallel_loop3A_607 : vector<1x16xf32> to vector<16xf32>
        %parallel_loop3A_609 = arith.index_cast %parallel_loop3A_114 : i32 to index
        %parallel_loop3A_610 = arith.constant 560 : index
        %parallel_loop3A_611 = tpu.vector_load %arg9[%parallel_loop3A_609, %parallel_loop3A_610] {strides = array<i32>} : memref<16x1024xf32, #tpu.memory_space<vmem>>, vector<1x16xf32>,
        %parallel_loop3A_612 = vector.shape_cast %parallel_loop3A_611 : vector<1x16xf32> to vector<16xf32>
        %parallel_loop3A_613 = arith.addf %parallel_loop3A_608, %parallel_loop3A_612 : vector<16xf32>
        %parallel_loop3A_614 = arith.index_cast %parallel_loop3A_114 : i32 to index
        %parallel_loop3A_615 = arith.constant 560 : index
        %parallel_loop3A_616 = tpu.vector_load %arg11[%parallel_loop3A_614, %parallel_loop3A_615] {strides = array<i32>} : memref<16x1024xf32, #tpu.memory_space<vmem>>, vector<1x16xf32>,
        %parallel_loop3A_617 = vector.shape_cast %parallel_loop3A_616 : vector<1x16xf32> to vector<16xf32>
        %parallel_loop3A_618 = vector.shape_cast %parallel_loop3A_613 : vector<16xf32> to vector<1x16xf32>
        tpu.vector_store %arg11[%parallel_loop3A_614, %parallel_loop3A_615], %parallel_loop3A_618 {strides = array<i32>} : memref<16x1024xf32, #tpu.memory_space<vmem>>, vector<1x16xf32>,
        %parallel_loop3A_619 = arith.index_cast %parallel_loop3A_114 : i32 to index
        %parallel_loop3A_620 = arith.constant 576 : index
        %parallel_loop3A_621 = tpu.vector_load %arg7[%parallel_loop3A_619, %parallel_loop3A_620] {strides = array<i32>} : memref<16x1024xf32, #tpu.memory_space<vmem>>, vector<1x16xf32>,
        %parallel_loop3A_622 = vector.shape_cast %parallel_loop3A_621 : vector<1x16xf32> to vector<16xf32>
        %parallel_loop3A_623 = arith.index_cast %parallel_loop3A_114 : i32 to index
        %parallel_loop3A_624 = arith.constant 576 : index
        %parallel_loop3A_625 = tpu.vector_load %arg9[%parallel_loop3A_623, %parallel_loop3A_624] {strides = array<i32>} : memref<16x1024xf32, #tpu.memory_space<vmem>>, vector<1x16xf32>,
        %parallel_loop3A_626 = vector.shape_cast %parallel_loop3A_625 : vector<1x16xf32> to vector<16xf32>
        %parallel_loop3A_627 = arith.addf %parallel_loop3A_622, %parallel_loop3A_626 : vector<16xf32>
        %parallel_loop3A_628 = arith.index_cast %parallel_loop3A_114 : i32 to index
        %parallel_loop3A_629 = arith.constant 576 : index
        %parallel_loop3A_630 = tpu.vector_load %arg11[%parallel_loop3A_628, %parallel_loop3A_629] {strides = array<i32>} : memref<16x1024xf32, #tpu.memory_space<vmem>>, vector<1x16xf32>,
        %parallel_loop3A_631 = vector.shape_cast %parallel_loop3A_630 : vector<1x16xf32> to vector<16xf32>
        %parallel_loop3A_632 = vector.shape_cast %parallel_loop3A_627 : vector<16xf32> to vector<1x16xf32>
        tpu.vector_store %arg11[%parallel_loop3A_628, %parallel_loop3A_629], %parallel_loop3A_632 {strides = array<i32>} : memref<16x1024xf32, #tpu.memory_space<vmem>>, vector<1x16xf32>,
        %parallel_loop3A_633 = arith.index_cast %parallel_loop3A_114 : i32 to index
        %parallel_loop3A_634 = arith.constant 592 : index
        %parallel_loop3A_635 = tpu.vector_load %arg7[%parallel_loop3A_633, %parallel_loop3A_634] {strides = array<i32>} : memref<16x1024xf32, #tpu.memory_space<vmem>>, vector<1x16xf32>,
        %parallel_loop3A_636 = vector.shape_cast %parallel_loop3A_635 : vector<1x16xf32> to vector<16xf32>
        %parallel_loop3A_637 = arith.index_cast %parallel_loop3A_114 : i32 to index
        %parallel_loop3A_638 = arith.constant 592 : index
        %parallel_loop3A_639 = tpu.vector_load %arg9[%parallel_loop3A_637, %parallel_loop3A_638] {strides = array<i32>} : memref<16x1024xf32, #tpu.memory_space<vmem>>, vector<1x16xf32>,
        %parallel_loop3A_640 = vector.shape_cast %parallel_loop3A_639 : vector<1x16xf32> to vector<16xf32>
        %parallel_loop3A_641 = arith.addf %parallel_loop3A_636, %parallel_loop3A_640 : vector<16xf32>
        %parallel_loop3A_642 = arith.index_cast %parallel_loop3A_114 : i32 to index
        %parallel_loop3A_643 = arith.constant 592 : index
        %parallel_loop3A_644 = tpu.vector_load %arg11[%parallel_loop3A_642, %parallel_loop3A_643] {strides = array<i32>} : memref<16x1024xf32, #tpu.memory_space<vmem>>, vector<1x16xf32>,
        %parallel_loop3A_645 = vector.shape_cast %parallel_loop3A_644 : vector<1x16xf32> to vector<16xf32>
        %parallel_loop3A_646 = vector.shape_cast %parallel_loop3A_641 : vector<16xf32> to vector<1x16xf32>
        tpu.vector_store %arg11[%parallel_loop3A_642, %parallel_loop3A_643], %parallel_loop3A_646 {strides = array<i32>} : memref<16x1024xf32, #tpu.memory_space<vmem>>, vector<1x16xf32>,
        %parallel_loop3A_647 = arith.index_cast %parallel_loop3A_114 : i32 to index
        %parallel_loop3A_648 = arith.constant 608 : index
        %parallel_loop3A_649 = tpu.vector_load %arg7[%parallel_loop3A_647, %parallel_loop3A_648] {strides = array<i32>} : memref<16x1024xf32, #tpu.memory_space<vmem>>, vector<1x16xf32>,
        %parallel_loop3A_650 = vector.shape_cast %parallel_loop3A_649 : vector<1x16xf32> to vector<16xf32>
        %parallel_loop3A_651 = arith.index_cast %parallel_loop3A_114 : i32 to index
        %parallel_loop3A_652 = arith.constant 608 : index
        %parallel_loop3A_653 = tpu.vector_load %arg9[%parallel_loop3A_651, %parallel_loop3A_652] {strides = array<i32>} : memref<16x1024xf32, #tpu.memory_space<vmem>>, vector<1x16xf32>,
        %parallel_loop3A_654 = vector.shape_cast %parallel_loop3A_653 : vector<1x16xf32> to vector<16xf32>
        %parallel_loop3A_655 = arith.addf %parallel_loop3A_650, %parallel_loop3A_654 : vector<16xf32>
        %parallel_loop3A_656 = arith.index_cast %parallel_loop3A_114 : i32 to index
        %parallel_loop3A_657 = arith.constant 608 : index
        %parallel_loop3A_658 = tpu.vector_load %arg11[%parallel_loop3A_656, %parallel_loop3A_657] {strides = array<i32>} : memref<16x1024xf32, #tpu.memory_space<vmem>>, vector<1x16xf32>,
        %parallel_loop3A_659 = vector.shape_cast %parallel_loop3A_658 : vector<1x16xf32> to vector<16xf32>
        %parallel_loop3A_660 = vector.shape_cast %parallel_loop3A_655 : vector<16xf32> to vector<1x16xf32>
        tpu.vector_store %arg11[%parallel_loop3A_656, %parallel_loop3A_657], %parallel_loop3A_660 {strides = array<i32>} : memref<16x1024xf32, #tpu.memory_space<vmem>>, vector<1x16xf32>,
        %parallel_loop3A_661 = arith.index_cast %parallel_loop3A_114 : i32 to index
        %parallel_loop3A_662 = arith.constant 624 : index
        %parallel_loop3A_663 = tpu.vector_load %arg7[%parallel_loop3A_661, %parallel_loop3A_662] {strides = array<i32>} : memref<16x1024xf32, #tpu.memory_space<vmem>>, vector<1x16xf32>,
        %parallel_loop3A_664 = vector.shape_cast %parallel_loop3A_663 : vector<1x16xf32> to vector<16xf32>
        %parallel_loop3A_665 = arith.index_cast %parallel_loop3A_114 : i32 to index
        %parallel_loop3A_666 = arith.constant 624 : index
        %parallel_loop3A_667 = tpu.vector_load %arg9[%parallel_loop3A_665, %parallel_loop3A_666] {strides = array<i32>} : memref<16x1024xf32, #tpu.memory_space<vmem>>, vector<1x16xf32>,
        %parallel_loop3A_668 = vector.shape_cast %parallel_loop3A_667 : vector<1x16xf32> to vector<16xf32>
        %parallel_loop3A_669 = arith.addf %parallel_loop3A_664, %parallel_loop3A_668 : vector<16xf32>
        %parallel_loop3A_670 = arith.index_cast %parallel_loop3A_114 : i32 to index
        %parallel_loop3A_671 = arith.constant 624 : index
        %parallel_loop3A_672 = tpu.vector_load %arg11[%parallel_loop3A_670, %parallel_loop3A_671] {strides = array<i32>} : memref<16x1024xf32, #tpu.memory_space<vmem>>, vector<1x16xf32>,
        %parallel_loop3A_673 = vector.shape_cast %parallel_loop3A_672 : vector<1x16xf32> to vector<16xf32>
        %parallel_loop3A_674 = vector.shape_cast %parallel_loop3A_669 : vector<16xf32> to vector<1x16xf32>
        tpu.vector_store %arg11[%parallel_loop3A_670, %parallel_loop3A_671], %parallel_loop3A_674 {strides = array<i32>} : memref<16x1024xf32, #tpu.memory_space<vmem>>, vector<1x16xf32>,
        %parallel_loop3A_675 = arith.index_cast %parallel_loop3A_114 : i32 to index
        %parallel_loop3A_676 = arith.constant 640 : index
        %parallel_loop3A_677 = tpu.vector_load %arg7[%parallel_loop3A_675, %parallel_loop3A_676] {strides = array<i32>} : memref<16x1024xf32, #tpu.memory_space<vmem>>, vector<1x16xf32>,
        %parallel_loop3A_678 = vector.shape_cast %parallel_loop3A_677 : vector<1x16xf32> to vector<16xf32>
        %parallel_loop3A_679 = arith.index_cast %parallel_loop3A_114 : i32 to index
        %parallel_loop3A_680 = arith.constant 640 : index
        %parallel_loop3A_681 = tpu.vector_load %arg9[%parallel_loop3A_679, %parallel_loop3A_680] {strides = array<i32>} : memref<16x1024xf32, #tpu.memory_space<vmem>>, vector<1x16xf32>,
        %parallel_loop3A_682 = vector.shape_cast %parallel_loop3A_681 : vector<1x16xf32> to vector<16xf32>
        %parallel_loop3A_683 = arith.addf %parallel_loop3A_678, %parallel_loop3A_682 : vector<16xf32>
        %parallel_loop3A_684 = arith.index_cast %parallel_loop3A_114 : i32 to index
        %parallel_loop3A_685 = arith.constant 640 : index
        %parallel_loop3A_686 = tpu.vector_load %arg11[%parallel_loop3A_684, %parallel_loop3A_685] {strides = array<i32>} : memref<16x1024xf32, #tpu.memory_space<vmem>>, vector<1x16xf32>,
        %parallel_loop3A_687 = vector.shape_cast %parallel_loop3A_686 : vector<1x16xf32> to vector<16xf32>
        %parallel_loop3A_688 = vector.shape_cast %parallel_loop3A_683 : vector<16xf32> to vector<1x16xf32>
        tpu.vector_store %arg11[%parallel_loop3A_684, %parallel_loop3A_685], %parallel_loop3A_688 {strides = array<i32>} : memref<16x1024xf32, #tpu.memory_space<vmem>>, vector<1x16xf32>,
        %parallel_loop3A_689 = arith.index_cast %parallel_loop3A_114 : i32 to index
        %parallel_loop3A_690 = arith.constant 656 : index
        %parallel_loop3A_691 = tpu.vector_load %arg7[%parallel_loop3A_689, %parallel_loop3A_690] {strides = array<i32>} : memref<16x1024xf32, #tpu.memory_space<vmem>>, vector<1x16xf32>,
        %parallel_loop3A_692 = vector.shape_cast %parallel_loop3A_691 : vector<1x16xf32> to vector<16xf32>
        %parallel_loop3A_693 = arith.index_cast %parallel_loop3A_114 : i32 to index
        %parallel_loop3A_694 = arith.constant 656 : index
        %parallel_loop3A_695 = tpu.vector_load %arg9[%parallel_loop3A_693, %parallel_loop3A_694] {strides = array<i32>} : memref<16x1024xf32, #tpu.memory_space<vmem>>, vector<1x16xf32>,
        %parallel_loop3A_696 = vector.shape_cast %parallel_loop3A_695 : vector<1x16xf32> to vector<16xf32>
        %parallel_loop3A_697 = arith.addf %parallel_loop3A_692, %parallel_loop3A_696 : vector<16xf32>
        %parallel_loop3A_698 = arith.index_cast %parallel_loop3A_114 : i32 to index
        %parallel_loop3A_699 = arith.constant 656 : index
        %parallel_loop3A_700 = tpu.vector_load %arg11[%parallel_loop3A_698, %parallel_loop3A_699] {strides = array<i32>} : memref<16x1024xf32, #tpu.memory_space<vmem>>, vector<1x16xf32>,
        %parallel_loop3A_701 = vector.shape_cast %parallel_loop3A_700 : vector<1x16xf32> to vector<16xf32>
        %parallel_loop3A_702 = vector.shape_cast %parallel_loop3A_697 : vector<16xf32> to vector<1x16xf32>
        tpu.vector_store %arg11[%parallel_loop3A_698, %parallel_loop3A_699], %parallel_loop3A_702 {strides = array<i32>} : memref<16x1024xf32, #tpu.memory_space<vmem>>, vector<1x16xf32>,
        %parallel_loop3A_703 = arith.index_cast %parallel_loop3A_114 : i32 to index
        %parallel_loop3A_704 = arith.constant 672 : index
        %parallel_loop3A_705 = tpu.vector_load %arg7[%parallel_loop3A_703, %parallel_loop3A_704] {strides = array<i32>} : memref<16x1024xf32, #tpu.memory_space<vmem>>, vector<1x16xf32>,
        %parallel_loop3A_706 = vector.shape_cast %parallel_loop3A_705 : vector<1x16xf32> to vector<16xf32>
        %parallel_loop3A_707 = arith.index_cast %parallel_loop3A_114 : i32 to index
        %parallel_loop3A_708 = arith.constant 672 : index
        %parallel_loop3A_709 = tpu.vector_load %arg9[%parallel_loop3A_707, %parallel_loop3A_708] {strides = array<i32>} : memref<16x1024xf32, #tpu.memory_space<vmem>>, vector<1x16xf32>,
        %parallel_loop3A_710 = vector.shape_cast %parallel_loop3A_709 : vector<1x16xf32> to vector<16xf32>
        %parallel_loop3A_711 = arith.addf %parallel_loop3A_706, %parallel_loop3A_710 : vector<16xf32>
        %parallel_loop3A_712 = arith.index_cast %parallel_loop3A_114 : i32 to index
        %parallel_loop3A_713 = arith.constant 672 : index
        %parallel_loop3A_714 = tpu.vector_load %arg11[%parallel_loop3A_712, %parallel_loop3A_713] {strides = array<i32>} : memref<16x1024xf32, #tpu.memory_space<vmem>>, vector<1x16xf32>,
        %parallel_loop3A_715 = vector.shape_cast %parallel_loop3A_714 : vector<1x16xf32> to vector<16xf32>
        %parallel_loop3A_716 = vector.shape_cast %parallel_loop3A_711 : vector<16xf32> to vector<1x16xf32>
        tpu.vector_store %arg11[%parallel_loop3A_712, %parallel_loop3A_713], %parallel_loop3A_716 {strides = array<i32>} : memref<16x1024xf32, #tpu.memory_space<vmem>>, vector<1x16xf32>,
        %parallel_loop3A_717 = arith.index_cast %parallel_loop3A_114 : i32 to index
        %parallel_loop3A_718 = arith.constant 688 : index
        %parallel_loop3A_719 = tpu.vector_load %arg7[%parallel_loop3A_717, %parallel_loop3A_718] {strides = array<i32>} : memref<16x1024xf32, #tpu.memory_space<vmem>>, vector<1x16xf32>,
        %parallel_loop3A_720 = vector.shape_cast %parallel_loop3A_719 : vector<1x16xf32> to vector<16xf32>
        %parallel_loop3A_721 = arith.index_cast %parallel_loop3A_114 : i32 to index
        %parallel_loop3A_722 = arith.constant 688 : index
        %parallel_loop3A_723 = tpu.vector_load %arg9[%parallel_loop3A_721, %parallel_loop3A_722] {strides = array<i32>} : memref<16x1024xf32, #tpu.memory_space<vmem>>, vector<1x16xf32>,
        %parallel_loop3A_724 = vector.shape_cast %parallel_loop3A_723 : vector<1x16xf32> to vector<16xf32>
        %parallel_loop3A_725 = arith.addf %parallel_loop3A_720, %parallel_loop3A_724 : vector<16xf32>
        %parallel_loop3A_726 = arith.index_cast %parallel_loop3A_114 : i32 to index
        %parallel_loop3A_727 = arith.constant 688 : index
        %parallel_loop3A_728 = tpu.vector_load %arg11[%parallel_loop3A_726, %parallel_loop3A_727] {strides = array<i32>} : memref<16x1024xf32, #tpu.memory_space<vmem>>, vector<1x16xf32>,
        %parallel_loop3A_729 = vector.shape_cast %parallel_loop3A_728 : vector<1x16xf32> to vector<16xf32>
        %parallel_loop3A_730 = vector.shape_cast %parallel_loop3A_725 : vector<16xf32> to vector<1x16xf32>
        tpu.vector_store %arg11[%parallel_loop3A_726, %parallel_loop3A_727], %parallel_loop3A_730 {strides = array<i32>} : memref<16x1024xf32, #tpu.memory_space<vmem>>, vector<1x16xf32>,
        %parallel_loop3A_731 = arith.index_cast %parallel_loop3A_114 : i32 to index
        %parallel_loop3A_732 = arith.constant 704 : index
        %parallel_loop3A_733 = tpu.vector_load %arg7[%parallel_loop3A_731, %parallel_loop3A_732] {strides = array<i32>} : memref<16x1024xf32, #tpu.memory_space<vmem>>, vector<1x16xf32>,
        %parallel_loop3A_734 = vector.shape_cast %parallel_loop3A_733 : vector<1x16xf32> to vector<16xf32>
        %parallel_loop3A_735 = arith.index_cast %parallel_loop3A_114 : i32 to index
        %parallel_loop3A_736 = arith.constant 704 : index
        %parallel_loop3A_737 = tpu.vector_load %arg9[%parallel_loop3A_735, %parallel_loop3A_736] {strides = array<i32>} : memref<16x1024xf32, #tpu.memory_space<vmem>>, vector<1x16xf32>,
        %parallel_loop3A_738 = vector.shape_cast %parallel_loop3A_737 : vector<1x16xf32> to vector<16xf32>
        %parallel_loop3A_739 = arith.addf %parallel_loop3A_734, %parallel_loop3A_738 : vector<16xf32>
        %parallel_loop3A_740 = arith.index_cast %parallel_loop3A_114 : i32 to index
        %parallel_loop3A_741 = arith.constant 704 : index
        %parallel_loop3A_742 = tpu.vector_load %arg11[%parallel_loop3A_740, %parallel_loop3A_741] {strides = array<i32>} : memref<16x1024xf32, #tpu.memory_space<vmem>>, vector<1x16xf32>,
        %parallel_loop3A_743 = vector.shape_cast %parallel_loop3A_742 : vector<1x16xf32> to vector<16xf32>
        %parallel_loop3A_744 = vector.shape_cast %parallel_loop3A_739 : vector<16xf32> to vector<1x16xf32>
        tpu.vector_store %arg11[%parallel_loop3A_740, %parallel_loop3A_741], %parallel_loop3A_744 {strides = array<i32>} : memref<16x1024xf32, #tpu.memory_space<vmem>>, vector<1x16xf32>,
        %parallel_loop3A_745 = arith.index_cast %parallel_loop3A_114 : i32 to index
        %parallel_loop3A_746 = arith.constant 720 : index
        %parallel_loop3A_747 = tpu.vector_load %arg7[%parallel_loop3A_745, %parallel_loop3A_746] {strides = array<i32>} : memref<16x1024xf32, #tpu.memory_space<vmem>>, vector<1x16xf32>,
        %parallel_loop3A_748 = vector.shape_cast %parallel_loop3A_747 : vector<1x16xf32> to vector<16xf32>
        %parallel_loop3A_749 = arith.index_cast %parallel_loop3A_114 : i32 to index
        %parallel_loop3A_750 = arith.constant 720 : index
        %parallel_loop3A_751 = tpu.vector_load %arg9[%parallel_loop3A_749, %parallel_loop3A_750] {strides = array<i32>} : memref<16x1024xf32, #tpu.memory_space<vmem>>, vector<1x16xf32>,
        %parallel_loop3A_752 = vector.shape_cast %parallel_loop3A_751 : vector<1x16xf32> to vector<16xf32>
        %parallel_loop3A_753 = arith.addf %parallel_loop3A_748, %parallel_loop3A_752 : vector<16xf32>
        %parallel_loop3A_754 = arith.index_cast %parallel_loop3A_114 : i32 to index
        %parallel_loop3A_755 = arith.constant 720 : index
        %parallel_loop3A_756 = tpu.vector_load %arg11[%parallel_loop3A_754, %parallel_loop3A_755] {strides = array<i32>} : memref<16x1024xf32, #tpu.memory_space<vmem>>, vector<1x16xf32>,
        %parallel_loop3A_757 = vector.shape_cast %parallel_loop3A_756 : vector<1x16xf32> to vector<16xf32>
        %parallel_loop3A_758 = vector.shape_cast %parallel_loop3A_753 : vector<16xf32> to vector<1x16xf32>
        tpu.vector_store %arg11[%parallel_loop3A_754, %parallel_loop3A_755], %parallel_loop3A_758 {strides = array<i32>} : memref<16x1024xf32, #tpu.memory_space<vmem>>, vector<1x16xf32>,
        %parallel_loop3A_759 = arith.index_cast %parallel_loop3A_114 : i32 to index
        %parallel_loop3A_760 = arith.constant 736 : index
        %parallel_loop3A_761 = tpu.vector_load %arg7[%parallel_loop3A_759, %parallel_loop3A_760] {strides = array<i32>} : memref<16x1024xf32, #tpu.memory_space<vmem>>, vector<1x16xf32>,
        %parallel_loop3A_762 = vector.shape_cast %parallel_loop3A_761 : vector<1x16xf32> to vector<16xf32>
        %parallel_loop3A_763 = arith.index_cast %parallel_loop3A_114 : i32 to index
        %parallel_loop3A_764 = arith.constant 736 : index
        %parallel_loop3A_765 = tpu.vector_load %arg9[%parallel_loop3A_763, %parallel_loop3A_764] {strides = array<i32>} : memref<16x1024xf32, #tpu.memory_space<vmem>>, vector<1x16xf32>,
        %parallel_loop3A_766 = vector.shape_cast %parallel_loop3A_765 : vector<1x16xf32> to vector<16xf32>
        %parallel_loop3A_767 = arith.addf %parallel_loop3A_762, %parallel_loop3A_766 : vector<16xf32>
        %parallel_loop3A_768 = arith.index_cast %parallel_loop3A_114 : i32 to index
        %parallel_loop3A_769 = arith.constant 736 : index
        %parallel_loop3A_770 = tpu.vector_load %arg11[%parallel_loop3A_768, %parallel_loop3A_769] {strides = array<i32>} : memref<16x1024xf32, #tpu.memory_space<vmem>>, vector<1x16xf32>,
        %parallel_loop3A_771 = vector.shape_cast %parallel_loop3A_770 : vector<1x16xf32> to vector<16xf32>
        %parallel_loop3A_772 = vector.shape_cast %parallel_loop3A_767 : vector<16xf32> to vector<1x16xf32>
        tpu.vector_store %arg11[%parallel_loop3A_768, %parallel_loop3A_769], %parallel_loop3A_772 {strides = array<i32>} : memref<16x1024xf32, #tpu.memory_space<vmem>>, vector<1x16xf32>,
        %parallel_loop3A_773 = arith.index_cast %parallel_loop3A_114 : i32 to index
        %parallel_loop3A_774 = arith.constant 752 : index
        %parallel_loop3A_775 = tpu.vector_load %arg7[%parallel_loop3A_773, %parallel_loop3A_774] {strides = array<i32>} : memref<16x1024xf32, #tpu.memory_space<vmem>>, vector<1x16xf32>,
        %parallel_loop3A_776 = vector.shape_cast %parallel_loop3A_775 : vector<1x16xf32> to vector<16xf32>
        %parallel_loop3A_777 = arith.index_cast %parallel_loop3A_114 : i32 to index
        %parallel_loop3A_778 = arith.constant 752 : index
        %parallel_loop3A_779 = tpu.vector_load %arg9[%parallel_loop3A_777, %parallel_loop3A_778] {strides = array<i32>} : memref<16x1024xf32, #tpu.memory_space<vmem>>, vector<1x16xf32>,
        %parallel_loop3A_780 = vector.shape_cast %parallel_loop3A_779 : vector<1x16xf32> to vector<16xf32>
        %parallel_loop3A_781 = arith.addf %parallel_loop3A_776, %parallel_loop3A_780 : vector<16xf32>
        %parallel_loop3A_782 = arith.index_cast %parallel_loop3A_114 : i32 to index
        %parallel_loop3A_783 = arith.constant 752 : index
        %parallel_loop3A_784 = tpu.vector_load %arg11[%parallel_loop3A_782, %parallel_loop3A_783] {strides = array<i32>} : memref<16x1024xf32, #tpu.memory_space<vmem>>, vector<1x16xf32>,
        %parallel_loop3A_785 = vector.shape_cast %parallel_loop3A_784 : vector<1x16xf32> to vector<16xf32>
        %parallel_loop3A_786 = vector.shape_cast %parallel_loop3A_781 : vector<16xf32> to vector<1x16xf32>
        tpu.vector_store %arg11[%parallel_loop3A_782, %parallel_loop3A_783], %parallel_loop3A_786 {strides = array<i32>} : memref<16x1024xf32, #tpu.memory_space<vmem>>, vector<1x16xf32>,
        %parallel_loop3A_787 = arith.index_cast %parallel_loop3A_114 : i32 to index
        %parallel_loop3A_788 = arith.constant 768 : index
        %parallel_loop3A_789 = tpu.vector_load %arg7[%parallel_loop3A_787, %parallel_loop3A_788] {strides = array<i32>} : memref<16x1024xf32, #tpu.memory_space<vmem>>, vector<1x16xf32>,
        %parallel_loop3A_790 = vector.shape_cast %parallel_loop3A_789 : vector<1x16xf32> to vector<16xf32>
        %parallel_loop3A_791 = arith.index_cast %parallel_loop3A_114 : i32 to index
        %parallel_loop3A_792 = arith.constant 768 : index
        %parallel_loop3A_793 = tpu.vector_load %arg9[%parallel_loop3A_791, %parallel_loop3A_792] {strides = array<i32>} : memref<16x1024xf32, #tpu.memory_space<vmem>>, vector<1x16xf32>,
        %parallel_loop3A_794 = vector.shape_cast %parallel_loop3A_793 : vector<1x16xf32> to vector<16xf32>
        %parallel_loop3A_795 = arith.addf %parallel_loop3A_790, %parallel_loop3A_794 : vector<16xf32>
        %parallel_loop3A_796 = arith.index_cast %parallel_loop3A_114 : i32 to index
        %parallel_loop3A_797 = arith.constant 768 : index
        %parallel_loop3A_798 = tpu.vector_load %arg11[%parallel_loop3A_796, %parallel_loop3A_797] {strides = array<i32>} : memref<16x1024xf32, #tpu.memory_space<vmem>>, vector<1x16xf32>,
        %parallel_loop3A_799 = vector.shape_cast %parallel_loop3A_798 : vector<1x16xf32> to vector<16xf32>
        %parallel_loop3A_800 = vector.shape_cast %parallel_loop3A_795 : vector<16xf32> to vector<1x16xf32>
        tpu.vector_store %arg11[%parallel_loop3A_796, %parallel_loop3A_797], %parallel_loop3A_800 {strides = array<i32>} : memref<16x1024xf32, #tpu.memory_space<vmem>>, vector<1x16xf32>,
        %parallel_loop3A_801 = arith.index_cast %parallel_loop3A_114 : i32 to index
        %parallel_loop3A_802 = arith.constant 784 : index
        %parallel_loop3A_803 = tpu.vector_load %arg7[%parallel_loop3A_801, %parallel_loop3A_802] {strides = array<i32>} : memref<16x1024xf32, #tpu.memory_space<vmem>>, vector<1x16xf32>,
        %parallel_loop3A_804 = vector.shape_cast %parallel_loop3A_803 : vector<1x16xf32> to vector<16xf32>
        %parallel_loop3A_805 = arith.index_cast %parallel_loop3A_114 : i32 to index
        %parallel_loop3A_806 = arith.constant 784 : index
        %parallel_loop3A_807 = tpu.vector_load %arg9[%parallel_loop3A_805, %parallel_loop3A_806] {strides = array<i32>} : memref<16x1024xf32, #tpu.memory_space<vmem>>, vector<1x16xf32>,
        %parallel_loop3A_808 = vector.shape_cast %parallel_loop3A_807 : vector<1x16xf32> to vector<16xf32>
        %parallel_loop3A_809 = arith.addf %parallel_loop3A_804, %parallel_loop3A_808 : vector<16xf32>
        %parallel_loop3A_810 = arith.index_cast %parallel_loop3A_114 : i32 to index
        %parallel_loop3A_811 = arith.constant 784 : index
        %parallel_loop3A_812 = tpu.vector_load %arg11[%parallel_loop3A_810, %parallel_loop3A_811] {strides = array<i32>} : memref<16x1024xf32, #tpu.memory_space<vmem>>, vector<1x16xf32>,
        %parallel_loop3A_813 = vector.shape_cast %parallel_loop3A_812 : vector<1x16xf32> to vector<16xf32>
        %parallel_loop3A_814 = vector.shape_cast %parallel_loop3A_809 : vector<16xf32> to vector<1x16xf32>
        tpu.vector_store %arg11[%parallel_loop3A_810, %parallel_loop3A_811], %parallel_loop3A_814 {strides = array<i32>} : memref<16x1024xf32, #tpu.memory_space<vmem>>, vector<1x16xf32>,
        %parallel_loop3A_815 = arith.index_cast %parallel_loop3A_114 : i32 to index
        %parallel_loop3A_816 = arith.constant 800 : index
        %parallel_loop3A_817 = tpu.vector_load %arg7[%parallel_loop3A_815, %parallel_loop3A_816] {strides = array<i32>} : memref<16x1024xf32, #tpu.memory_space<vmem>>, vector<1x16xf32>,
        %parallel_loop3A_818 = vector.shape_cast %parallel_loop3A_817 : vector<1x16xf32> to vector<16xf32>
        %parallel_loop3A_819 = arith.index_cast %parallel_loop3A_114 : i32 to index
        %parallel_loop3A_820 = arith.constant 800 : index
        %parallel_loop3A_821 = tpu.vector_load %arg9[%parallel_loop3A_819, %parallel_loop3A_820] {strides = array<i32>} : memref<16x1024xf32, #tpu.memory_space<vmem>>, vector<1x16xf32>,
        %parallel_loop3A_822 = vector.shape_cast %parallel_loop3A_821 : vector<1x16xf32> to vector<16xf32>
        %parallel_loop3A_823 = arith.addf %parallel_loop3A_818, %parallel_loop3A_822 : vector<16xf32>
        %parallel_loop3A_824 = arith.index_cast %parallel_loop3A_114 : i32 to index
        %parallel_loop3A_825 = arith.constant 800 : index
        %parallel_loop3A_826 = tpu.vector_load %arg11[%parallel_loop3A_824, %parallel_loop3A_825] {strides = array<i32>} : memref<16x1024xf32, #tpu.memory_space<vmem>>, vector<1x16xf32>,
        %parallel_loop3A_827 = vector.shape_cast %parallel_loop3A_826 : vector<1x16xf32> to vector<16xf32>
        %parallel_loop3A_828 = vector.shape_cast %parallel_loop3A_823 : vector<16xf32> to vector<1x16xf32>
        tpu.vector_store %arg11[%parallel_loop3A_824, %parallel_loop3A_825], %parallel_loop3A_828 {strides = array<i32>} : memref<16x1024xf32, #tpu.memory_space<vmem>>, vector<1x16xf32>,
        %parallel_loop3A_829 = arith.index_cast %parallel_loop3A_114 : i32 to index
        %parallel_loop3A_830 = arith.constant 816 : index
        %parallel_loop3A_831 = tpu.vector_load %arg7[%parallel_loop3A_829, %parallel_loop3A_830] {strides = array<i32>} : memref<16x1024xf32, #tpu.memory_space<vmem>>, vector<1x16xf32>,
        %parallel_loop3A_832 = vector.shape_cast %parallel_loop3A_831 : vector<1x16xf32> to vector<16xf32>
        %parallel_loop3A_833 = arith.index_cast %parallel_loop3A_114 : i32 to index
        %parallel_loop3A_834 = arith.constant 816 : index
        %parallel_loop3A_835 = tpu.vector_load %arg9[%parallel_loop3A_833, %parallel_loop3A_834] {strides = array<i32>} : memref<16x1024xf32, #tpu.memory_space<vmem>>, vector<1x16xf32>,
        %parallel_loop3A_836 = vector.shape_cast %parallel_loop3A_835 : vector<1x16xf32> to vector<16xf32>
        %parallel_loop3A_837 = arith.addf %parallel_loop3A_832, %parallel_loop3A_836 : vector<16xf32>
        %parallel_loop3A_838 = arith.index_cast %parallel_loop3A_114 : i32 to index
        %parallel_loop3A_839 = arith.constant 816 : index
        %parallel_loop3A_840 = tpu.vector_load %arg11[%parallel_loop3A_838, %parallel_loop3A_839] {strides = array<i32>} : memref<16x1024xf32, #tpu.memory_space<vmem>>, vector<1x16xf32>,
        %parallel_loop3A_841 = vector.shape_cast %parallel_loop3A_840 : vector<1x16xf32> to vector<16xf32>
        %parallel_loop3A_842 = vector.shape_cast %parallel_loop3A_837 : vector<16xf32> to vector<1x16xf32>
        tpu.vector_store %arg11[%parallel_loop3A_838, %parallel_loop3A_839], %parallel_loop3A_842 {strides = array<i32>} : memref<16x1024xf32, #tpu.memory_space<vmem>>, vector<1x16xf32>,
        %parallel_loop3A_843 = arith.index_cast %parallel_loop3A_114 : i32 to index
        %parallel_loop3A_844 = arith.constant 832 : index
        %parallel_loop3A_845 = tpu.vector_load %arg7[%parallel_loop3A_843, %parallel_loop3A_844] {strides = array<i32>} : memref<16x1024xf32, #tpu.memory_space<vmem>>, vector<1x16xf32>,
        %parallel_loop3A_846 = vector.shape_cast %parallel_loop3A_845 : vector<1x16xf32> to vector<16xf32>
        %parallel_loop3A_847 = arith.index_cast %parallel_loop3A_114 : i32 to index
        %parallel_loop3A_848 = arith.constant 832 : index
        %parallel_loop3A_849 = tpu.vector_load %arg9[%parallel_loop3A_847, %parallel_loop3A_848] {strides = array<i32>} : memref<16x1024xf32, #tpu.memory_space<vmem>>, vector<1x16xf32>,
        %parallel_loop3A_850 = vector.shape_cast %parallel_loop3A_849 : vector<1x16xf32> to vector<16xf32>
        %parallel_loop3A_851 = arith.addf %parallel_loop3A_846, %parallel_loop3A_850 : vector<16xf32>
        %parallel_loop3A_852 = arith.index_cast %parallel_loop3A_114 : i32 to index
        %parallel_loop3A_853 = arith.constant 832 : index
        %parallel_loop3A_854 = tpu.vector_load %arg11[%parallel_loop3A_852, %parallel_loop3A_853] {strides = array<i32>} : memref<16x1024xf32, #tpu.memory_space<vmem>>, vector<1x16xf32>,
        %parallel_loop3A_855 = vector.shape_cast %parallel_loop3A_854 : vector<1x16xf32> to vector<16xf32>
        %parallel_loop3A_856 = vector.shape_cast %parallel_loop3A_851 : vector<16xf32> to vector<1x16xf32>
        tpu.vector_store %arg11[%parallel_loop3A_852, %parallel_loop3A_853], %parallel_loop3A_856 {strides = array<i32>} : memref<16x1024xf32, #tpu.memory_space<vmem>>, vector<1x16xf32>,
        %parallel_loop3A_857 = arith.index_cast %parallel_loop3A_114 : i32 to index
        %parallel_loop3A_858 = arith.constant 848 : index
        %parallel_loop3A_859 = tpu.vector_load %arg7[%parallel_loop3A_857, %parallel_loop3A_858] {strides = array<i32>} : memref<16x1024xf32, #tpu.memory_space<vmem>>, vector<1x16xf32>,
        %parallel_loop3A_860 = vector.shape_cast %parallel_loop3A_859 : vector<1x16xf32> to vector<16xf32>
        %parallel_loop3A_861 = arith.index_cast %parallel_loop3A_114 : i32 to index
        %parallel_loop3A_862 = arith.constant 848 : index
        %parallel_loop3A_863 = tpu.vector_load %arg9[%parallel_loop3A_861, %parallel_loop3A_862] {strides = array<i32>} : memref<16x1024xf32, #tpu.memory_space<vmem>>, vector<1x16xf32>,
        %parallel_loop3A_864 = vector.shape_cast %parallel_loop3A_863 : vector<1x16xf32> to vector<16xf32>
        %parallel_loop3A_865 = arith.addf %parallel_loop3A_860, %parallel_loop3A_864 : vector<16xf32>
        %parallel_loop3A_866 = arith.index_cast %parallel_loop3A_114 : i32 to index
        %parallel_loop3A_867 = arith.constant 848 : index
        %parallel_loop3A_868 = tpu.vector_load %arg11[%parallel_loop3A_866, %parallel_loop3A_867] {strides = array<i32>} : memref<16x1024xf32, #tpu.memory_space<vmem>>, vector<1x16xf32>,
        %parallel_loop3A_869 = vector.shape_cast %parallel_loop3A_868 : vector<1x16xf32> to vector<16xf32>
        %parallel_loop3A_870 = vector.shape_cast %parallel_loop3A_865 : vector<16xf32> to vector<1x16xf32>
        tpu.vector_store %arg11[%parallel_loop3A_866, %parallel_loop3A_867], %parallel_loop3A_870 {strides = array<i32>} : memref<16x1024xf32, #tpu.memory_space<vmem>>, vector<1x16xf32>,
        %parallel_loop3A_871 = arith.index_cast %parallel_loop3A_114 : i32 to index
        %parallel_loop3A_872 = arith.constant 864 : index
        %parallel_loop3A_873 = tpu.vector_load %arg7[%parallel_loop3A_871, %parallel_loop3A_872] {strides = array<i32>} : memref<16x1024xf32, #tpu.memory_space<vmem>>, vector<1x16xf32>,
        %parallel_loop3A_874 = vector.shape_cast %parallel_loop3A_873 : vector<1x16xf32> to vector<16xf32>
        %parallel_loop3A_875 = arith.index_cast %parallel_loop3A_114 : i32 to index
        %parallel_loop3A_876 = arith.constant 864 : index
        %parallel_loop3A_877 = tpu.vector_load %arg9[%parallel_loop3A_875, %parallel_loop3A_876] {strides = array<i32>} : memref<16x1024xf32, #tpu.memory_space<vmem>>, vector<1x16xf32>,
        %parallel_loop3A_878 = vector.shape_cast %parallel_loop3A_877 : vector<1x16xf32> to vector<16xf32>
        %parallel_loop3A_879 = arith.addf %parallel_loop3A_874, %parallel_loop3A_878 : vector<16xf32>
        %parallel_loop3A_880 = arith.index_cast %parallel_loop3A_114 : i32 to index
        %parallel_loop3A_881 = arith.constant 864 : index
        %parallel_loop3A_882 = tpu.vector_load %arg11[%parallel_loop3A_880, %parallel_loop3A_881] {strides = array<i32>} : memref<16x1024xf32, #tpu.memory_space<vmem>>, vector<1x16xf32>,
        %parallel_loop3A_883 = vector.shape_cast %parallel_loop3A_882 : vector<1x16xf32> to vector<16xf32>
        %parallel_loop3A_884 = vector.shape_cast %parallel_loop3A_879 : vector<16xf32> to vector<1x16xf32>
        tpu.vector_store %arg11[%parallel_loop3A_880, %parallel_loop3A_881], %parallel_loop3A_884 {strides = array<i32>} : memref<16x1024xf32, #tpu.memory_space<vmem>>, vector<1x16xf32>,
        %parallel_loop3A_885 = arith.index_cast %parallel_loop3A_114 : i32 to index
        %parallel_loop3A_886 = arith.constant 880 : index
        %parallel_loop3A_887 = tpu.vector_load %arg7[%parallel_loop3A_885, %parallel_loop3A_886] {strides = array<i32>} : memref<16x1024xf32, #tpu.memory_space<vmem>>, vector<1x16xf32>,
        %parallel_loop3A_888 = vector.shape_cast %parallel_loop3A_887 : vector<1x16xf32> to vector<16xf32>
        %parallel_loop3A_889 = arith.index_cast %parallel_loop3A_114 : i32 to index
        %parallel_loop3A_890 = arith.constant 880 : index
        %parallel_loop3A_891 = tpu.vector_load %arg9[%parallel_loop3A_889, %parallel_loop3A_890] {strides = array<i32>} : memref<16x1024xf32, #tpu.memory_space<vmem>>, vector<1x16xf32>,
        %parallel_loop3A_892 = vector.shape_cast %parallel_loop3A_891 : vector<1x16xf32> to vector<16xf32>
        %parallel_loop3A_893 = arith.addf %parallel_loop3A_888, %parallel_loop3A_892 : vector<16xf32>
        %parallel_loop3A_894 = arith.index_cast %parallel_loop3A_114 : i32 to index
        %parallel_loop3A_895 = arith.constant 880 : index
        %parallel_loop3A_896 = tpu.vector_load %arg11[%parallel_loop3A_894, %parallel_loop3A_895] {strides = array<i32>} : memref<16x1024xf32, #tpu.memory_space<vmem>>, vector<1x16xf32>,
        %parallel_loop3A_897 = vector.shape_cast %parallel_loop3A_896 : vector<1x16xf32> to vector<16xf32>
        %parallel_loop3A_898 = vector.shape_cast %parallel_loop3A_893 : vector<16xf32> to vector<1x16xf32>
        tpu.vector_store %arg11[%parallel_loop3A_894, %parallel_loop3A_895], %parallel_loop3A_898 {strides = array<i32>} : memref<16x1024xf32, #tpu.memory_space<vmem>>, vector<1x16xf32>,
        %parallel_loop3A_899 = arith.index_cast %parallel_loop3A_114 : i32 to index
        %parallel_loop3A_900 = arith.constant 896 : index
        %parallel_loop3A_901 = tpu.vector_load %arg7[%parallel_loop3A_899, %parallel_loop3A_900] {strides = array<i32>} : memref<16x1024xf32, #tpu.memory_space<vmem>>, vector<1x16xf32>,
        %parallel_loop3A_902 = vector.shape_cast %parallel_loop3A_901 : vector<1x16xf32> to vector<16xf32>
        %parallel_loop3A_903 = arith.index_cast %parallel_loop3A_114 : i32 to index
        %parallel_loop3A_904 = arith.constant 896 : index
        %parallel_loop3A_905 = tpu.vector_load %arg9[%parallel_loop3A_903, %parallel_loop3A_904] {strides = array<i32>} : memref<16x1024xf32, #tpu.memory_space<vmem>>, vector<1x16xf32>,
        %parallel_loop3A_906 = vector.shape_cast %parallel_loop3A_905 : vector<1x16xf32> to vector<16xf32>
        %parallel_loop3A_907 = arith.addf %parallel_loop3A_902, %parallel_loop3A_906 : vector<16xf32>
        %parallel_loop3A_908 = arith.index_cast %parallel_loop3A_114 : i32 to index
        %parallel_loop3A_909 = arith.constant 896 : index
        %parallel_loop3A_910 = tpu.vector_load %arg11[%parallel_loop3A_908, %parallel_loop3A_909] {strides = array<i32>} : memref<16x1024xf32, #tpu.memory_space<vmem>>, vector<1x16xf32>,
        %parallel_loop3A_911 = vector.shape_cast %parallel_loop3A_910 : vector<1x16xf32> to vector<16xf32>
        %parallel_loop3A_912 = vector.shape_cast %parallel_loop3A_907 : vector<16xf32> to vector<1x16xf32>
        tpu.vector_store %arg11[%parallel_loop3A_908, %parallel_loop3A_909], %parallel_loop3A_912 {strides = array<i32>} : memref<16x1024xf32, #tpu.memory_space<vmem>>, vector<1x16xf32>,
        %parallel_loop3A_913 = arith.index_cast %parallel_loop3A_114 : i32 to index
        %parallel_loop3A_914 = arith.constant 912 : index
        %parallel_loop3A_915 = tpu.vector_load %arg7[%parallel_loop3A_913, %parallel_loop3A_914] {strides = array<i32>} : memref<16x1024xf32, #tpu.memory_space<vmem>>, vector<1x16xf32>,
        %parallel_loop3A_916 = vector.shape_cast %parallel_loop3A_915 : vector<1x16xf32> to vector<16xf32>
        %parallel_loop3A_917 = arith.index_cast %parallel_loop3A_114 : i32 to index
        %parallel_loop3A_918 = arith.constant 912 : index
        %parallel_loop3A_919 = tpu.vector_load %arg9[%parallel_loop3A_917, %parallel_loop3A_918] {strides = array<i32>} : memref<16x1024xf32, #tpu.memory_space<vmem>>, vector<1x16xf32>,
        %parallel_loop3A_920 = vector.shape_cast %parallel_loop3A_919 : vector<1x16xf32> to vector<16xf32>
        %parallel_loop3A_921 = arith.addf %parallel_loop3A_916, %parallel_loop3A_920 : vector<16xf32>
        %parallel_loop3A_922 = arith.index_cast %parallel_loop3A_114 : i32 to index
        %parallel_loop3A_923 = arith.constant 912 : index
        %parallel_loop3A_924 = tpu.vector_load %arg11[%parallel_loop3A_922, %parallel_loop3A_923] {strides = array<i32>} : memref<16x1024xf32, #tpu.memory_space<vmem>>, vector<1x16xf32>,
        %parallel_loop3A_925 = vector.shape_cast %parallel_loop3A_924 : vector<1x16xf32> to vector<16xf32>
        %parallel_loop3A_926 = vector.shape_cast %parallel_loop3A_921 : vector<16xf32> to vector<1x16xf32>
        tpu.vector_store %arg11[%parallel_loop3A_922, %parallel_loop3A_923], %parallel_loop3A_926 {strides = array<i32>} : memref<16x1024xf32, #tpu.memory_space<vmem>>, vector<1x16xf32>,
        %parallel_loop3A_927 = arith.index_cast %parallel_loop3A_114 : i32 to index
        %parallel_loop3A_928 = arith.constant 928 : index
        %parallel_loop3A_929 = tpu.vector_load %arg7[%parallel_loop3A_927, %parallel_loop3A_928] {strides = array<i32>} : memref<16x1024xf32, #tpu.memory_space<vmem>>, vector<1x16xf32>,
        %parallel_loop3A_930 = vector.shape_cast %parallel_loop3A_929 : vector<1x16xf32> to vector<16xf32>
        %parallel_loop3A_931 = arith.index_cast %parallel_loop3A_114 : i32 to index
        %parallel_loop3A_932 = arith.constant 928 : index
        %parallel_loop3A_933 = tpu.vector_load %arg9[%parallel_loop3A_931, %parallel_loop3A_932] {strides = array<i32>} : memref<16x1024xf32, #tpu.memory_space<vmem>>, vector<1x16xf32>,
        %parallel_loop3A_934 = vector.shape_cast %parallel_loop3A_933 : vector<1x16xf32> to vector<16xf32>
        %parallel_loop3A_935 = arith.addf %parallel_loop3A_930, %parallel_loop3A_934 : vector<16xf32>
        %parallel_loop3A_936 = arith.index_cast %parallel_loop3A_114 : i32 to index
        %parallel_loop3A_937 = arith.constant 928 : index
        %parallel_loop3A_938 = tpu.vector_load %arg11[%parallel_loop3A_936, %parallel_loop3A_937] {strides = array<i32>} : memref<16x1024xf32, #tpu.memory_space<vmem>>, vector<1x16xf32>,
        %parallel_loop3A_939 = vector.shape_cast %parallel_loop3A_938 : vector<1x16xf32> to vector<16xf32>
        %parallel_loop3A_940 = vector.shape_cast %parallel_loop3A_935 : vector<16xf32> to vector<1x16xf32>
        tpu.vector_store %arg11[%parallel_loop3A_936, %parallel_loop3A_937], %parallel_loop3A_940 {strides = array<i32>} : memref<16x1024xf32, #tpu.memory_space<vmem>>, vector<1x16xf32>,
        %parallel_loop3A_941 = arith.index_cast %parallel_loop3A_114 : i32 to index
        %parallel_loop3A_942 = arith.constant 944 : index
        %parallel_loop3A_943 = tpu.vector_load %arg7[%parallel_loop3A_941, %parallel_loop3A_942] {strides = array<i32>} : memref<16x1024xf32, #tpu.memory_space<vmem>>, vector<1x16xf32>,
        %parallel_loop3A_944 = vector.shape_cast %parallel_loop3A_943 : vector<1x16xf32> to vector<16xf32>
        %parallel_loop3A_945 = arith.index_cast %parallel_loop3A_114 : i32 to index
        %parallel_loop3A_946 = arith.constant 944 : index
        %parallel_loop3A_947 = tpu.vector_load %arg9[%parallel_loop3A_945, %parallel_loop3A_946] {strides = array<i32>} : memref<16x1024xf32, #tpu.memory_space<vmem>>, vector<1x16xf32>,
        %parallel_loop3A_948 = vector.shape_cast %parallel_loop3A_947 : vector<1x16xf32> to vector<16xf32>
        %parallel_loop3A_949 = arith.addf %parallel_loop3A_944, %parallel_loop3A_948 : vector<16xf32>
        %parallel_loop3A_950 = arith.index_cast %parallel_loop3A_114 : i32 to index
        %parallel_loop3A_951 = arith.constant 944 : index
        %parallel_loop3A_952 = tpu.vector_load %arg11[%parallel_loop3A_950, %parallel_loop3A_951] {strides = array<i32>} : memref<16x1024xf32, #tpu.memory_space<vmem>>, vector<1x16xf32>,
        %parallel_loop3A_953 = vector.shape_cast %parallel_loop3A_952 : vector<1x16xf32> to vector<16xf32>
        %parallel_loop3A_954 = vector.shape_cast %parallel_loop3A_949 : vector<16xf32> to vector<1x16xf32>
        tpu.vector_store %arg11[%parallel_loop3A_950, %parallel_loop3A_951], %parallel_loop3A_954 {strides = array<i32>} : memref<16x1024xf32, #tpu.memory_space<vmem>>, vector<1x16xf32>,
        %parallel_loop3A_955 = arith.index_cast %parallel_loop3A_114 : i32 to index
        %parallel_loop3A_956 = arith.constant 960 : index
        %parallel_loop3A_957 = tpu.vector_load %arg7[%parallel_loop3A_955, %parallel_loop3A_956] {strides = array<i32>} : memref<16x1024xf32, #tpu.memory_space<vmem>>, vector<1x16xf32>,
        %parallel_loop3A_958 = vector.shape_cast %parallel_loop3A_957 : vector<1x16xf32> to vector<16xf32>
        %parallel_loop3A_959 = arith.index_cast %parallel_loop3A_114 : i32 to index
        %parallel_loop3A_960 = arith.constant 960 : index
        %parallel_loop3A_961 = tpu.vector_load %arg9[%parallel_loop3A_959, %parallel_loop3A_960] {strides = array<i32>} : memref<16x1024xf32, #tpu.memory_space<vmem>>, vector<1x16xf32>,
        %parallel_loop3A_962 = vector.shape_cast %parallel_loop3A_961 : vector<1x16xf32> to vector<16xf32>
        %parallel_loop3A_963 = arith.addf %parallel_loop3A_958, %parallel_loop3A_962 : vector<16xf32>
        %parallel_loop3A_964 = arith.index_cast %parallel_loop3A_114 : i32 to index
        %parallel_loop3A_965 = arith.constant 960 : index
        %parallel_loop3A_966 = tpu.vector_load %arg11[%parallel_loop3A_964, %parallel_loop3A_965] {strides = array<i32>} : memref<16x1024xf32, #tpu.memory_space<vmem>>, vector<1x16xf32>,
        %parallel_loop3A_967 = vector.shape_cast %parallel_loop3A_966 : vector<1x16xf32> to vector<16xf32>
        %parallel_loop3A_968 = vector.shape_cast %parallel_loop3A_963 : vector<16xf32> to vector<1x16xf32>
        tpu.vector_store %arg11[%parallel_loop3A_964, %parallel_loop3A_965], %parallel_loop3A_968 {strides = array<i32>} : memref<16x1024xf32, #tpu.memory_space<vmem>>, vector<1x16xf32>,
        %parallel_loop3A_969 = arith.index_cast %parallel_loop3A_114 : i32 to index
        %parallel_loop3A_970 = arith.constant 976 : index
        %parallel_loop3A_971 = tpu.vector_load %arg7[%parallel_loop3A_969, %parallel_loop3A_970] {strides = array<i32>} : memref<16x1024xf32, #tpu.memory_space<vmem>>, vector<1x16xf32>,
        %parallel_loop3A_972 = vector.shape_cast %parallel_loop3A_971 : vector<1x16xf32> to vector<16xf32>
        %parallel_loop3A_973 = arith.index_cast %parallel_loop3A_114 : i32 to index
        %parallel_loop3A_974 = arith.constant 976 : index
        %parallel_loop3A_975 = tpu.vector_load %arg9[%parallel_loop3A_973, %parallel_loop3A_974] {strides = array<i32>} : memref<16x1024xf32, #tpu.memory_space<vmem>>, vector<1x16xf32>,
        %parallel_loop3A_976 = vector.shape_cast %parallel_loop3A_975 : vector<1x16xf32> to vector<16xf32>
        %parallel_loop3A_977 = arith.addf %parallel_loop3A_972, %parallel_loop3A_976 : vector<16xf32>
        %parallel_loop3A_978 = arith.index_cast %parallel_loop3A_114 : i32 to index
        %parallel_loop3A_979 = arith.constant 976 : index
        %parallel_loop3A_980 = tpu.vector_load %arg11[%parallel_loop3A_978, %parallel_loop3A_979] {strides = array<i32>} : memref<16x1024xf32, #tpu.memory_space<vmem>>, vector<1x16xf32>,
        %parallel_loop3A_981 = vector.shape_cast %parallel_loop3A_980 : vector<1x16xf32> to vector<16xf32>
        %parallel_loop3A_982 = vector.shape_cast %parallel_loop3A_977 : vector<16xf32> to vector<1x16xf32>
        tpu.vector_store %arg11[%parallel_loop3A_978, %parallel_loop3A_979], %parallel_loop3A_982 {strides = array<i32>} : memref<16x1024xf32, #tpu.memory_space<vmem>>, vector<1x16xf32>,
        %parallel_loop3A_983 = arith.index_cast %parallel_loop3A_114 : i32 to index
        %parallel_loop3A_984 = arith.constant 992 : index
        %parallel_loop3A_985 = tpu.vector_load %arg7[%parallel_loop3A_983, %parallel_loop3A_984] {strides = array<i32>} : memref<16x1024xf32, #tpu.memory_space<vmem>>, vector<1x16xf32>,
        %parallel_loop3A_986 = vector.shape_cast %parallel_loop3A_985 : vector<1x16xf32> to vector<16xf32>
        %parallel_loop3A_987 = arith.index_cast %parallel_loop3A_114 : i32 to index
        %parallel_loop3A_988 = arith.constant 992 : index
        %parallel_loop3A_989 = tpu.vector_load %arg9[%parallel_loop3A_987, %parallel_loop3A_988] {strides = array<i32>} : memref<16x1024xf32, #tpu.memory_space<vmem>>, vector<1x16xf32>,
        %parallel_loop3A_990 = vector.shape_cast %parallel_loop3A_989 : vector<1x16xf32> to vector<16xf32>
        %parallel_loop3A_991 = arith.addf %parallel_loop3A_986, %parallel_loop3A_990 : vector<16xf32>
        %parallel_loop3A_992 = arith.index_cast %parallel_loop3A_114 : i32 to index
        %parallel_loop3A_993 = arith.constant 992 : index
        %parallel_loop3A_994 = tpu.vector_load %arg11[%parallel_loop3A_992, %parallel_loop3A_993] {strides = array<i32>} : memref<16x1024xf32, #tpu.memory_space<vmem>>, vector<1x16xf32>,
        %parallel_loop3A_995 = vector.shape_cast %parallel_loop3A_994 : vector<1x16xf32> to vector<16xf32>
        %parallel_loop3A_996 = vector.shape_cast %parallel_loop3A_991 : vector<16xf32> to vector<1x16xf32>
        tpu.vector_store %arg11[%parallel_loop3A_992, %parallel_loop3A_993], %parallel_loop3A_996 {strides = array<i32>} : memref<16x1024xf32, #tpu.memory_space<vmem>>, vector<1x16xf32>,
        %parallel_loop3A_997 = arith.index_cast %parallel_loop3A_114 : i32 to index
        %parallel_loop3A_998 = arith.constant 1008 : index
        %parallel_loop3A_999 = tpu.vector_load %arg7[%parallel_loop3A_997, %parallel_loop3A_998] {strides = array<i32>} : memref<16x1024xf32, #tpu.memory_space<vmem>>, vector<1x16xf32>,
        %parallel_loop3A_1000 = vector.shape_cast %parallel_loop3A_999 : vector<1x16xf32> to vector<16xf32>
        %parallel_loop3A_1001 = arith.index_cast %parallel_loop3A_114 : i32 to index
        %parallel_loop3A_1002 = arith.constant 1008 : index
        %parallel_loop3A_1003 = tpu.vector_load %arg9[%parallel_loop3A_1001, %parallel_loop3A_1002] {strides = array<i32>} : memref<16x1024xf32, #tpu.memory_space<vmem>>, vector<1x16xf32>,
        %parallel_loop3A_1004 = vector.shape_cast %parallel_loop3A_1003 : vector<1x16xf32> to vector<16xf32>
        %parallel_loop3A_1005 = arith.addf %parallel_loop3A_1000, %parallel_loop3A_1004 : vector<16xf32>
        %parallel_loop3A_1006 = arith.index_cast %parallel_loop3A_114 : i32 to index
        %parallel_loop3A_1007 = arith.constant 1008 : index
        %parallel_loop3A_1008 = tpu.vector_load %arg11[%parallel_loop3A_1006, %parallel_loop3A_1007] {strides = array<i32>} : memref<16x1024xf32, #tpu.memory_space<vmem>>, vector<1x16xf32>,
        %parallel_loop3A_1009 = vector.shape_cast %parallel_loop3A_1008 : vector<1x16xf32> to vector<16xf32>
        %parallel_loop3A_1010 = vector.shape_cast %parallel_loop3A_1005 : vector<16xf32> to vector<1x16xf32>
        tpu.vector_store %arg11[%parallel_loop3A_1006, %parallel_loop3A_1007], %parallel_loop3A_1010 {strides = array<i32>} : memref<16x1024xf32, #tpu.memory_space<vmem>>, vector<1x16xf32>,
      } {sc.loop_unroll_factor = 1 : i64, sc.parallel_access}
      %mul3A_62 = arith.constant 16 : i32
      %mul3A_63 = arith.muli %add3A_44, %mul3A_62 : i32
      %add3A_64 = arith.addi %mul3A_2, %mul3A_63 : i32
      %dma_start3A_65 = arith.constant 0 : i32
      %dma_start3A_66 = tpu.memref_slice %arg5[%add3A_64, %dma_start3A_65] : memref<32768x1024xf32, #tpu.memory_space<hbm>> -> memref<16x1024xf32, #tpu.memory_space<hbm>>
      %dma_start3A_67 = arith.constant 0 : i32
      %dma_start3A_68 = tpu.memref_slice %arg5[%add3A_64, %dma_start3A_67] : memref<32768x1024xf32, #tpu.memory_space<hbm>> -> memref<16x1024xf32, #tpu.memory_space<hbm>>
      tpu.enqueue_dma source(%arg11 : memref<16x1024xf32, #tpu.memory_space<vmem>>) target(%dma_start3A_68 : memref<16x1024xf32, #tpu.memory_space<hbm>>) target_semaphore(%arg17 : memref<!tpu.dma_semaphore, #tpu.memory_space<semaphore_mem>>)
      %add3A_69 = arith.constant 2 : i32
      %add3A_70 = arith.addi %add3A_44, %add3A_69 : i32
      %lt3A = arith.constant 64 : i32
      %lt3A_71 = arith.cmpi slt, %add3A_70, %lt3A : i32
      %convert_element_type3A_72 = arith.extui %lt3A_71 : i1 to i32
      %cond3A_73 = arith.constant 0 : i32
      %cond3A_74 = arith.cmpi ne, %convert_element_type3A_72, %cond3A_73 : i32
      scf.if %cond3A_74 {
        %add3A_114 = arith.constant 2 : i32
        %add3A_115 = arith.addi %add3A_44, %add3A_114 : i32
        %mul3A_116 = arith.constant 16 : i32
        %mul3A_117 = arith.muli %add3A_115, %mul3A_116 : i32
        %add3A_118 = arith.addi %mul3A_2, %mul3A_117 : i32
        %mul3A_119 = arith.constant 16 : i32
        %mul3A_120 = arith.muli %add3A_115, %mul3A_119 : i32
        %dma_start3A_121 = arith.constant 0 : i32
        %dma_start3A_122 = tpu.memref_slice %arg2[%add3A_118, %dma_start3A_121] : memref<32768x1024xf32, #tpu.memory_space<hbm>> -> memref<16x1024xf32, #tpu.memory_space<hbm>>
        %dma_start3A_123 = arith.constant 0 : i32
        %dma_start3A_124 = tpu.memref_slice %arg2[%add3A_118, %dma_start3A_123] : memref<32768x1024xf32, #tpu.memory_space<hbm>> -> memref<16x1024xf32, #tpu.memory_space<hbm>>
        tpu.enqueue_dma source(%dma_start3A_124 : memref<16x1024xf32, #tpu.memory_space<hbm>>) target(%arg7 : memref<16x1024xf32, #tpu.memory_space<vmem>>) target_semaphore(%arg13 : memref<!tpu.dma_semaphore, #tpu.memory_space<semaphore_mem>>)
        %dma_start3A_125 = tpu.memref_slice %arg6[%mul3A_120] : memref<1024xi32, #tpu.memory_space<vmem>> -> memref<16xi32, #tpu.memory_space<vmem>>
        %dma_start3A_126 = arith.constant 0 : i32
        %dma_start3A_127 = arith.constant 0 : i32
        %dma_start3A_128 = tpu.memref_slice %arg4[%dma_start3A_126, %dma_start3A_127] : memref<8192x1024xf32, #tpu.memory_space<hbm>> -> memref<8192x1024xf32, #tpu.memory_space<hbm>>
        tpu.enqueue_indirect_dma source(%dma_start3A_128 : memref<8192x1024xf32, #tpu.memory_space<hbm>>) target(%arg9 : memref<16x1024xf32, #tpu.memory_space<vmem>>) offsets(%dma_start3A_125 : memref<16xi32, #tpu.memory_space<vmem>>) semaphore(%arg15 : memref<!tpu.dma_semaphore, #tpu.memory_space<semaphore_mem>>)
      } else {
      }
      %mul3A_75 = arith.constant 2 : i32
      %mul3A_76 = arith.muli %mul3A_75, %scan3A_40 : i32
      %add3A_77 = arith.constant 1 : i32
      %add3A_78 = arith.addi %mul3A_76, %add3A_77 : i32
      %mul3A_79 = arith.constant 16 : i32
      %mul3A_80 = arith.muli %add3A_78, %mul3A_79 : i32
      %add3A_81 = arith.addi %mul3A_2, %mul3A_80 : i32
      %mul3A_82 = arith.constant 16 : i32
      %mul3A_83 = arith.muli %add3A_78, %mul3A_82 : i32
      %dma_wait3A_84 = arith.constant 0 : i32
      %dma_wait3A_85 = tpu.memref_slice %arg2[%add3A_81, %dma_wait3A_84] : memref<32768x1024xf32, #tpu.memory_space<hbm>> -> memref<16x1024xf32, #tpu.memory_space<hbm>>
      %dma_wait3A_86 = arith.constant 0 : i32
      %dma_wait3A_87 = tpu.memref_slice %arg2[%add3A_81, %dma_wait3A_86] : memref<32768x1024xf32, #tpu.memory_space<hbm>> -> memref<16x1024xf32, #tpu.memory_space<hbm>>
      tpu.wait_dma2 semaphore(%arg14 : memref<!tpu.dma_semaphore, #tpu.memory_space<semaphore_mem>>) src(%dma_wait3A_87 : memref<16x1024xf32, #tpu.memory_space<hbm>>) dst(%arg8 : memref<16x1024xf32, #tpu.memory_space<vmem>>)
      %dma_wait3A_88 = tpu.memref_slice %arg6[%mul3A_83] : memref<1024xi32, #tpu.memory_space<vmem>> -> memref<16xi32, #tpu.memory_space<vmem>>
      %dma_wait3A_89 = arith.constant 0 : i32
      %dma_wait3A_90 = arith.constant 0 : i32
      %dma_wait3A_91 = tpu.memref_slice %arg4[%dma_wait3A_89, %dma_wait3A_90] : memref<8192x1024xf32, #tpu.memory_space<hbm>> -> memref<8192x1024xf32, #tpu.memory_space<hbm>>
      tpu.wait_indirect_dma semaphore(%arg16 : memref<!tpu.dma_semaphore, #tpu.memory_space<semaphore_mem>>) src(%dma_wait3A_91 : memref<8192x1024xf32, #tpu.memory_space<hbm>>) dst(%arg10 : memref<16x1024xf32, #tpu.memory_space<vmem>>)
      %ge3A_92 = arith.constant 2 : i32
      %ge3A_93 = arith.cmpi sge, %add3A_78, %ge3A_92 : i32
      %convert_element_type3A_94 = arith.extui %ge3A_93 : i1 to i32
      %cond3A_95 = arith.constant 0 : i32
      %cond3A_96 = arith.cmpi ne, %convert_element_type3A_94, %cond3A_95 : i32
      scf.if %cond3A_96 {
        %sub3A = arith.constant 2 : i32
        %sub3A_114 = arith.subi %add3A_78, %sub3A : i32
        %mul3A_115 = arith.constant 16 : i32
        %mul3A_116 = arith.muli %sub3A_114, %mul3A_115 : i32
        %add3A_117 = arith.addi %mul3A_2, %mul3A_116 : i32
        %dma_wait3A_118 = arith.constant 0 : i32
        %dma_wait3A_119 = tpu.memref_slice %arg5[%add3A_117, %dma_wait3A_118] : memref<32768x1024xf32, #tpu.memory_space<hbm>> -> memref<16x1024xf32, #tpu.memory_space<hbm>>
        %dma_wait3A_120 = arith.constant 0 : i32
        %dma_wait3A_121 = tpu.memref_slice %arg5[%add3A_117, %dma_wait3A_120] : memref<32768x1024xf32, #tpu.memory_space<hbm>> -> memref<16x1024xf32, #tpu.memory_space<hbm>>
        tpu.wait_dma2 semaphore(%arg18 : memref<!tpu.dma_semaphore, #tpu.memory_space<semaphore_mem>>) src(%arg12 : memref<16x1024xf32, #tpu.memory_space<vmem>>) dst(%dma_wait3A_121 : memref<16x1024xf32, #tpu.memory_space<hbm>>)
      } else {
      }
      %parallel_loop3A_97 = arith.constant 0 : i32
      %parallel_loop3A_98 = arith.constant 16 : i32
      %parallel_loop3A_99 = arith.constant 1 : i32
      scf.for %parallel_loop3A_114 = %parallel_loop3A_97 to %parallel_loop3A_98 step %parallel_loop3A_99  : i32 {
        %parallel_loop3A_115 = arith.index_cast %parallel_loop3A_114 : i32 to index
        %parallel_loop3A_116 = arith.constant 0 : index
        %parallel_loop3A_117 = tpu.vector_load %arg8[%parallel_loop3A_115, %parallel_loop3A_116] {strides = array<i32>} : memref<16x1024xf32, #tpu.memory_space<vmem>>, vector<1x16xf32>,
        %parallel_loop3A_118 = vector.shape_cast %parallel_loop3A_117 : vector<1x16xf32> to vector<16xf32>
        %parallel_loop3A_119 = arith.index_cast %parallel_loop3A_114 : i32 to index
        %parallel_loop3A_120 = arith.constant 0 : index
        %parallel_loop3A_121 = tpu.vector_load %arg10[%parallel_loop3A_119, %parallel_loop3A_120] {strides = array<i32>} : memref<16x1024xf32, #tpu.memory_space<vmem>>, vector<1x16xf32>,
        %parallel_loop3A_122 = vector.shape_cast %parallel_loop3A_121 : vector<1x16xf32> to vector<16xf32>
        %parallel_loop3A_123 = arith.addf %parallel_loop3A_118, %parallel_loop3A_122 : vector<16xf32>
        %parallel_loop3A_124 = arith.index_cast %parallel_loop3A_114 : i32 to index
        %parallel_loop3A_125 = arith.constant 0 : index
        %parallel_loop3A_126 = tpu.vector_load %arg12[%parallel_loop3A_124, %parallel_loop3A_125] {strides = array<i32>} : memref<16x1024xf32, #tpu.memory_space<vmem>>, vector<1x16xf32>,
        %parallel_loop3A_127 = vector.shape_cast %parallel_loop3A_126 : vector<1x16xf32> to vector<16xf32>
        %parallel_loop3A_128 = vector.shape_cast %parallel_loop3A_123 : vector<16xf32> to vector<1x16xf32>
        tpu.vector_store %arg12[%parallel_loop3A_124, %parallel_loop3A_125], %parallel_loop3A_128 {strides = array<i32>} : memref<16x1024xf32, #tpu.memory_space<vmem>>, vector<1x16xf32>,
        %parallel_loop3A_129 = arith.index_cast %parallel_loop3A_114 : i32 to index
        %parallel_loop3A_130 = arith.constant 16 : index
        %parallel_loop3A_131 = tpu.vector_load %arg8[%parallel_loop3A_129, %parallel_loop3A_130] {strides = array<i32>} : memref<16x1024xf32, #tpu.memory_space<vmem>>, vector<1x16xf32>,
        %parallel_loop3A_132 = vector.shape_cast %parallel_loop3A_131 : vector<1x16xf32> to vector<16xf32>
        %parallel_loop3A_133 = arith.index_cast %parallel_loop3A_114 : i32 to index
        %parallel_loop3A_134 = arith.constant 16 : index
        %parallel_loop3A_135 = tpu.vector_load %arg10[%parallel_loop3A_133, %parallel_loop3A_134] {strides = array<i32>} : memref<16x1024xf32, #tpu.memory_space<vmem>>, vector<1x16xf32>,
        %parallel_loop3A_136 = vector.shape_cast %parallel_loop3A_135 : vector<1x16xf32> to vector<16xf32>
        %parallel_loop3A_137 = arith.addf %parallel_loop3A_132, %parallel_loop3A_136 : vector<16xf32>
        %parallel_loop3A_138 = arith.index_cast %parallel_loop3A_114 : i32 to index
        %parallel_loop3A_139 = arith.constant 16 : index
        %parallel_loop3A_140 = tpu.vector_load %arg12[%parallel_loop3A_138, %parallel_loop3A_139] {strides = array<i32>} : memref<16x1024xf32, #tpu.memory_space<vmem>>, vector<1x16xf32>,
        %parallel_loop3A_141 = vector.shape_cast %parallel_loop3A_140 : vector<1x16xf32> to vector<16xf32>
        %parallel_loop3A_142 = vector.shape_cast %parallel_loop3A_137 : vector<16xf32> to vector<1x16xf32>
        tpu.vector_store %arg12[%parallel_loop3A_138, %parallel_loop3A_139], %parallel_loop3A_142 {strides = array<i32>} : memref<16x1024xf32, #tpu.memory_space<vmem>>, vector<1x16xf32>,
        %parallel_loop3A_143 = arith.index_cast %parallel_loop3A_114 : i32 to index
        %parallel_loop3A_144 = arith.constant 32 : index
        %parallel_loop3A_145 = tpu.vector_load %arg8[%parallel_loop3A_143, %parallel_loop3A_144] {strides = array<i32>} : memref<16x1024xf32, #tpu.memory_space<vmem>>, vector<1x16xf32>,
        %parallel_loop3A_146 = vector.shape_cast %parallel_loop3A_145 : vector<1x16xf32> to vector<16xf32>
        %parallel_loop3A_147 = arith.index_cast %parallel_loop3A_114 : i32 to index
        %parallel_loop3A_148 = arith.constant 32 : index
        %parallel_loop3A_149 = tpu.vector_load %arg10[%parallel_loop3A_147, %parallel_loop3A_148] {strides = array<i32>} : memref<16x1024xf32, #tpu.memory_space<vmem>>, vector<1x16xf32>,
        %parallel_loop3A_150 = vector.shape_cast %parallel_loop3A_149 : vector<1x16xf32> to vector<16xf32>
        %parallel_loop3A_151 = arith.addf %parallel_loop3A_146, %parallel_loop3A_150 : vector<16xf32>
        %parallel_loop3A_152 = arith.index_cast %parallel_loop3A_114 : i32 to index
        %parallel_loop3A_153 = arith.constant 32 : index
        %parallel_loop3A_154 = tpu.vector_load %arg12[%parallel_loop3A_152, %parallel_loop3A_153] {strides = array<i32>} : memref<16x1024xf32, #tpu.memory_space<vmem>>, vector<1x16xf32>,
        %parallel_loop3A_155 = vector.shape_cast %parallel_loop3A_154 : vector<1x16xf32> to vector<16xf32>
        %parallel_loop3A_156 = vector.shape_cast %parallel_loop3A_151 : vector<16xf32> to vector<1x16xf32>
        tpu.vector_store %arg12[%parallel_loop3A_152, %parallel_loop3A_153], %parallel_loop3A_156 {strides = array<i32>} : memref<16x1024xf32, #tpu.memory_space<vmem>>, vector<1x16xf32>,
        %parallel_loop3A_157 = arith.index_cast %parallel_loop3A_114 : i32 to index
        %parallel_loop3A_158 = arith.constant 48 : index
        %parallel_loop3A_159 = tpu.vector_load %arg8[%parallel_loop3A_157, %parallel_loop3A_158] {strides = array<i32>} : memref<16x1024xf32, #tpu.memory_space<vmem>>, vector<1x16xf32>,
        %parallel_loop3A_160 = vector.shape_cast %parallel_loop3A_159 : vector<1x16xf32> to vector<16xf32>
        %parallel_loop3A_161 = arith.index_cast %parallel_loop3A_114 : i32 to index
        %parallel_loop3A_162 = arith.constant 48 : index
        %parallel_loop3A_163 = tpu.vector_load %arg10[%parallel_loop3A_161, %parallel_loop3A_162] {strides = array<i32>} : memref<16x1024xf32, #tpu.memory_space<vmem>>, vector<1x16xf32>,
        %parallel_loop3A_164 = vector.shape_cast %parallel_loop3A_163 : vector<1x16xf32> to vector<16xf32>
        %parallel_loop3A_165 = arith.addf %parallel_loop3A_160, %parallel_loop3A_164 : vector<16xf32>
        %parallel_loop3A_166 = arith.index_cast %parallel_loop3A_114 : i32 to index
        %parallel_loop3A_167 = arith.constant 48 : index
        %parallel_loop3A_168 = tpu.vector_load %arg12[%parallel_loop3A_166, %parallel_loop3A_167] {strides = array<i32>} : memref<16x1024xf32, #tpu.memory_space<vmem>>, vector<1x16xf32>,
        %parallel_loop3A_169 = vector.shape_cast %parallel_loop3A_168 : vector<1x16xf32> to vector<16xf32>
        %parallel_loop3A_170 = vector.shape_cast %parallel_loop3A_165 : vector<16xf32> to vector<1x16xf32>
        tpu.vector_store %arg12[%parallel_loop3A_166, %parallel_loop3A_167], %parallel_loop3A_170 {strides = array<i32>} : memref<16x1024xf32, #tpu.memory_space<vmem>>, vector<1x16xf32>,
        %parallel_loop3A_171 = arith.index_cast %parallel_loop3A_114 : i32 to index
        %parallel_loop3A_172 = arith.constant 64 : index
        %parallel_loop3A_173 = tpu.vector_load %arg8[%parallel_loop3A_171, %parallel_loop3A_172] {strides = array<i32>} : memref<16x1024xf32, #tpu.memory_space<vmem>>, vector<1x16xf32>,
        %parallel_loop3A_174 = vector.shape_cast %parallel_loop3A_173 : vector<1x16xf32> to vector<16xf32>
        %parallel_loop3A_175 = arith.index_cast %parallel_loop3A_114 : i32 to index
        %parallel_loop3A_176 = arith.constant 64 : index
        %parallel_loop3A_177 = tpu.vector_load %arg10[%parallel_loop3A_175, %parallel_loop3A_176] {strides = array<i32>} : memref<16x1024xf32, #tpu.memory_space<vmem>>, vector<1x16xf32>,
        %parallel_loop3A_178 = vector.shape_cast %parallel_loop3A_177 : vector<1x16xf32> to vector<16xf32>
        %parallel_loop3A_179 = arith.addf %parallel_loop3A_174, %parallel_loop3A_178 : vector<16xf32>
        %parallel_loop3A_180 = arith.index_cast %parallel_loop3A_114 : i32 to index
        %parallel_loop3A_181 = arith.constant 64 : index
        %parallel_loop3A_182 = tpu.vector_load %arg12[%parallel_loop3A_180, %parallel_loop3A_181] {strides = array<i32>} : memref<16x1024xf32, #tpu.memory_space<vmem>>, vector<1x16xf32>,
        %parallel_loop3A_183 = vector.shape_cast %parallel_loop3A_182 : vector<1x16xf32> to vector<16xf32>
        %parallel_loop3A_184 = vector.shape_cast %parallel_loop3A_179 : vector<16xf32> to vector<1x16xf32>
        tpu.vector_store %arg12[%parallel_loop3A_180, %parallel_loop3A_181], %parallel_loop3A_184 {strides = array<i32>} : memref<16x1024xf32, #tpu.memory_space<vmem>>, vector<1x16xf32>,
        %parallel_loop3A_185 = arith.index_cast %parallel_loop3A_114 : i32 to index
        %parallel_loop3A_186 = arith.constant 80 : index
        %parallel_loop3A_187 = tpu.vector_load %arg8[%parallel_loop3A_185, %parallel_loop3A_186] {strides = array<i32>} : memref<16x1024xf32, #tpu.memory_space<vmem>>, vector<1x16xf32>,
        %parallel_loop3A_188 = vector.shape_cast %parallel_loop3A_187 : vector<1x16xf32> to vector<16xf32>
        %parallel_loop3A_189 = arith.index_cast %parallel_loop3A_114 : i32 to index
        %parallel_loop3A_190 = arith.constant 80 : index
        %parallel_loop3A_191 = tpu.vector_load %arg10[%parallel_loop3A_189, %parallel_loop3A_190] {strides = array<i32>} : memref<16x1024xf32, #tpu.memory_space<vmem>>, vector<1x16xf32>,
        %parallel_loop3A_192 = vector.shape_cast %parallel_loop3A_191 : vector<1x16xf32> to vector<16xf32>
        %parallel_loop3A_193 = arith.addf %parallel_loop3A_188, %parallel_loop3A_192 : vector<16xf32>
        %parallel_loop3A_194 = arith.index_cast %parallel_loop3A_114 : i32 to index
        %parallel_loop3A_195 = arith.constant 80 : index
        %parallel_loop3A_196 = tpu.vector_load %arg12[%parallel_loop3A_194, %parallel_loop3A_195] {strides = array<i32>} : memref<16x1024xf32, #tpu.memory_space<vmem>>, vector<1x16xf32>,
        %parallel_loop3A_197 = vector.shape_cast %parallel_loop3A_196 : vector<1x16xf32> to vector<16xf32>
        %parallel_loop3A_198 = vector.shape_cast %parallel_loop3A_193 : vector<16xf32> to vector<1x16xf32>
        tpu.vector_store %arg12[%parallel_loop3A_194, %parallel_loop3A_195], %parallel_loop3A_198 {strides = array<i32>} : memref<16x1024xf32, #tpu.memory_space<vmem>>, vector<1x16xf32>,
        %parallel_loop3A_199 = arith.index_cast %parallel_loop3A_114 : i32 to index
        %parallel_loop3A_200 = arith.constant 96 : index
        %parallel_loop3A_201 = tpu.vector_load %arg8[%parallel_loop3A_199, %parallel_loop3A_200] {strides = array<i32>} : memref<16x1024xf32, #tpu.memory_space<vmem>>, vector<1x16xf32>,
        %parallel_loop3A_202 = vector.shape_cast %parallel_loop3A_201 : vector<1x16xf32> to vector<16xf32>
        %parallel_loop3A_203 = arith.index_cast %parallel_loop3A_114 : i32 to index
        %parallel_loop3A_204 = arith.constant 96 : index
        %parallel_loop3A_205 = tpu.vector_load %arg10[%parallel_loop3A_203, %parallel_loop3A_204] {strides = array<i32>} : memref<16x1024xf32, #tpu.memory_space<vmem>>, vector<1x16xf32>,
        %parallel_loop3A_206 = vector.shape_cast %parallel_loop3A_205 : vector<1x16xf32> to vector<16xf32>
        %parallel_loop3A_207 = arith.addf %parallel_loop3A_202, %parallel_loop3A_206 : vector<16xf32>
        %parallel_loop3A_208 = arith.index_cast %parallel_loop3A_114 : i32 to index
        %parallel_loop3A_209 = arith.constant 96 : index
        %parallel_loop3A_210 = tpu.vector_load %arg12[%parallel_loop3A_208, %parallel_loop3A_209] {strides = array<i32>} : memref<16x1024xf32, #tpu.memory_space<vmem>>, vector<1x16xf32>,
        %parallel_loop3A_211 = vector.shape_cast %parallel_loop3A_210 : vector<1x16xf32> to vector<16xf32>
        %parallel_loop3A_212 = vector.shape_cast %parallel_loop3A_207 : vector<16xf32> to vector<1x16xf32>
        tpu.vector_store %arg12[%parallel_loop3A_208, %parallel_loop3A_209], %parallel_loop3A_212 {strides = array<i32>} : memref<16x1024xf32, #tpu.memory_space<vmem>>, vector<1x16xf32>,
        %parallel_loop3A_213 = arith.index_cast %parallel_loop3A_114 : i32 to index
        %parallel_loop3A_214 = arith.constant 112 : index
        %parallel_loop3A_215 = tpu.vector_load %arg8[%parallel_loop3A_213, %parallel_loop3A_214] {strides = array<i32>} : memref<16x1024xf32, #tpu.memory_space<vmem>>, vector<1x16xf32>,
        %parallel_loop3A_216 = vector.shape_cast %parallel_loop3A_215 : vector<1x16xf32> to vector<16xf32>
        %parallel_loop3A_217 = arith.index_cast %parallel_loop3A_114 : i32 to index
        %parallel_loop3A_218 = arith.constant 112 : index
        %parallel_loop3A_219 = tpu.vector_load %arg10[%parallel_loop3A_217, %parallel_loop3A_218] {strides = array<i32>} : memref<16x1024xf32, #tpu.memory_space<vmem>>, vector<1x16xf32>,
        %parallel_loop3A_220 = vector.shape_cast %parallel_loop3A_219 : vector<1x16xf32> to vector<16xf32>
        %parallel_loop3A_221 = arith.addf %parallel_loop3A_216, %parallel_loop3A_220 : vector<16xf32>
        %parallel_loop3A_222 = arith.index_cast %parallel_loop3A_114 : i32 to index
        %parallel_loop3A_223 = arith.constant 112 : index
        %parallel_loop3A_224 = tpu.vector_load %arg12[%parallel_loop3A_222, %parallel_loop3A_223] {strides = array<i32>} : memref<16x1024xf32, #tpu.memory_space<vmem>>, vector<1x16xf32>,
        %parallel_loop3A_225 = vector.shape_cast %parallel_loop3A_224 : vector<1x16xf32> to vector<16xf32>
        %parallel_loop3A_226 = vector.shape_cast %parallel_loop3A_221 : vector<16xf32> to vector<1x16xf32>
        tpu.vector_store %arg12[%parallel_loop3A_222, %parallel_loop3A_223], %parallel_loop3A_226 {strides = array<i32>} : memref<16x1024xf32, #tpu.memory_space<vmem>>, vector<1x16xf32>,
        %parallel_loop3A_227 = arith.index_cast %parallel_loop3A_114 : i32 to index
        %parallel_loop3A_228 = arith.constant 128 : index
        %parallel_loop3A_229 = tpu.vector_load %arg8[%parallel_loop3A_227, %parallel_loop3A_228] {strides = array<i32>} : memref<16x1024xf32, #tpu.memory_space<vmem>>, vector<1x16xf32>,
        %parallel_loop3A_230 = vector.shape_cast %parallel_loop3A_229 : vector<1x16xf32> to vector<16xf32>
        %parallel_loop3A_231 = arith.index_cast %parallel_loop3A_114 : i32 to index
        %parallel_loop3A_232 = arith.constant 128 : index
        %parallel_loop3A_233 = tpu.vector_load %arg10[%parallel_loop3A_231, %parallel_loop3A_232] {strides = array<i32>} : memref<16x1024xf32, #tpu.memory_space<vmem>>, vector<1x16xf32>,
        %parallel_loop3A_234 = vector.shape_cast %parallel_loop3A_233 : vector<1x16xf32> to vector<16xf32>
        %parallel_loop3A_235 = arith.addf %parallel_loop3A_230, %parallel_loop3A_234 : vector<16xf32>
        %parallel_loop3A_236 = arith.index_cast %parallel_loop3A_114 : i32 to index
        %parallel_loop3A_237 = arith.constant 128 : index
        %parallel_loop3A_238 = tpu.vector_load %arg12[%parallel_loop3A_236, %parallel_loop3A_237] {strides = array<i32>} : memref<16x1024xf32, #tpu.memory_space<vmem>>, vector<1x16xf32>,
        %parallel_loop3A_239 = vector.shape_cast %parallel_loop3A_238 : vector<1x16xf32> to vector<16xf32>
        %parallel_loop3A_240 = vector.shape_cast %parallel_loop3A_235 : vector<16xf32> to vector<1x16xf32>
        tpu.vector_store %arg12[%parallel_loop3A_236, %parallel_loop3A_237], %parallel_loop3A_240 {strides = array<i32>} : memref<16x1024xf32, #tpu.memory_space<vmem>>, vector<1x16xf32>,
        %parallel_loop3A_241 = arith.index_cast %parallel_loop3A_114 : i32 to index
        %parallel_loop3A_242 = arith.constant 144 : index
        %parallel_loop3A_243 = tpu.vector_load %arg8[%parallel_loop3A_241, %parallel_loop3A_242] {strides = array<i32>} : memref<16x1024xf32, #tpu.memory_space<vmem>>, vector<1x16xf32>,
        %parallel_loop3A_244 = vector.shape_cast %parallel_loop3A_243 : vector<1x16xf32> to vector<16xf32>
        %parallel_loop3A_245 = arith.index_cast %parallel_loop3A_114 : i32 to index
        %parallel_loop3A_246 = arith.constant 144 : index
        %parallel_loop3A_247 = tpu.vector_load %arg10[%parallel_loop3A_245, %parallel_loop3A_246] {strides = array<i32>} : memref<16x1024xf32, #tpu.memory_space<vmem>>, vector<1x16xf32>,
        %parallel_loop3A_248 = vector.shape_cast %parallel_loop3A_247 : vector<1x16xf32> to vector<16xf32>
        %parallel_loop3A_249 = arith.addf %parallel_loop3A_244, %parallel_loop3A_248 : vector<16xf32>
        %parallel_loop3A_250 = arith.index_cast %parallel_loop3A_114 : i32 to index
        %parallel_loop3A_251 = arith.constant 144 : index
        %parallel_loop3A_252 = tpu.vector_load %arg12[%parallel_loop3A_250, %parallel_loop3A_251] {strides = array<i32>} : memref<16x1024xf32, #tpu.memory_space<vmem>>, vector<1x16xf32>,
        %parallel_loop3A_253 = vector.shape_cast %parallel_loop3A_252 : vector<1x16xf32> to vector<16xf32>
        %parallel_loop3A_254 = vector.shape_cast %parallel_loop3A_249 : vector<16xf32> to vector<1x16xf32>
        tpu.vector_store %arg12[%parallel_loop3A_250, %parallel_loop3A_251], %parallel_loop3A_254 {strides = array<i32>} : memref<16x1024xf32, #tpu.memory_space<vmem>>, vector<1x16xf32>,
        %parallel_loop3A_255 = arith.index_cast %parallel_loop3A_114 : i32 to index
        %parallel_loop3A_256 = arith.constant 160 : index
        %parallel_loop3A_257 = tpu.vector_load %arg8[%parallel_loop3A_255, %parallel_loop3A_256] {strides = array<i32>} : memref<16x1024xf32, #tpu.memory_space<vmem>>, vector<1x16xf32>,
        %parallel_loop3A_258 = vector.shape_cast %parallel_loop3A_257 : vector<1x16xf32> to vector<16xf32>
        %parallel_loop3A_259 = arith.index_cast %parallel_loop3A_114 : i32 to index
        %parallel_loop3A_260 = arith.constant 160 : index
        %parallel_loop3A_261 = tpu.vector_load %arg10[%parallel_loop3A_259, %parallel_loop3A_260] {strides = array<i32>} : memref<16x1024xf32, #tpu.memory_space<vmem>>, vector<1x16xf32>,
        %parallel_loop3A_262 = vector.shape_cast %parallel_loop3A_261 : vector<1x16xf32> to vector<16xf32>
        %parallel_loop3A_263 = arith.addf %parallel_loop3A_258, %parallel_loop3A_262 : vector<16xf32>
        %parallel_loop3A_264 = arith.index_cast %parallel_loop3A_114 : i32 to index
        %parallel_loop3A_265 = arith.constant 160 : index
        %parallel_loop3A_266 = tpu.vector_load %arg12[%parallel_loop3A_264, %parallel_loop3A_265] {strides = array<i32>} : memref<16x1024xf32, #tpu.memory_space<vmem>>, vector<1x16xf32>,
        %parallel_loop3A_267 = vector.shape_cast %parallel_loop3A_266 : vector<1x16xf32> to vector<16xf32>
        %parallel_loop3A_268 = vector.shape_cast %parallel_loop3A_263 : vector<16xf32> to vector<1x16xf32>
        tpu.vector_store %arg12[%parallel_loop3A_264, %parallel_loop3A_265], %parallel_loop3A_268 {strides = array<i32>} : memref<16x1024xf32, #tpu.memory_space<vmem>>, vector<1x16xf32>,
        %parallel_loop3A_269 = arith.index_cast %parallel_loop3A_114 : i32 to index
        %parallel_loop3A_270 = arith.constant 176 : index
        %parallel_loop3A_271 = tpu.vector_load %arg8[%parallel_loop3A_269, %parallel_loop3A_270] {strides = array<i32>} : memref<16x1024xf32, #tpu.memory_space<vmem>>, vector<1x16xf32>,
        %parallel_loop3A_272 = vector.shape_cast %parallel_loop3A_271 : vector<1x16xf32> to vector<16xf32>
        %parallel_loop3A_273 = arith.index_cast %parallel_loop3A_114 : i32 to index
        %parallel_loop3A_274 = arith.constant 176 : index
        %parallel_loop3A_275 = tpu.vector_load %arg10[%parallel_loop3A_273, %parallel_loop3A_274] {strides = array<i32>} : memref<16x1024xf32, #tpu.memory_space<vmem>>, vector<1x16xf32>,
        %parallel_loop3A_276 = vector.shape_cast %parallel_loop3A_275 : vector<1x16xf32> to vector<16xf32>
        %parallel_loop3A_277 = arith.addf %parallel_loop3A_272, %parallel_loop3A_276 : vector<16xf32>
        %parallel_loop3A_278 = arith.index_cast %parallel_loop3A_114 : i32 to index
        %parallel_loop3A_279 = arith.constant 176 : index
        %parallel_loop3A_280 = tpu.vector_load %arg12[%parallel_loop3A_278, %parallel_loop3A_279] {strides = array<i32>} : memref<16x1024xf32, #tpu.memory_space<vmem>>, vector<1x16xf32>,
        %parallel_loop3A_281 = vector.shape_cast %parallel_loop3A_280 : vector<1x16xf32> to vector<16xf32>
        %parallel_loop3A_282 = vector.shape_cast %parallel_loop3A_277 : vector<16xf32> to vector<1x16xf32>
        tpu.vector_store %arg12[%parallel_loop3A_278, %parallel_loop3A_279], %parallel_loop3A_282 {strides = array<i32>} : memref<16x1024xf32, #tpu.memory_space<vmem>>, vector<1x16xf32>,
        %parallel_loop3A_283 = arith.index_cast %parallel_loop3A_114 : i32 to index
        %parallel_loop3A_284 = arith.constant 192 : index
        %parallel_loop3A_285 = tpu.vector_load %arg8[%parallel_loop3A_283, %parallel_loop3A_284] {strides = array<i32>} : memref<16x1024xf32, #tpu.memory_space<vmem>>, vector<1x16xf32>,
        %parallel_loop3A_286 = vector.shape_cast %parallel_loop3A_285 : vector<1x16xf32> to vector<16xf32>
        %parallel_loop3A_287 = arith.index_cast %parallel_loop3A_114 : i32 to index
        %parallel_loop3A_288 = arith.constant 192 : index
        %parallel_loop3A_289 = tpu.vector_load %arg10[%parallel_loop3A_287, %parallel_loop3A_288] {strides = array<i32>} : memref<16x1024xf32, #tpu.memory_space<vmem>>, vector<1x16xf32>,
        %parallel_loop3A_290 = vector.shape_cast %parallel_loop3A_289 : vector<1x16xf32> to vector<16xf32>
        %parallel_loop3A_291 = arith.addf %parallel_loop3A_286, %parallel_loop3A_290 : vector<16xf32>
        %parallel_loop3A_292 = arith.index_cast %parallel_loop3A_114 : i32 to index
        %parallel_loop3A_293 = arith.constant 192 : index
        %parallel_loop3A_294 = tpu.vector_load %arg12[%parallel_loop3A_292, %parallel_loop3A_293] {strides = array<i32>} : memref<16x1024xf32, #tpu.memory_space<vmem>>, vector<1x16xf32>,
        %parallel_loop3A_295 = vector.shape_cast %parallel_loop3A_294 : vector<1x16xf32> to vector<16xf32>
        %parallel_loop3A_296 = vector.shape_cast %parallel_loop3A_291 : vector<16xf32> to vector<1x16xf32>
        tpu.vector_store %arg12[%parallel_loop3A_292, %parallel_loop3A_293], %parallel_loop3A_296 {strides = array<i32>} : memref<16x1024xf32, #tpu.memory_space<vmem>>, vector<1x16xf32>,
        %parallel_loop3A_297 = arith.index_cast %parallel_loop3A_114 : i32 to index
        %parallel_loop3A_298 = arith.constant 208 : index
        %parallel_loop3A_299 = tpu.vector_load %arg8[%parallel_loop3A_297, %parallel_loop3A_298] {strides = array<i32>} : memref<16x1024xf32, #tpu.memory_space<vmem>>, vector<1x16xf32>,
        %parallel_loop3A_300 = vector.shape_cast %parallel_loop3A_299 : vector<1x16xf32> to vector<16xf32>
        %parallel_loop3A_301 = arith.index_cast %parallel_loop3A_114 : i32 to index
        %parallel_loop3A_302 = arith.constant 208 : index
        %parallel_loop3A_303 = tpu.vector_load %arg10[%parallel_loop3A_301, %parallel_loop3A_302] {strides = array<i32>} : memref<16x1024xf32, #tpu.memory_space<vmem>>, vector<1x16xf32>,
        %parallel_loop3A_304 = vector.shape_cast %parallel_loop3A_303 : vector<1x16xf32> to vector<16xf32>
        %parallel_loop3A_305 = arith.addf %parallel_loop3A_300, %parallel_loop3A_304 : vector<16xf32>
        %parallel_loop3A_306 = arith.index_cast %parallel_loop3A_114 : i32 to index
        %parallel_loop3A_307 = arith.constant 208 : index
        %parallel_loop3A_308 = tpu.vector_load %arg12[%parallel_loop3A_306, %parallel_loop3A_307] {strides = array<i32>} : memref<16x1024xf32, #tpu.memory_space<vmem>>, vector<1x16xf32>,
        %parallel_loop3A_309 = vector.shape_cast %parallel_loop3A_308 : vector<1x16xf32> to vector<16xf32>
        %parallel_loop3A_310 = vector.shape_cast %parallel_loop3A_305 : vector<16xf32> to vector<1x16xf32>
        tpu.vector_store %arg12[%parallel_loop3A_306, %parallel_loop3A_307], %parallel_loop3A_310 {strides = array<i32>} : memref<16x1024xf32, #tpu.memory_space<vmem>>, vector<1x16xf32>,
        %parallel_loop3A_311 = arith.index_cast %parallel_loop3A_114 : i32 to index
        %parallel_loop3A_312 = arith.constant 224 : index
        %parallel_loop3A_313 = tpu.vector_load %arg8[%parallel_loop3A_311, %parallel_loop3A_312] {strides = array<i32>} : memref<16x1024xf32, #tpu.memory_space<vmem>>, vector<1x16xf32>,
        %parallel_loop3A_314 = vector.shape_cast %parallel_loop3A_313 : vector<1x16xf32> to vector<16xf32>
        %parallel_loop3A_315 = arith.index_cast %parallel_loop3A_114 : i32 to index
        %parallel_loop3A_316 = arith.constant 224 : index
        %parallel_loop3A_317 = tpu.vector_load %arg10[%parallel_loop3A_315, %parallel_loop3A_316] {strides = array<i32>} : memref<16x1024xf32, #tpu.memory_space<vmem>>, vector<1x16xf32>,
        %parallel_loop3A_318 = vector.shape_cast %parallel_loop3A_317 : vector<1x16xf32> to vector<16xf32>
        %parallel_loop3A_319 = arith.addf %parallel_loop3A_314, %parallel_loop3A_318 : vector<16xf32>
        %parallel_loop3A_320 = arith.index_cast %parallel_loop3A_114 : i32 to index
        %parallel_loop3A_321 = arith.constant 224 : index
        %parallel_loop3A_322 = tpu.vector_load %arg12[%parallel_loop3A_320, %parallel_loop3A_321] {strides = array<i32>} : memref<16x1024xf32, #tpu.memory_space<vmem>>, vector<1x16xf32>,
        %parallel_loop3A_323 = vector.shape_cast %parallel_loop3A_322 : vector<1x16xf32> to vector<16xf32>
        %parallel_loop3A_324 = vector.shape_cast %parallel_loop3A_319 : vector<16xf32> to vector<1x16xf32>
        tpu.vector_store %arg12[%parallel_loop3A_320, %parallel_loop3A_321], %parallel_loop3A_324 {strides = array<i32>} : memref<16x1024xf32, #tpu.memory_space<vmem>>, vector<1x16xf32>,
        %parallel_loop3A_325 = arith.index_cast %parallel_loop3A_114 : i32 to index
        %parallel_loop3A_326 = arith.constant 240 : index
        %parallel_loop3A_327 = tpu.vector_load %arg8[%parallel_loop3A_325, %parallel_loop3A_326] {strides = array<i32>} : memref<16x1024xf32, #tpu.memory_space<vmem>>, vector<1x16xf32>,
        %parallel_loop3A_328 = vector.shape_cast %parallel_loop3A_327 : vector<1x16xf32> to vector<16xf32>
        %parallel_loop3A_329 = arith.index_cast %parallel_loop3A_114 : i32 to index
        %parallel_loop3A_330 = arith.constant 240 : index
        %parallel_loop3A_331 = tpu.vector_load %arg10[%parallel_loop3A_329, %parallel_loop3A_330] {strides = array<i32>} : memref<16x1024xf32, #tpu.memory_space<vmem>>, vector<1x16xf32>,
        %parallel_loop3A_332 = vector.shape_cast %parallel_loop3A_331 : vector<1x16xf32> to vector<16xf32>
        %parallel_loop3A_333 = arith.addf %parallel_loop3A_328, %parallel_loop3A_332 : vector<16xf32>
        %parallel_loop3A_334 = arith.index_cast %parallel_loop3A_114 : i32 to index
        %parallel_loop3A_335 = arith.constant 240 : index
        %parallel_loop3A_336 = tpu.vector_load %arg12[%parallel_loop3A_334, %parallel_loop3A_335] {strides = array<i32>} : memref<16x1024xf32, #tpu.memory_space<vmem>>, vector<1x16xf32>,
        %parallel_loop3A_337 = vector.shape_cast %parallel_loop3A_336 : vector<1x16xf32> to vector<16xf32>
        %parallel_loop3A_338 = vector.shape_cast %parallel_loop3A_333 : vector<16xf32> to vector<1x16xf32>
        tpu.vector_store %arg12[%parallel_loop3A_334, %parallel_loop3A_335], %parallel_loop3A_338 {strides = array<i32>} : memref<16x1024xf32, #tpu.memory_space<vmem>>, vector<1x16xf32>,
        %parallel_loop3A_339 = arith.index_cast %parallel_loop3A_114 : i32 to index
        %parallel_loop3A_340 = arith.constant 256 : index
        %parallel_loop3A_341 = tpu.vector_load %arg8[%parallel_loop3A_339, %parallel_loop3A_340] {strides = array<i32>} : memref<16x1024xf32, #tpu.memory_space<vmem>>, vector<1x16xf32>,
        %parallel_loop3A_342 = vector.shape_cast %parallel_loop3A_341 : vector<1x16xf32> to vector<16xf32>
        %parallel_loop3A_343 = arith.index_cast %parallel_loop3A_114 : i32 to index
        %parallel_loop3A_344 = arith.constant 256 : index
        %parallel_loop3A_345 = tpu.vector_load %arg10[%parallel_loop3A_343, %parallel_loop3A_344] {strides = array<i32>} : memref<16x1024xf32, #tpu.memory_space<vmem>>, vector<1x16xf32>,
        %parallel_loop3A_346 = vector.shape_cast %parallel_loop3A_345 : vector<1x16xf32> to vector<16xf32>
        %parallel_loop3A_347 = arith.addf %parallel_loop3A_342, %parallel_loop3A_346 : vector<16xf32>
        %parallel_loop3A_348 = arith.index_cast %parallel_loop3A_114 : i32 to index
        %parallel_loop3A_349 = arith.constant 256 : index
        %parallel_loop3A_350 = tpu.vector_load %arg12[%parallel_loop3A_348, %parallel_loop3A_349] {strides = array<i32>} : memref<16x1024xf32, #tpu.memory_space<vmem>>, vector<1x16xf32>,
        %parallel_loop3A_351 = vector.shape_cast %parallel_loop3A_350 : vector<1x16xf32> to vector<16xf32>
        %parallel_loop3A_352 = vector.shape_cast %parallel_loop3A_347 : vector<16xf32> to vector<1x16xf32>
        tpu.vector_store %arg12[%parallel_loop3A_348, %parallel_loop3A_349], %parallel_loop3A_352 {strides = array<i32>} : memref<16x1024xf32, #tpu.memory_space<vmem>>, vector<1x16xf32>,
        %parallel_loop3A_353 = arith.index_cast %parallel_loop3A_114 : i32 to index
        %parallel_loop3A_354 = arith.constant 272 : index
        %parallel_loop3A_355 = tpu.vector_load %arg8[%parallel_loop3A_353, %parallel_loop3A_354] {strides = array<i32>} : memref<16x1024xf32, #tpu.memory_space<vmem>>, vector<1x16xf32>,
        %parallel_loop3A_356 = vector.shape_cast %parallel_loop3A_355 : vector<1x16xf32> to vector<16xf32>
        %parallel_loop3A_357 = arith.index_cast %parallel_loop3A_114 : i32 to index
        %parallel_loop3A_358 = arith.constant 272 : index
        %parallel_loop3A_359 = tpu.vector_load %arg10[%parallel_loop3A_357, %parallel_loop3A_358] {strides = array<i32>} : memref<16x1024xf32, #tpu.memory_space<vmem>>, vector<1x16xf32>,
        %parallel_loop3A_360 = vector.shape_cast %parallel_loop3A_359 : vector<1x16xf32> to vector<16xf32>
        %parallel_loop3A_361 = arith.addf %parallel_loop3A_356, %parallel_loop3A_360 : vector<16xf32>
        %parallel_loop3A_362 = arith.index_cast %parallel_loop3A_114 : i32 to index
        %parallel_loop3A_363 = arith.constant 272 : index
        %parallel_loop3A_364 = tpu.vector_load %arg12[%parallel_loop3A_362, %parallel_loop3A_363] {strides = array<i32>} : memref<16x1024xf32, #tpu.memory_space<vmem>>, vector<1x16xf32>,
        %parallel_loop3A_365 = vector.shape_cast %parallel_loop3A_364 : vector<1x16xf32> to vector<16xf32>
        %parallel_loop3A_366 = vector.shape_cast %parallel_loop3A_361 : vector<16xf32> to vector<1x16xf32>
        tpu.vector_store %arg12[%parallel_loop3A_362, %parallel_loop3A_363], %parallel_loop3A_366 {strides = array<i32>} : memref<16x1024xf32, #tpu.memory_space<vmem>>, vector<1x16xf32>,
        %parallel_loop3A_367 = arith.index_cast %parallel_loop3A_114 : i32 to index
        %parallel_loop3A_368 = arith.constant 288 : index
        %parallel_loop3A_369 = tpu.vector_load %arg8[%parallel_loop3A_367, %parallel_loop3A_368] {strides = array<i32>} : memref<16x1024xf32, #tpu.memory_space<vmem>>, vector<1x16xf32>,
        %parallel_loop3A_370 = vector.shape_cast %parallel_loop3A_369 : vector<1x16xf32> to vector<16xf32>
        %parallel_loop3A_371 = arith.index_cast %parallel_loop3A_114 : i32 to index
        %parallel_loop3A_372 = arith.constant 288 : index
        %parallel_loop3A_373 = tpu.vector_load %arg10[%parallel_loop3A_371, %parallel_loop3A_372] {strides = array<i32>} : memref<16x1024xf32, #tpu.memory_space<vmem>>, vector<1x16xf32>,
        %parallel_loop3A_374 = vector.shape_cast %parallel_loop3A_373 : vector<1x16xf32> to vector<16xf32>
        %parallel_loop3A_375 = arith.addf %parallel_loop3A_370, %parallel_loop3A_374 : vector<16xf32>
        %parallel_loop3A_376 = arith.index_cast %parallel_loop3A_114 : i32 to index
        %parallel_loop3A_377 = arith.constant 288 : index
        %parallel_loop3A_378 = tpu.vector_load %arg12[%parallel_loop3A_376, %parallel_loop3A_377] {strides = array<i32>} : memref<16x1024xf32, #tpu.memory_space<vmem>>, vector<1x16xf32>,
        %parallel_loop3A_379 = vector.shape_cast %parallel_loop3A_378 : vector<1x16xf32> to vector<16xf32>
        %parallel_loop3A_380 = vector.shape_cast %parallel_loop3A_375 : vector<16xf32> to vector<1x16xf32>
        tpu.vector_store %arg12[%parallel_loop3A_376, %parallel_loop3A_377], %parallel_loop3A_380 {strides = array<i32>} : memref<16x1024xf32, #tpu.memory_space<vmem>>, vector<1x16xf32>,
        %parallel_loop3A_381 = arith.index_cast %parallel_loop3A_114 : i32 to index
        %parallel_loop3A_382 = arith.constant 304 : index
        %parallel_loop3A_383 = tpu.vector_load %arg8[%parallel_loop3A_381, %parallel_loop3A_382] {strides = array<i32>} : memref<16x1024xf32, #tpu.memory_space<vmem>>, vector<1x16xf32>,
        %parallel_loop3A_384 = vector.shape_cast %parallel_loop3A_383 : vector<1x16xf32> to vector<16xf32>
        %parallel_loop3A_385 = arith.index_cast %parallel_loop3A_114 : i32 to index
        %parallel_loop3A_386 = arith.constant 304 : index
        %parallel_loop3A_387 = tpu.vector_load %arg10[%parallel_loop3A_385, %parallel_loop3A_386] {strides = array<i32>} : memref<16x1024xf32, #tpu.memory_space<vmem>>, vector<1x16xf32>,
        %parallel_loop3A_388 = vector.shape_cast %parallel_loop3A_387 : vector<1x16xf32> to vector<16xf32>
        %parallel_loop3A_389 = arith.addf %parallel_loop3A_384, %parallel_loop3A_388 : vector<16xf32>
        %parallel_loop3A_390 = arith.index_cast %parallel_loop3A_114 : i32 to index
        %parallel_loop3A_391 = arith.constant 304 : index
        %parallel_loop3A_392 = tpu.vector_load %arg12[%parallel_loop3A_390, %parallel_loop3A_391] {strides = array<i32>} : memref<16x1024xf32, #tpu.memory_space<vmem>>, vector<1x16xf32>,
        %parallel_loop3A_393 = vector.shape_cast %parallel_loop3A_392 : vector<1x16xf32> to vector<16xf32>
        %parallel_loop3A_394 = vector.shape_cast %parallel_loop3A_389 : vector<16xf32> to vector<1x16xf32>
        tpu.vector_store %arg12[%parallel_loop3A_390, %parallel_loop3A_391], %parallel_loop3A_394 {strides = array<i32>} : memref<16x1024xf32, #tpu.memory_space<vmem>>, vector<1x16xf32>,
        %parallel_loop3A_395 = arith.index_cast %parallel_loop3A_114 : i32 to index
        %parallel_loop3A_396 = arith.constant 320 : index
        %parallel_loop3A_397 = tpu.vector_load %arg8[%parallel_loop3A_395, %parallel_loop3A_396] {strides = array<i32>} : memref<16x1024xf32, #tpu.memory_space<vmem>>, vector<1x16xf32>,
        %parallel_loop3A_398 = vector.shape_cast %parallel_loop3A_397 : vector<1x16xf32> to vector<16xf32>
        %parallel_loop3A_399 = arith.index_cast %parallel_loop3A_114 : i32 to index
        %parallel_loop3A_400 = arith.constant 320 : index
        %parallel_loop3A_401 = tpu.vector_load %arg10[%parallel_loop3A_399, %parallel_loop3A_400] {strides = array<i32>} : memref<16x1024xf32, #tpu.memory_space<vmem>>, vector<1x16xf32>,
        %parallel_loop3A_402 = vector.shape_cast %parallel_loop3A_401 : vector<1x16xf32> to vector<16xf32>
        %parallel_loop3A_403 = arith.addf %parallel_loop3A_398, %parallel_loop3A_402 : vector<16xf32>
        %parallel_loop3A_404 = arith.index_cast %parallel_loop3A_114 : i32 to index
        %parallel_loop3A_405 = arith.constant 320 : index
        %parallel_loop3A_406 = tpu.vector_load %arg12[%parallel_loop3A_404, %parallel_loop3A_405] {strides = array<i32>} : memref<16x1024xf32, #tpu.memory_space<vmem>>, vector<1x16xf32>,
        %parallel_loop3A_407 = vector.shape_cast %parallel_loop3A_406 : vector<1x16xf32> to vector<16xf32>
        %parallel_loop3A_408 = vector.shape_cast %parallel_loop3A_403 : vector<16xf32> to vector<1x16xf32>
        tpu.vector_store %arg12[%parallel_loop3A_404, %parallel_loop3A_405], %parallel_loop3A_408 {strides = array<i32>} : memref<16x1024xf32, #tpu.memory_space<vmem>>, vector<1x16xf32>,
        %parallel_loop3A_409 = arith.index_cast %parallel_loop3A_114 : i32 to index
        %parallel_loop3A_410 = arith.constant 336 : index
        %parallel_loop3A_411 = tpu.vector_load %arg8[%parallel_loop3A_409, %parallel_loop3A_410] {strides = array<i32>} : memref<16x1024xf32, #tpu.memory_space<vmem>>, vector<1x16xf32>,
        %parallel_loop3A_412 = vector.shape_cast %parallel_loop3A_411 : vector<1x16xf32> to vector<16xf32>
        %parallel_loop3A_413 = arith.index_cast %parallel_loop3A_114 : i32 to index
        %parallel_loop3A_414 = arith.constant 336 : index
        %parallel_loop3A_415 = tpu.vector_load %arg10[%parallel_loop3A_413, %parallel_loop3A_414] {strides = array<i32>} : memref<16x1024xf32, #tpu.memory_space<vmem>>, vector<1x16xf32>,
        %parallel_loop3A_416 = vector.shape_cast %parallel_loop3A_415 : vector<1x16xf32> to vector<16xf32>
        %parallel_loop3A_417 = arith.addf %parallel_loop3A_412, %parallel_loop3A_416 : vector<16xf32>
        %parallel_loop3A_418 = arith.index_cast %parallel_loop3A_114 : i32 to index
        %parallel_loop3A_419 = arith.constant 336 : index
        %parallel_loop3A_420 = tpu.vector_load %arg12[%parallel_loop3A_418, %parallel_loop3A_419] {strides = array<i32>} : memref<16x1024xf32, #tpu.memory_space<vmem>>, vector<1x16xf32>,
        %parallel_loop3A_421 = vector.shape_cast %parallel_loop3A_420 : vector<1x16xf32> to vector<16xf32>
        %parallel_loop3A_422 = vector.shape_cast %parallel_loop3A_417 : vector<16xf32> to vector<1x16xf32>
        tpu.vector_store %arg12[%parallel_loop3A_418, %parallel_loop3A_419], %parallel_loop3A_422 {strides = array<i32>} : memref<16x1024xf32, #tpu.memory_space<vmem>>, vector<1x16xf32>,
        %parallel_loop3A_423 = arith.index_cast %parallel_loop3A_114 : i32 to index
        %parallel_loop3A_424 = arith.constant 352 : index
        %parallel_loop3A_425 = tpu.vector_load %arg8[%parallel_loop3A_423, %parallel_loop3A_424] {strides = array<i32>} : memref<16x1024xf32, #tpu.memory_space<vmem>>, vector<1x16xf32>,
        %parallel_loop3A_426 = vector.shape_cast %parallel_loop3A_425 : vector<1x16xf32> to vector<16xf32>
        %parallel_loop3A_427 = arith.index_cast %parallel_loop3A_114 : i32 to index
        %parallel_loop3A_428 = arith.constant 352 : index
        %parallel_loop3A_429 = tpu.vector_load %arg10[%parallel_loop3A_427, %parallel_loop3A_428] {strides = array<i32>} : memref<16x1024xf32, #tpu.memory_space<vmem>>, vector<1x16xf32>,
        %parallel_loop3A_430 = vector.shape_cast %parallel_loop3A_429 : vector<1x16xf32> to vector<16xf32>
        %parallel_loop3A_431 = arith.addf %parallel_loop3A_426, %parallel_loop3A_430 : vector<16xf32>
        %parallel_loop3A_432 = arith.index_cast %parallel_loop3A_114 : i32 to index
        %parallel_loop3A_433 = arith.constant 352 : index
        %parallel_loop3A_434 = tpu.vector_load %arg12[%parallel_loop3A_432, %parallel_loop3A_433] {strides = array<i32>} : memref<16x1024xf32, #tpu.memory_space<vmem>>, vector<1x16xf32>,
        %parallel_loop3A_435 = vector.shape_cast %parallel_loop3A_434 : vector<1x16xf32> to vector<16xf32>
        %parallel_loop3A_436 = vector.shape_cast %parallel_loop3A_431 : vector<16xf32> to vector<1x16xf32>
        tpu.vector_store %arg12[%parallel_loop3A_432, %parallel_loop3A_433], %parallel_loop3A_436 {strides = array<i32>} : memref<16x1024xf32, #tpu.memory_space<vmem>>, vector<1x16xf32>,
        %parallel_loop3A_437 = arith.index_cast %parallel_loop3A_114 : i32 to index
        %parallel_loop3A_438 = arith.constant 368 : index
        %parallel_loop3A_439 = tpu.vector_load %arg8[%parallel_loop3A_437, %parallel_loop3A_438] {strides = array<i32>} : memref<16x1024xf32, #tpu.memory_space<vmem>>, vector<1x16xf32>,
        %parallel_loop3A_440 = vector.shape_cast %parallel_loop3A_439 : vector<1x16xf32> to vector<16xf32>
        %parallel_loop3A_441 = arith.index_cast %parallel_loop3A_114 : i32 to index
        %parallel_loop3A_442 = arith.constant 368 : index
        %parallel_loop3A_443 = tpu.vector_load %arg10[%parallel_loop3A_441, %parallel_loop3A_442] {strides = array<i32>} : memref<16x1024xf32, #tpu.memory_space<vmem>>, vector<1x16xf32>,
        %parallel_loop3A_444 = vector.shape_cast %parallel_loop3A_443 : vector<1x16xf32> to vector<16xf32>
        %parallel_loop3A_445 = arith.addf %parallel_loop3A_440, %parallel_loop3A_444 : vector<16xf32>
        %parallel_loop3A_446 = arith.index_cast %parallel_loop3A_114 : i32 to index
        %parallel_loop3A_447 = arith.constant 368 : index
        %parallel_loop3A_448 = tpu.vector_load %arg12[%parallel_loop3A_446, %parallel_loop3A_447] {strides = array<i32>} : memref<16x1024xf32, #tpu.memory_space<vmem>>, vector<1x16xf32>,
        %parallel_loop3A_449 = vector.shape_cast %parallel_loop3A_448 : vector<1x16xf32> to vector<16xf32>
        %parallel_loop3A_450 = vector.shape_cast %parallel_loop3A_445 : vector<16xf32> to vector<1x16xf32>
        tpu.vector_store %arg12[%parallel_loop3A_446, %parallel_loop3A_447], %parallel_loop3A_450 {strides = array<i32>} : memref<16x1024xf32, #tpu.memory_space<vmem>>, vector<1x16xf32>,
        %parallel_loop3A_451 = arith.index_cast %parallel_loop3A_114 : i32 to index
        %parallel_loop3A_452 = arith.constant 384 : index
        %parallel_loop3A_453 = tpu.vector_load %arg8[%parallel_loop3A_451, %parallel_loop3A_452] {strides = array<i32>} : memref<16x1024xf32, #tpu.memory_space<vmem>>, vector<1x16xf32>,
        %parallel_loop3A_454 = vector.shape_cast %parallel_loop3A_453 : vector<1x16xf32> to vector<16xf32>
        %parallel_loop3A_455 = arith.index_cast %parallel_loop3A_114 : i32 to index
        %parallel_loop3A_456 = arith.constant 384 : index
        %parallel_loop3A_457 = tpu.vector_load %arg10[%parallel_loop3A_455, %parallel_loop3A_456] {strides = array<i32>} : memref<16x1024xf32, #tpu.memory_space<vmem>>, vector<1x16xf32>,
        %parallel_loop3A_458 = vector.shape_cast %parallel_loop3A_457 : vector<1x16xf32> to vector<16xf32>
        %parallel_loop3A_459 = arith.addf %parallel_loop3A_454, %parallel_loop3A_458 : vector<16xf32>
        %parallel_loop3A_460 = arith.index_cast %parallel_loop3A_114 : i32 to index
        %parallel_loop3A_461 = arith.constant 384 : index
        %parallel_loop3A_462 = tpu.vector_load %arg12[%parallel_loop3A_460, %parallel_loop3A_461] {strides = array<i32>} : memref<16x1024xf32, #tpu.memory_space<vmem>>, vector<1x16xf32>,
        %parallel_loop3A_463 = vector.shape_cast %parallel_loop3A_462 : vector<1x16xf32> to vector<16xf32>
        %parallel_loop3A_464 = vector.shape_cast %parallel_loop3A_459 : vector<16xf32> to vector<1x16xf32>
        tpu.vector_store %arg12[%parallel_loop3A_460, %parallel_loop3A_461], %parallel_loop3A_464 {strides = array<i32>} : memref<16x1024xf32, #tpu.memory_space<vmem>>, vector<1x16xf32>,
        %parallel_loop3A_465 = arith.index_cast %parallel_loop3A_114 : i32 to index
        %parallel_loop3A_466 = arith.constant 400 : index
        %parallel_loop3A_467 = tpu.vector_load %arg8[%parallel_loop3A_465, %parallel_loop3A_466] {strides = array<i32>} : memref<16x1024xf32, #tpu.memory_space<vmem>>, vector<1x16xf32>,
        %parallel_loop3A_468 = vector.shape_cast %parallel_loop3A_467 : vector<1x16xf32> to vector<16xf32>
        %parallel_loop3A_469 = arith.index_cast %parallel_loop3A_114 : i32 to index
        %parallel_loop3A_470 = arith.constant 400 : index
        %parallel_loop3A_471 = tpu.vector_load %arg10[%parallel_loop3A_469, %parallel_loop3A_470] {strides = array<i32>} : memref<16x1024xf32, #tpu.memory_space<vmem>>, vector<1x16xf32>,
        %parallel_loop3A_472 = vector.shape_cast %parallel_loop3A_471 : vector<1x16xf32> to vector<16xf32>
        %parallel_loop3A_473 = arith.addf %parallel_loop3A_468, %parallel_loop3A_472 : vector<16xf32>
        %parallel_loop3A_474 = arith.index_cast %parallel_loop3A_114 : i32 to index
        %parallel_loop3A_475 = arith.constant 400 : index
        %parallel_loop3A_476 = tpu.vector_load %arg12[%parallel_loop3A_474, %parallel_loop3A_475] {strides = array<i32>} : memref<16x1024xf32, #tpu.memory_space<vmem>>, vector<1x16xf32>,
        %parallel_loop3A_477 = vector.shape_cast %parallel_loop3A_476 : vector<1x16xf32> to vector<16xf32>
        %parallel_loop3A_478 = vector.shape_cast %parallel_loop3A_473 : vector<16xf32> to vector<1x16xf32>
        tpu.vector_store %arg12[%parallel_loop3A_474, %parallel_loop3A_475], %parallel_loop3A_478 {strides = array<i32>} : memref<16x1024xf32, #tpu.memory_space<vmem>>, vector<1x16xf32>,
        %parallel_loop3A_479 = arith.index_cast %parallel_loop3A_114 : i32 to index
        %parallel_loop3A_480 = arith.constant 416 : index
        %parallel_loop3A_481 = tpu.vector_load %arg8[%parallel_loop3A_479, %parallel_loop3A_480] {strides = array<i32>} : memref<16x1024xf32, #tpu.memory_space<vmem>>, vector<1x16xf32>,
        %parallel_loop3A_482 = vector.shape_cast %parallel_loop3A_481 : vector<1x16xf32> to vector<16xf32>
        %parallel_loop3A_483 = arith.index_cast %parallel_loop3A_114 : i32 to index
        %parallel_loop3A_484 = arith.constant 416 : index
        %parallel_loop3A_485 = tpu.vector_load %arg10[%parallel_loop3A_483, %parallel_loop3A_484] {strides = array<i32>} : memref<16x1024xf32, #tpu.memory_space<vmem>>, vector<1x16xf32>,
        %parallel_loop3A_486 = vector.shape_cast %parallel_loop3A_485 : vector<1x16xf32> to vector<16xf32>
        %parallel_loop3A_487 = arith.addf %parallel_loop3A_482, %parallel_loop3A_486 : vector<16xf32>
        %parallel_loop3A_488 = arith.index_cast %parallel_loop3A_114 : i32 to index
        %parallel_loop3A_489 = arith.constant 416 : index
        %parallel_loop3A_490 = tpu.vector_load %arg12[%parallel_loop3A_488, %parallel_loop3A_489] {strides = array<i32>} : memref<16x1024xf32, #tpu.memory_space<vmem>>, vector<1x16xf32>,
        %parallel_loop3A_491 = vector.shape_cast %parallel_loop3A_490 : vector<1x16xf32> to vector<16xf32>
        %parallel_loop3A_492 = vector.shape_cast %parallel_loop3A_487 : vector<16xf32> to vector<1x16xf32>
        tpu.vector_store %arg12[%parallel_loop3A_488, %parallel_loop3A_489], %parallel_loop3A_492 {strides = array<i32>} : memref<16x1024xf32, #tpu.memory_space<vmem>>, vector<1x16xf32>,
        %parallel_loop3A_493 = arith.index_cast %parallel_loop3A_114 : i32 to index
        %parallel_loop3A_494 = arith.constant 432 : index
        %parallel_loop3A_495 = tpu.vector_load %arg8[%parallel_loop3A_493, %parallel_loop3A_494] {strides = array<i32>} : memref<16x1024xf32, #tpu.memory_space<vmem>>, vector<1x16xf32>,
        %parallel_loop3A_496 = vector.shape_cast %parallel_loop3A_495 : vector<1x16xf32> to vector<16xf32>
        %parallel_loop3A_497 = arith.index_cast %parallel_loop3A_114 : i32 to index
        %parallel_loop3A_498 = arith.constant 432 : index
        %parallel_loop3A_499 = tpu.vector_load %arg10[%parallel_loop3A_497, %parallel_loop3A_498] {strides = array<i32>} : memref<16x1024xf32, #tpu.memory_space<vmem>>, vector<1x16xf32>,
        %parallel_loop3A_500 = vector.shape_cast %parallel_loop3A_499 : vector<1x16xf32> to vector<16xf32>
        %parallel_loop3A_501 = arith.addf %parallel_loop3A_496, %parallel_loop3A_500 : vector<16xf32>
        %parallel_loop3A_502 = arith.index_cast %parallel_loop3A_114 : i32 to index
        %parallel_loop3A_503 = arith.constant 432 : index
        %parallel_loop3A_504 = tpu.vector_load %arg12[%parallel_loop3A_502, %parallel_loop3A_503] {strides = array<i32>} : memref<16x1024xf32, #tpu.memory_space<vmem>>, vector<1x16xf32>,
        %parallel_loop3A_505 = vector.shape_cast %parallel_loop3A_504 : vector<1x16xf32> to vector<16xf32>
        %parallel_loop3A_506 = vector.shape_cast %parallel_loop3A_501 : vector<16xf32> to vector<1x16xf32>
        tpu.vector_store %arg12[%parallel_loop3A_502, %parallel_loop3A_503], %parallel_loop3A_506 {strides = array<i32>} : memref<16x1024xf32, #tpu.memory_space<vmem>>, vector<1x16xf32>,
        %parallel_loop3A_507 = arith.index_cast %parallel_loop3A_114 : i32 to index
        %parallel_loop3A_508 = arith.constant 448 : index
        %parallel_loop3A_509 = tpu.vector_load %arg8[%parallel_loop3A_507, %parallel_loop3A_508] {strides = array<i32>} : memref<16x1024xf32, #tpu.memory_space<vmem>>, vector<1x16xf32>,
        %parallel_loop3A_510 = vector.shape_cast %parallel_loop3A_509 : vector<1x16xf32> to vector<16xf32>
        %parallel_loop3A_511 = arith.index_cast %parallel_loop3A_114 : i32 to index
        %parallel_loop3A_512 = arith.constant 448 : index
        %parallel_loop3A_513 = tpu.vector_load %arg10[%parallel_loop3A_511, %parallel_loop3A_512] {strides = array<i32>} : memref<16x1024xf32, #tpu.memory_space<vmem>>, vector<1x16xf32>,
        %parallel_loop3A_514 = vector.shape_cast %parallel_loop3A_513 : vector<1x16xf32> to vector<16xf32>
        %parallel_loop3A_515 = arith.addf %parallel_loop3A_510, %parallel_loop3A_514 : vector<16xf32>
        %parallel_loop3A_516 = arith.index_cast %parallel_loop3A_114 : i32 to index
        %parallel_loop3A_517 = arith.constant 448 : index
        %parallel_loop3A_518 = tpu.vector_load %arg12[%parallel_loop3A_516, %parallel_loop3A_517] {strides = array<i32>} : memref<16x1024xf32, #tpu.memory_space<vmem>>, vector<1x16xf32>,
        %parallel_loop3A_519 = vector.shape_cast %parallel_loop3A_518 : vector<1x16xf32> to vector<16xf32>
        %parallel_loop3A_520 = vector.shape_cast %parallel_loop3A_515 : vector<16xf32> to vector<1x16xf32>
        tpu.vector_store %arg12[%parallel_loop3A_516, %parallel_loop3A_517], %parallel_loop3A_520 {strides = array<i32>} : memref<16x1024xf32, #tpu.memory_space<vmem>>, vector<1x16xf32>,
        %parallel_loop3A_521 = arith.index_cast %parallel_loop3A_114 : i32 to index
        %parallel_loop3A_522 = arith.constant 464 : index
        %parallel_loop3A_523 = tpu.vector_load %arg8[%parallel_loop3A_521, %parallel_loop3A_522] {strides = array<i32>} : memref<16x1024xf32, #tpu.memory_space<vmem>>, vector<1x16xf32>,
        %parallel_loop3A_524 = vector.shape_cast %parallel_loop3A_523 : vector<1x16xf32> to vector<16xf32>
        %parallel_loop3A_525 = arith.index_cast %parallel_loop3A_114 : i32 to index
        %parallel_loop3A_526 = arith.constant 464 : index
        %parallel_loop3A_527 = tpu.vector_load %arg10[%parallel_loop3A_525, %parallel_loop3A_526] {strides = array<i32>} : memref<16x1024xf32, #tpu.memory_space<vmem>>, vector<1x16xf32>,
        %parallel_loop3A_528 = vector.shape_cast %parallel_loop3A_527 : vector<1x16xf32> to vector<16xf32>
        %parallel_loop3A_529 = arith.addf %parallel_loop3A_524, %parallel_loop3A_528 : vector<16xf32>
        %parallel_loop3A_530 = arith.index_cast %parallel_loop3A_114 : i32 to index
        %parallel_loop3A_531 = arith.constant 464 : index
        %parallel_loop3A_532 = tpu.vector_load %arg12[%parallel_loop3A_530, %parallel_loop3A_531] {strides = array<i32>} : memref<16x1024xf32, #tpu.memory_space<vmem>>, vector<1x16xf32>,
        %parallel_loop3A_533 = vector.shape_cast %parallel_loop3A_532 : vector<1x16xf32> to vector<16xf32>
        %parallel_loop3A_534 = vector.shape_cast %parallel_loop3A_529 : vector<16xf32> to vector<1x16xf32>
        tpu.vector_store %arg12[%parallel_loop3A_530, %parallel_loop3A_531], %parallel_loop3A_534 {strides = array<i32>} : memref<16x1024xf32, #tpu.memory_space<vmem>>, vector<1x16xf32>,
        %parallel_loop3A_535 = arith.index_cast %parallel_loop3A_114 : i32 to index
        %parallel_loop3A_536 = arith.constant 480 : index
        %parallel_loop3A_537 = tpu.vector_load %arg8[%parallel_loop3A_535, %parallel_loop3A_536] {strides = array<i32>} : memref<16x1024xf32, #tpu.memory_space<vmem>>, vector<1x16xf32>,
        %parallel_loop3A_538 = vector.shape_cast %parallel_loop3A_537 : vector<1x16xf32> to vector<16xf32>
        %parallel_loop3A_539 = arith.index_cast %parallel_loop3A_114 : i32 to index
        %parallel_loop3A_540 = arith.constant 480 : index
        %parallel_loop3A_541 = tpu.vector_load %arg10[%parallel_loop3A_539, %parallel_loop3A_540] {strides = array<i32>} : memref<16x1024xf32, #tpu.memory_space<vmem>>, vector<1x16xf32>,
        %parallel_loop3A_542 = vector.shape_cast %parallel_loop3A_541 : vector<1x16xf32> to vector<16xf32>
        %parallel_loop3A_543 = arith.addf %parallel_loop3A_538, %parallel_loop3A_542 : vector<16xf32>
        %parallel_loop3A_544 = arith.index_cast %parallel_loop3A_114 : i32 to index
        %parallel_loop3A_545 = arith.constant 480 : index
        %parallel_loop3A_546 = tpu.vector_load %arg12[%parallel_loop3A_544, %parallel_loop3A_545] {strides = array<i32>} : memref<16x1024xf32, #tpu.memory_space<vmem>>, vector<1x16xf32>,
        %parallel_loop3A_547 = vector.shape_cast %parallel_loop3A_546 : vector<1x16xf32> to vector<16xf32>
        %parallel_loop3A_548 = vector.shape_cast %parallel_loop3A_543 : vector<16xf32> to vector<1x16xf32>
        tpu.vector_store %arg12[%parallel_loop3A_544, %parallel_loop3A_545], %parallel_loop3A_548 {strides = array<i32>} : memref<16x1024xf32, #tpu.memory_space<vmem>>, vector<1x16xf32>,
        %parallel_loop3A_549 = arith.index_cast %parallel_loop3A_114 : i32 to index
        %parallel_loop3A_550 = arith.constant 496 : index
        %parallel_loop3A_551 = tpu.vector_load %arg8[%parallel_loop3A_549, %parallel_loop3A_550] {strides = array<i32>} : memref<16x1024xf32, #tpu.memory_space<vmem>>, vector<1x16xf32>,
        %parallel_loop3A_552 = vector.shape_cast %parallel_loop3A_551 : vector<1x16xf32> to vector<16xf32>
        %parallel_loop3A_553 = arith.index_cast %parallel_loop3A_114 : i32 to index
        %parallel_loop3A_554 = arith.constant 496 : index
        %parallel_loop3A_555 = tpu.vector_load %arg10[%parallel_loop3A_553, %parallel_loop3A_554] {strides = array<i32>} : memref<16x1024xf32, #tpu.memory_space<vmem>>, vector<1x16xf32>,
        %parallel_loop3A_556 = vector.shape_cast %parallel_loop3A_555 : vector<1x16xf32> to vector<16xf32>
        %parallel_loop3A_557 = arith.addf %parallel_loop3A_552, %parallel_loop3A_556 : vector<16xf32>
        %parallel_loop3A_558 = arith.index_cast %parallel_loop3A_114 : i32 to index
        %parallel_loop3A_559 = arith.constant 496 : index
        %parallel_loop3A_560 = tpu.vector_load %arg12[%parallel_loop3A_558, %parallel_loop3A_559] {strides = array<i32>} : memref<16x1024xf32, #tpu.memory_space<vmem>>, vector<1x16xf32>,
        %parallel_loop3A_561 = vector.shape_cast %parallel_loop3A_560 : vector<1x16xf32> to vector<16xf32>
        %parallel_loop3A_562 = vector.shape_cast %parallel_loop3A_557 : vector<16xf32> to vector<1x16xf32>
        tpu.vector_store %arg12[%parallel_loop3A_558, %parallel_loop3A_559], %parallel_loop3A_562 {strides = array<i32>} : memref<16x1024xf32, #tpu.memory_space<vmem>>, vector<1x16xf32>,
        %parallel_loop3A_563 = arith.index_cast %parallel_loop3A_114 : i32 to index
        %parallel_loop3A_564 = arith.constant 512 : index
        %parallel_loop3A_565 = tpu.vector_load %arg8[%parallel_loop3A_563, %parallel_loop3A_564] {strides = array<i32>} : memref<16x1024xf32, #tpu.memory_space<vmem>>, vector<1x16xf32>,
        %parallel_loop3A_566 = vector.shape_cast %parallel_loop3A_565 : vector<1x16xf32> to vector<16xf32>
        %parallel_loop3A_567 = arith.index_cast %parallel_loop3A_114 : i32 to index
        %parallel_loop3A_568 = arith.constant 512 : index
        %parallel_loop3A_569 = tpu.vector_load %arg10[%parallel_loop3A_567, %parallel_loop3A_568] {strides = array<i32>} : memref<16x1024xf32, #tpu.memory_space<vmem>>, vector<1x16xf32>,
        %parallel_loop3A_570 = vector.shape_cast %parallel_loop3A_569 : vector<1x16xf32> to vector<16xf32>
        %parallel_loop3A_571 = arith.addf %parallel_loop3A_566, %parallel_loop3A_570 : vector<16xf32>
        %parallel_loop3A_572 = arith.index_cast %parallel_loop3A_114 : i32 to index
        %parallel_loop3A_573 = arith.constant 512 : index
        %parallel_loop3A_574 = tpu.vector_load %arg12[%parallel_loop3A_572, %parallel_loop3A_573] {strides = array<i32>} : memref<16x1024xf32, #tpu.memory_space<vmem>>, vector<1x16xf32>,
        %parallel_loop3A_575 = vector.shape_cast %parallel_loop3A_574 : vector<1x16xf32> to vector<16xf32>
        %parallel_loop3A_576 = vector.shape_cast %parallel_loop3A_571 : vector<16xf32> to vector<1x16xf32>
        tpu.vector_store %arg12[%parallel_loop3A_572, %parallel_loop3A_573], %parallel_loop3A_576 {strides = array<i32>} : memref<16x1024xf32, #tpu.memory_space<vmem>>, vector<1x16xf32>,
        %parallel_loop3A_577 = arith.index_cast %parallel_loop3A_114 : i32 to index
        %parallel_loop3A_578 = arith.constant 528 : index
        %parallel_loop3A_579 = tpu.vector_load %arg8[%parallel_loop3A_577, %parallel_loop3A_578] {strides = array<i32>} : memref<16x1024xf32, #tpu.memory_space<vmem>>, vector<1x16xf32>,
        %parallel_loop3A_580 = vector.shape_cast %parallel_loop3A_579 : vector<1x16xf32> to vector<16xf32>
        %parallel_loop3A_581 = arith.index_cast %parallel_loop3A_114 : i32 to index
        %parallel_loop3A_582 = arith.constant 528 : index
        %parallel_loop3A_583 = tpu.vector_load %arg10[%parallel_loop3A_581, %parallel_loop3A_582] {strides = array<i32>} : memref<16x1024xf32, #tpu.memory_space<vmem>>, vector<1x16xf32>,
        %parallel_loop3A_584 = vector.shape_cast %parallel_loop3A_583 : vector<1x16xf32> to vector<16xf32>
        %parallel_loop3A_585 = arith.addf %parallel_loop3A_580, %parallel_loop3A_584 : vector<16xf32>
        %parallel_loop3A_586 = arith.index_cast %parallel_loop3A_114 : i32 to index
        %parallel_loop3A_587 = arith.constant 528 : index
        %parallel_loop3A_588 = tpu.vector_load %arg12[%parallel_loop3A_586, %parallel_loop3A_587] {strides = array<i32>} : memref<16x1024xf32, #tpu.memory_space<vmem>>, vector<1x16xf32>,
        %parallel_loop3A_589 = vector.shape_cast %parallel_loop3A_588 : vector<1x16xf32> to vector<16xf32>
        %parallel_loop3A_590 = vector.shape_cast %parallel_loop3A_585 : vector<16xf32> to vector<1x16xf32>
        tpu.vector_store %arg12[%parallel_loop3A_586, %parallel_loop3A_587], %parallel_loop3A_590 {strides = array<i32>} : memref<16x1024xf32, #tpu.memory_space<vmem>>, vector<1x16xf32>,
        %parallel_loop3A_591 = arith.index_cast %parallel_loop3A_114 : i32 to index
        %parallel_loop3A_592 = arith.constant 544 : index
        %parallel_loop3A_593 = tpu.vector_load %arg8[%parallel_loop3A_591, %parallel_loop3A_592] {strides = array<i32>} : memref<16x1024xf32, #tpu.memory_space<vmem>>, vector<1x16xf32>,
        %parallel_loop3A_594 = vector.shape_cast %parallel_loop3A_593 : vector<1x16xf32> to vector<16xf32>
        %parallel_loop3A_595 = arith.index_cast %parallel_loop3A_114 : i32 to index
        %parallel_loop3A_596 = arith.constant 544 : index
        %parallel_loop3A_597 = tpu.vector_load %arg10[%parallel_loop3A_595, %parallel_loop3A_596] {strides = array<i32>} : memref<16x1024xf32, #tpu.memory_space<vmem>>, vector<1x16xf32>,
        %parallel_loop3A_598 = vector.shape_cast %parallel_loop3A_597 : vector<1x16xf32> to vector<16xf32>
        %parallel_loop3A_599 = arith.addf %parallel_loop3A_594, %parallel_loop3A_598 : vector<16xf32>
        %parallel_loop3A_600 = arith.index_cast %parallel_loop3A_114 : i32 to index
        %parallel_loop3A_601 = arith.constant 544 : index
        %parallel_loop3A_602 = tpu.vector_load %arg12[%parallel_loop3A_600, %parallel_loop3A_601] {strides = array<i32>} : memref<16x1024xf32, #tpu.memory_space<vmem>>, vector<1x16xf32>,
        %parallel_loop3A_603 = vector.shape_cast %parallel_loop3A_602 : vector<1x16xf32> to vector<16xf32>
        %parallel_loop3A_604 = vector.shape_cast %parallel_loop3A_599 : vector<16xf32> to vector<1x16xf32>
        tpu.vector_store %arg12[%parallel_loop3A_600, %parallel_loop3A_601], %parallel_loop3A_604 {strides = array<i32>} : memref<16x1024xf32, #tpu.memory_space<vmem>>, vector<1x16xf32>,
        %parallel_loop3A_605 = arith.index_cast %parallel_loop3A_114 : i32 to index
        %parallel_loop3A_606 = arith.constant 560 : index
        %parallel_loop3A_607 = tpu.vector_load %arg8[%parallel_loop3A_605, %parallel_loop3A_606] {strides = array<i32>} : memref<16x1024xf32, #tpu.memory_space<vmem>>, vector<1x16xf32>,
        %parallel_loop3A_608 = vector.shape_cast %parallel_loop3A_607 : vector<1x16xf32> to vector<16xf32>
        %parallel_loop3A_609 = arith.index_cast %parallel_loop3A_114 : i32 to index
        %parallel_loop3A_610 = arith.constant 560 : index
        %parallel_loop3A_611 = tpu.vector_load %arg10[%parallel_loop3A_609, %parallel_loop3A_610] {strides = array<i32>} : memref<16x1024xf32, #tpu.memory_space<vmem>>, vector<1x16xf32>,
        %parallel_loop3A_612 = vector.shape_cast %parallel_loop3A_611 : vector<1x16xf32> to vector<16xf32>
        %parallel_loop3A_613 = arith.addf %parallel_loop3A_608, %parallel_loop3A_612 : vector<16xf32>
        %parallel_loop3A_614 = arith.index_cast %parallel_loop3A_114 : i32 to index
        %parallel_loop3A_615 = arith.constant 560 : index
        %parallel_loop3A_616 = tpu.vector_load %arg12[%parallel_loop3A_614, %parallel_loop3A_615] {strides = array<i32>} : memref<16x1024xf32, #tpu.memory_space<vmem>>, vector<1x16xf32>,
        %parallel_loop3A_617 = vector.shape_cast %parallel_loop3A_616 : vector<1x16xf32> to vector<16xf32>
        %parallel_loop3A_618 = vector.shape_cast %parallel_loop3A_613 : vector<16xf32> to vector<1x16xf32>
        tpu.vector_store %arg12[%parallel_loop3A_614, %parallel_loop3A_615], %parallel_loop3A_618 {strides = array<i32>} : memref<16x1024xf32, #tpu.memory_space<vmem>>, vector<1x16xf32>,
        %parallel_loop3A_619 = arith.index_cast %parallel_loop3A_114 : i32 to index
        %parallel_loop3A_620 = arith.constant 576 : index
        %parallel_loop3A_621 = tpu.vector_load %arg8[%parallel_loop3A_619, %parallel_loop3A_620] {strides = array<i32>} : memref<16x1024xf32, #tpu.memory_space<vmem>>, vector<1x16xf32>,
        %parallel_loop3A_622 = vector.shape_cast %parallel_loop3A_621 : vector<1x16xf32> to vector<16xf32>
        %parallel_loop3A_623 = arith.index_cast %parallel_loop3A_114 : i32 to index
        %parallel_loop3A_624 = arith.constant 576 : index
        %parallel_loop3A_625 = tpu.vector_load %arg10[%parallel_loop3A_623, %parallel_loop3A_624] {strides = array<i32>} : memref<16x1024xf32, #tpu.memory_space<vmem>>, vector<1x16xf32>,
        %parallel_loop3A_626 = vector.shape_cast %parallel_loop3A_625 : vector<1x16xf32> to vector<16xf32>
        %parallel_loop3A_627 = arith.addf %parallel_loop3A_622, %parallel_loop3A_626 : vector<16xf32>
        %parallel_loop3A_628 = arith.index_cast %parallel_loop3A_114 : i32 to index
        %parallel_loop3A_629 = arith.constant 576 : index
        %parallel_loop3A_630 = tpu.vector_load %arg12[%parallel_loop3A_628, %parallel_loop3A_629] {strides = array<i32>} : memref<16x1024xf32, #tpu.memory_space<vmem>>, vector<1x16xf32>,
        %parallel_loop3A_631 = vector.shape_cast %parallel_loop3A_630 : vector<1x16xf32> to vector<16xf32>
        %parallel_loop3A_632 = vector.shape_cast %parallel_loop3A_627 : vector<16xf32> to vector<1x16xf32>
        tpu.vector_store %arg12[%parallel_loop3A_628, %parallel_loop3A_629], %parallel_loop3A_632 {strides = array<i32>} : memref<16x1024xf32, #tpu.memory_space<vmem>>, vector<1x16xf32>,
        %parallel_loop3A_633 = arith.index_cast %parallel_loop3A_114 : i32 to index
        %parallel_loop3A_634 = arith.constant 592 : index
        %parallel_loop3A_635 = tpu.vector_load %arg8[%parallel_loop3A_633, %parallel_loop3A_634] {strides = array<i32>} : memref<16x1024xf32, #tpu.memory_space<vmem>>, vector<1x16xf32>,
        %parallel_loop3A_636 = vector.shape_cast %parallel_loop3A_635 : vector<1x16xf32> to vector<16xf32>
        %parallel_loop3A_637 = arith.index_cast %parallel_loop3A_114 : i32 to index
        %parallel_loop3A_638 = arith.constant 592 : index
        %parallel_loop3A_639 = tpu.vector_load %arg10[%parallel_loop3A_637, %parallel_loop3A_638] {strides = array<i32>} : memref<16x1024xf32, #tpu.memory_space<vmem>>, vector<1x16xf32>,
        %parallel_loop3A_640 = vector.shape_cast %parallel_loop3A_639 : vector<1x16xf32> to vector<16xf32>
        %parallel_loop3A_641 = arith.addf %parallel_loop3A_636, %parallel_loop3A_640 : vector<16xf32>
        %parallel_loop3A_642 = arith.index_cast %parallel_loop3A_114 : i32 to index
        %parallel_loop3A_643 = arith.constant 592 : index
        %parallel_loop3A_644 = tpu.vector_load %arg12[%parallel_loop3A_642, %parallel_loop3A_643] {strides = array<i32>} : memref<16x1024xf32, #tpu.memory_space<vmem>>, vector<1x16xf32>,
        %parallel_loop3A_645 = vector.shape_cast %parallel_loop3A_644 : vector<1x16xf32> to vector<16xf32>
        %parallel_loop3A_646 = vector.shape_cast %parallel_loop3A_641 : vector<16xf32> to vector<1x16xf32>
        tpu.vector_store %arg12[%parallel_loop3A_642, %parallel_loop3A_643], %parallel_loop3A_646 {strides = array<i32>} : memref<16x1024xf32, #tpu.memory_space<vmem>>, vector<1x16xf32>,
        %parallel_loop3A_647 = arith.index_cast %parallel_loop3A_114 : i32 to index
        %parallel_loop3A_648 = arith.constant 608 : index
        %parallel_loop3A_649 = tpu.vector_load %arg8[%parallel_loop3A_647, %parallel_loop3A_648] {strides = array<i32>} : memref<16x1024xf32, #tpu.memory_space<vmem>>, vector<1x16xf32>,
        %parallel_loop3A_650 = vector.shape_cast %parallel_loop3A_649 : vector<1x16xf32> to vector<16xf32>
        %parallel_loop3A_651 = arith.index_cast %parallel_loop3A_114 : i32 to index
        %parallel_loop3A_652 = arith.constant 608 : index
        %parallel_loop3A_653 = tpu.vector_load %arg10[%parallel_loop3A_651, %parallel_loop3A_652] {strides = array<i32>} : memref<16x1024xf32, #tpu.memory_space<vmem>>, vector<1x16xf32>,
        %parallel_loop3A_654 = vector.shape_cast %parallel_loop3A_653 : vector<1x16xf32> to vector<16xf32>
        %parallel_loop3A_655 = arith.addf %parallel_loop3A_650, %parallel_loop3A_654 : vector<16xf32>
        %parallel_loop3A_656 = arith.index_cast %parallel_loop3A_114 : i32 to index
        %parallel_loop3A_657 = arith.constant 608 : index
        %parallel_loop3A_658 = tpu.vector_load %arg12[%parallel_loop3A_656, %parallel_loop3A_657] {strides = array<i32>} : memref<16x1024xf32, #tpu.memory_space<vmem>>, vector<1x16xf32>,
        %parallel_loop3A_659 = vector.shape_cast %parallel_loop3A_658 : vector<1x16xf32> to vector<16xf32>
        %parallel_loop3A_660 = vector.shape_cast %parallel_loop3A_655 : vector<16xf32> to vector<1x16xf32>
        tpu.vector_store %arg12[%parallel_loop3A_656, %parallel_loop3A_657], %parallel_loop3A_660 {strides = array<i32>} : memref<16x1024xf32, #tpu.memory_space<vmem>>, vector<1x16xf32>,
        %parallel_loop3A_661 = arith.index_cast %parallel_loop3A_114 : i32 to index
        %parallel_loop3A_662 = arith.constant 624 : index
        %parallel_loop3A_663 = tpu.vector_load %arg8[%parallel_loop3A_661, %parallel_loop3A_662] {strides = array<i32>} : memref<16x1024xf32, #tpu.memory_space<vmem>>, vector<1x16xf32>,
        %parallel_loop3A_664 = vector.shape_cast %parallel_loop3A_663 : vector<1x16xf32> to vector<16xf32>
        %parallel_loop3A_665 = arith.index_cast %parallel_loop3A_114 : i32 to index
        %parallel_loop3A_666 = arith.constant 624 : index
        %parallel_loop3A_667 = tpu.vector_load %arg10[%parallel_loop3A_665, %parallel_loop3A_666] {strides = array<i32>} : memref<16x1024xf32, #tpu.memory_space<vmem>>, vector<1x16xf32>,
        %parallel_loop3A_668 = vector.shape_cast %parallel_loop3A_667 : vector<1x16xf32> to vector<16xf32>
        %parallel_loop3A_669 = arith.addf %parallel_loop3A_664, %parallel_loop3A_668 : vector<16xf32>
        %parallel_loop3A_670 = arith.index_cast %parallel_loop3A_114 : i32 to index
        %parallel_loop3A_671 = arith.constant 624 : index
        %parallel_loop3A_672 = tpu.vector_load %arg12[%parallel_loop3A_670, %parallel_loop3A_671] {strides = array<i32>} : memref<16x1024xf32, #tpu.memory_space<vmem>>, vector<1x16xf32>,
        %parallel_loop3A_673 = vector.shape_cast %parallel_loop3A_672 : vector<1x16xf32> to vector<16xf32>
        %parallel_loop3A_674 = vector.shape_cast %parallel_loop3A_669 : vector<16xf32> to vector<1x16xf32>
        tpu.vector_store %arg12[%parallel_loop3A_670, %parallel_loop3A_671], %parallel_loop3A_674 {strides = array<i32>} : memref<16x1024xf32, #tpu.memory_space<vmem>>, vector<1x16xf32>,
        %parallel_loop3A_675 = arith.index_cast %parallel_loop3A_114 : i32 to index
        %parallel_loop3A_676 = arith.constant 640 : index
        %parallel_loop3A_677 = tpu.vector_load %arg8[%parallel_loop3A_675, %parallel_loop3A_676] {strides = array<i32>} : memref<16x1024xf32, #tpu.memory_space<vmem>>, vector<1x16xf32>,
        %parallel_loop3A_678 = vector.shape_cast %parallel_loop3A_677 : vector<1x16xf32> to vector<16xf32>
        %parallel_loop3A_679 = arith.index_cast %parallel_loop3A_114 : i32 to index
        %parallel_loop3A_680 = arith.constant 640 : index
        %parallel_loop3A_681 = tpu.vector_load %arg10[%parallel_loop3A_679, %parallel_loop3A_680] {strides = array<i32>} : memref<16x1024xf32, #tpu.memory_space<vmem>>, vector<1x16xf32>,
        %parallel_loop3A_682 = vector.shape_cast %parallel_loop3A_681 : vector<1x16xf32> to vector<16xf32>
        %parallel_loop3A_683 = arith.addf %parallel_loop3A_678, %parallel_loop3A_682 : vector<16xf32>
        %parallel_loop3A_684 = arith.index_cast %parallel_loop3A_114 : i32 to index
        %parallel_loop3A_685 = arith.constant 640 : index
        %parallel_loop3A_686 = tpu.vector_load %arg12[%parallel_loop3A_684, %parallel_loop3A_685] {strides = array<i32>} : memref<16x1024xf32, #tpu.memory_space<vmem>>, vector<1x16xf32>,
        %parallel_loop3A_687 = vector.shape_cast %parallel_loop3A_686 : vector<1x16xf32> to vector<16xf32>
        %parallel_loop3A_688 = vector.shape_cast %parallel_loop3A_683 : vector<16xf32> to vector<1x16xf32>
        tpu.vector_store %arg12[%parallel_loop3A_684, %parallel_loop3A_685], %parallel_loop3A_688 {strides = array<i32>} : memref<16x1024xf32, #tpu.memory_space<vmem>>, vector<1x16xf32>,
        %parallel_loop3A_689 = arith.index_cast %parallel_loop3A_114 : i32 to index
        %parallel_loop3A_690 = arith.constant 656 : index
        %parallel_loop3A_691 = tpu.vector_load %arg8[%parallel_loop3A_689, %parallel_loop3A_690] {strides = array<i32>} : memref<16x1024xf32, #tpu.memory_space<vmem>>, vector<1x16xf32>,
        %parallel_loop3A_692 = vector.shape_cast %parallel_loop3A_691 : vector<1x16xf32> to vector<16xf32>
        %parallel_loop3A_693 = arith.index_cast %parallel_loop3A_114 : i32 to index
        %parallel_loop3A_694 = arith.constant 656 : index
        %parallel_loop3A_695 = tpu.vector_load %arg10[%parallel_loop3A_693, %parallel_loop3A_694] {strides = array<i32>} : memref<16x1024xf32, #tpu.memory_space<vmem>>, vector<1x16xf32>,
        %parallel_loop3A_696 = vector.shape_cast %parallel_loop3A_695 : vector<1x16xf32> to vector<16xf32>
        %parallel_loop3A_697 = arith.addf %parallel_loop3A_692, %parallel_loop3A_696 : vector<16xf32>
        %parallel_loop3A_698 = arith.index_cast %parallel_loop3A_114 : i32 to index
        %parallel_loop3A_699 = arith.constant 656 : index
        %parallel_loop3A_700 = tpu.vector_load %arg12[%parallel_loop3A_698, %parallel_loop3A_699] {strides = array<i32>} : memref<16x1024xf32, #tpu.memory_space<vmem>>, vector<1x16xf32>,
        %parallel_loop3A_701 = vector.shape_cast %parallel_loop3A_700 : vector<1x16xf32> to vector<16xf32>
        %parallel_loop3A_702 = vector.shape_cast %parallel_loop3A_697 : vector<16xf32> to vector<1x16xf32>
        tpu.vector_store %arg12[%parallel_loop3A_698, %parallel_loop3A_699], %parallel_loop3A_702 {strides = array<i32>} : memref<16x1024xf32, #tpu.memory_space<vmem>>, vector<1x16xf32>,
        %parallel_loop3A_703 = arith.index_cast %parallel_loop3A_114 : i32 to index
        %parallel_loop3A_704 = arith.constant 672 : index
        %parallel_loop3A_705 = tpu.vector_load %arg8[%parallel_loop3A_703, %parallel_loop3A_704] {strides = array<i32>} : memref<16x1024xf32, #tpu.memory_space<vmem>>, vector<1x16xf32>,
        %parallel_loop3A_706 = vector.shape_cast %parallel_loop3A_705 : vector<1x16xf32> to vector<16xf32>
        %parallel_loop3A_707 = arith.index_cast %parallel_loop3A_114 : i32 to index
        %parallel_loop3A_708 = arith.constant 672 : index
        %parallel_loop3A_709 = tpu.vector_load %arg10[%parallel_loop3A_707, %parallel_loop3A_708] {strides = array<i32>} : memref<16x1024xf32, #tpu.memory_space<vmem>>, vector<1x16xf32>,
        %parallel_loop3A_710 = vector.shape_cast %parallel_loop3A_709 : vector<1x16xf32> to vector<16xf32>
        %parallel_loop3A_711 = arith.addf %parallel_loop3A_706, %parallel_loop3A_710 : vector<16xf32>
        %parallel_loop3A_712 = arith.index_cast %parallel_loop3A_114 : i32 to index
        %parallel_loop3A_713 = arith.constant 672 : index
        %parallel_loop3A_714 = tpu.vector_load %arg12[%parallel_loop3A_712, %parallel_loop3A_713] {strides = array<i32>} : memref<16x1024xf32, #tpu.memory_space<vmem>>, vector<1x16xf32>,
        %parallel_loop3A_715 = vector.shape_cast %parallel_loop3A_714 : vector<1x16xf32> to vector<16xf32>
        %parallel_loop3A_716 = vector.shape_cast %parallel_loop3A_711 : vector<16xf32> to vector<1x16xf32>
        tpu.vector_store %arg12[%parallel_loop3A_712, %parallel_loop3A_713], %parallel_loop3A_716 {strides = array<i32>} : memref<16x1024xf32, #tpu.memory_space<vmem>>, vector<1x16xf32>,
        %parallel_loop3A_717 = arith.index_cast %parallel_loop3A_114 : i32 to index
        %parallel_loop3A_718 = arith.constant 688 : index
        %parallel_loop3A_719 = tpu.vector_load %arg8[%parallel_loop3A_717, %parallel_loop3A_718] {strides = array<i32>} : memref<16x1024xf32, #tpu.memory_space<vmem>>, vector<1x16xf32>,
        %parallel_loop3A_720 = vector.shape_cast %parallel_loop3A_719 : vector<1x16xf32> to vector<16xf32>
        %parallel_loop3A_721 = arith.index_cast %parallel_loop3A_114 : i32 to index
        %parallel_loop3A_722 = arith.constant 688 : index
        %parallel_loop3A_723 = tpu.vector_load %arg10[%parallel_loop3A_721, %parallel_loop3A_722] {strides = array<i32>} : memref<16x1024xf32, #tpu.memory_space<vmem>>, vector<1x16xf32>,
        %parallel_loop3A_724 = vector.shape_cast %parallel_loop3A_723 : vector<1x16xf32> to vector<16xf32>
        %parallel_loop3A_725 = arith.addf %parallel_loop3A_720, %parallel_loop3A_724 : vector<16xf32>
        %parallel_loop3A_726 = arith.index_cast %parallel_loop3A_114 : i32 to index
        %parallel_loop3A_727 = arith.constant 688 : index
        %parallel_loop3A_728 = tpu.vector_load %arg12[%parallel_loop3A_726, %parallel_loop3A_727] {strides = array<i32>} : memref<16x1024xf32, #tpu.memory_space<vmem>>, vector<1x16xf32>,
        %parallel_loop3A_729 = vector.shape_cast %parallel_loop3A_728 : vector<1x16xf32> to vector<16xf32>
        %parallel_loop3A_730 = vector.shape_cast %parallel_loop3A_725 : vector<16xf32> to vector<1x16xf32>
        tpu.vector_store %arg12[%parallel_loop3A_726, %parallel_loop3A_727], %parallel_loop3A_730 {strides = array<i32>} : memref<16x1024xf32, #tpu.memory_space<vmem>>, vector<1x16xf32>,
        %parallel_loop3A_731 = arith.index_cast %parallel_loop3A_114 : i32 to index
        %parallel_loop3A_732 = arith.constant 704 : index
        %parallel_loop3A_733 = tpu.vector_load %arg8[%parallel_loop3A_731, %parallel_loop3A_732] {strides = array<i32>} : memref<16x1024xf32, #tpu.memory_space<vmem>>, vector<1x16xf32>,
        %parallel_loop3A_734 = vector.shape_cast %parallel_loop3A_733 : vector<1x16xf32> to vector<16xf32>
        %parallel_loop3A_735 = arith.index_cast %parallel_loop3A_114 : i32 to index
        %parallel_loop3A_736 = arith.constant 704 : index
        %parallel_loop3A_737 = tpu.vector_load %arg10[%parallel_loop3A_735, %parallel_loop3A_736] {strides = array<i32>} : memref<16x1024xf32, #tpu.memory_space<vmem>>, vector<1x16xf32>,
        %parallel_loop3A_738 = vector.shape_cast %parallel_loop3A_737 : vector<1x16xf32> to vector<16xf32>
        %parallel_loop3A_739 = arith.addf %parallel_loop3A_734, %parallel_loop3A_738 : vector<16xf32>
        %parallel_loop3A_740 = arith.index_cast %parallel_loop3A_114 : i32 to index
        %parallel_loop3A_741 = arith.constant 704 : index
        %parallel_loop3A_742 = tpu.vector_load %arg12[%parallel_loop3A_740, %parallel_loop3A_741] {strides = array<i32>} : memref<16x1024xf32, #tpu.memory_space<vmem>>, vector<1x16xf32>,
        %parallel_loop3A_743 = vector.shape_cast %parallel_loop3A_742 : vector<1x16xf32> to vector<16xf32>
        %parallel_loop3A_744 = vector.shape_cast %parallel_loop3A_739 : vector<16xf32> to vector<1x16xf32>
        tpu.vector_store %arg12[%parallel_loop3A_740, %parallel_loop3A_741], %parallel_loop3A_744 {strides = array<i32>} : memref<16x1024xf32, #tpu.memory_space<vmem>>, vector<1x16xf32>,
        %parallel_loop3A_745 = arith.index_cast %parallel_loop3A_114 : i32 to index
        %parallel_loop3A_746 = arith.constant 720 : index
        %parallel_loop3A_747 = tpu.vector_load %arg8[%parallel_loop3A_745, %parallel_loop3A_746] {strides = array<i32>} : memref<16x1024xf32, #tpu.memory_space<vmem>>, vector<1x16xf32>,
        %parallel_loop3A_748 = vector.shape_cast %parallel_loop3A_747 : vector<1x16xf32> to vector<16xf32>
        %parallel_loop3A_749 = arith.index_cast %parallel_loop3A_114 : i32 to index
        %parallel_loop3A_750 = arith.constant 720 : index
        %parallel_loop3A_751 = tpu.vector_load %arg10[%parallel_loop3A_749, %parallel_loop3A_750] {strides = array<i32>} : memref<16x1024xf32, #tpu.memory_space<vmem>>, vector<1x16xf32>,
        %parallel_loop3A_752 = vector.shape_cast %parallel_loop3A_751 : vector<1x16xf32> to vector<16xf32>
        %parallel_loop3A_753 = arith.addf %parallel_loop3A_748, %parallel_loop3A_752 : vector<16xf32>
        %parallel_loop3A_754 = arith.index_cast %parallel_loop3A_114 : i32 to index
        %parallel_loop3A_755 = arith.constant 720 : index
        %parallel_loop3A_756 = tpu.vector_load %arg12[%parallel_loop3A_754, %parallel_loop3A_755] {strides = array<i32>} : memref<16x1024xf32, #tpu.memory_space<vmem>>, vector<1x16xf32>,
        %parallel_loop3A_757 = vector.shape_cast %parallel_loop3A_756 : vector<1x16xf32> to vector<16xf32>
        %parallel_loop3A_758 = vector.shape_cast %parallel_loop3A_753 : vector<16xf32> to vector<1x16xf32>
        tpu.vector_store %arg12[%parallel_loop3A_754, %parallel_loop3A_755], %parallel_loop3A_758 {strides = array<i32>} : memref<16x1024xf32, #tpu.memory_space<vmem>>, vector<1x16xf32>,
        %parallel_loop3A_759 = arith.index_cast %parallel_loop3A_114 : i32 to index
        %parallel_loop3A_760 = arith.constant 736 : index
        %parallel_loop3A_761 = tpu.vector_load %arg8[%parallel_loop3A_759, %parallel_loop3A_760] {strides = array<i32>} : memref<16x1024xf32, #tpu.memory_space<vmem>>, vector<1x16xf32>,
        %parallel_loop3A_762 = vector.shape_cast %parallel_loop3A_761 : vector<1x16xf32> to vector<16xf32>
        %parallel_loop3A_763 = arith.index_cast %parallel_loop3A_114 : i32 to index
        %parallel_loop3A_764 = arith.constant 736 : index
        %parallel_loop3A_765 = tpu.vector_load %arg10[%parallel_loop3A_763, %parallel_loop3A_764] {strides = array<i32>} : memref<16x1024xf32, #tpu.memory_space<vmem>>, vector<1x16xf32>,
        %parallel_loop3A_766 = vector.shape_cast %parallel_loop3A_765 : vector<1x16xf32> to vector<16xf32>
        %parallel_loop3A_767 = arith.addf %parallel_loop3A_762, %parallel_loop3A_766 : vector<16xf32>
        %parallel_loop3A_768 = arith.index_cast %parallel_loop3A_114 : i32 to index
        %parallel_loop3A_769 = arith.constant 736 : index
        %parallel_loop3A_770 = tpu.vector_load %arg12[%parallel_loop3A_768, %parallel_loop3A_769] {strides = array<i32>} : memref<16x1024xf32, #tpu.memory_space<vmem>>, vector<1x16xf32>,
        %parallel_loop3A_771 = vector.shape_cast %parallel_loop3A_770 : vector<1x16xf32> to vector<16xf32>
        %parallel_loop3A_772 = vector.shape_cast %parallel_loop3A_767 : vector<16xf32> to vector<1x16xf32>
        tpu.vector_store %arg12[%parallel_loop3A_768, %parallel_loop3A_769], %parallel_loop3A_772 {strides = array<i32>} : memref<16x1024xf32, #tpu.memory_space<vmem>>, vector<1x16xf32>,
        %parallel_loop3A_773 = arith.index_cast %parallel_loop3A_114 : i32 to index
        %parallel_loop3A_774 = arith.constant 752 : index
        %parallel_loop3A_775 = tpu.vector_load %arg8[%parallel_loop3A_773, %parallel_loop3A_774] {strides = array<i32>} : memref<16x1024xf32, #tpu.memory_space<vmem>>, vector<1x16xf32>,
        %parallel_loop3A_776 = vector.shape_cast %parallel_loop3A_775 : vector<1x16xf32> to vector<16xf32>
        %parallel_loop3A_777 = arith.index_cast %parallel_loop3A_114 : i32 to index
        %parallel_loop3A_778 = arith.constant 752 : index
        %parallel_loop3A_779 = tpu.vector_load %arg10[%parallel_loop3A_777, %parallel_loop3A_778] {strides = array<i32>} : memref<16x1024xf32, #tpu.memory_space<vmem>>, vector<1x16xf32>,
        %parallel_loop3A_780 = vector.shape_cast %parallel_loop3A_779 : vector<1x16xf32> to vector<16xf32>
        %parallel_loop3A_781 = arith.addf %parallel_loop3A_776, %parallel_loop3A_780 : vector<16xf32>
        %parallel_loop3A_782 = arith.index_cast %parallel_loop3A_114 : i32 to index
        %parallel_loop3A_783 = arith.constant 752 : index
        %parallel_loop3A_784 = tpu.vector_load %arg12[%parallel_loop3A_782, %parallel_loop3A_783] {strides = array<i32>} : memref<16x1024xf32, #tpu.memory_space<vmem>>, vector<1x16xf32>,
        %parallel_loop3A_785 = vector.shape_cast %parallel_loop3A_784 : vector<1x16xf32> to vector<16xf32>
        %parallel_loop3A_786 = vector.shape_cast %parallel_loop3A_781 : vector<16xf32> to vector<1x16xf32>
        tpu.vector_store %arg12[%parallel_loop3A_782, %parallel_loop3A_783], %parallel_loop3A_786 {strides = array<i32>} : memref<16x1024xf32, #tpu.memory_space<vmem>>, vector<1x16xf32>,
        %parallel_loop3A_787 = arith.index_cast %parallel_loop3A_114 : i32 to index
        %parallel_loop3A_788 = arith.constant 768 : index
        %parallel_loop3A_789 = tpu.vector_load %arg8[%parallel_loop3A_787, %parallel_loop3A_788] {strides = array<i32>} : memref<16x1024xf32, #tpu.memory_space<vmem>>, vector<1x16xf32>,
        %parallel_loop3A_790 = vector.shape_cast %parallel_loop3A_789 : vector<1x16xf32> to vector<16xf32>
        %parallel_loop3A_791 = arith.index_cast %parallel_loop3A_114 : i32 to index
        %parallel_loop3A_792 = arith.constant 768 : index
        %parallel_loop3A_793 = tpu.vector_load %arg10[%parallel_loop3A_791, %parallel_loop3A_792] {strides = array<i32>} : memref<16x1024xf32, #tpu.memory_space<vmem>>, vector<1x16xf32>,
        %parallel_loop3A_794 = vector.shape_cast %parallel_loop3A_793 : vector<1x16xf32> to vector<16xf32>
        %parallel_loop3A_795 = arith.addf %parallel_loop3A_790, %parallel_loop3A_794 : vector<16xf32>
        %parallel_loop3A_796 = arith.index_cast %parallel_loop3A_114 : i32 to index
        %parallel_loop3A_797 = arith.constant 768 : index
        %parallel_loop3A_798 = tpu.vector_load %arg12[%parallel_loop3A_796, %parallel_loop3A_797] {strides = array<i32>} : memref<16x1024xf32, #tpu.memory_space<vmem>>, vector<1x16xf32>,
        %parallel_loop3A_799 = vector.shape_cast %parallel_loop3A_798 : vector<1x16xf32> to vector<16xf32>
        %parallel_loop3A_800 = vector.shape_cast %parallel_loop3A_795 : vector<16xf32> to vector<1x16xf32>
        tpu.vector_store %arg12[%parallel_loop3A_796, %parallel_loop3A_797], %parallel_loop3A_800 {strides = array<i32>} : memref<16x1024xf32, #tpu.memory_space<vmem>>, vector<1x16xf32>,
        %parallel_loop3A_801 = arith.index_cast %parallel_loop3A_114 : i32 to index
        %parallel_loop3A_802 = arith.constant 784 : index
        %parallel_loop3A_803 = tpu.vector_load %arg8[%parallel_loop3A_801, %parallel_loop3A_802] {strides = array<i32>} : memref<16x1024xf32, #tpu.memory_space<vmem>>, vector<1x16xf32>,
        %parallel_loop3A_804 = vector.shape_cast %parallel_loop3A_803 : vector<1x16xf32> to vector<16xf32>
        %parallel_loop3A_805 = arith.index_cast %parallel_loop3A_114 : i32 to index
        %parallel_loop3A_806 = arith.constant 784 : index
        %parallel_loop3A_807 = tpu.vector_load %arg10[%parallel_loop3A_805, %parallel_loop3A_806] {strides = array<i32>} : memref<16x1024xf32, #tpu.memory_space<vmem>>, vector<1x16xf32>,
        %parallel_loop3A_808 = vector.shape_cast %parallel_loop3A_807 : vector<1x16xf32> to vector<16xf32>
        %parallel_loop3A_809 = arith.addf %parallel_loop3A_804, %parallel_loop3A_808 : vector<16xf32>
        %parallel_loop3A_810 = arith.index_cast %parallel_loop3A_114 : i32 to index
        %parallel_loop3A_811 = arith.constant 784 : index
        %parallel_loop3A_812 = tpu.vector_load %arg12[%parallel_loop3A_810, %parallel_loop3A_811] {strides = array<i32>} : memref<16x1024xf32, #tpu.memory_space<vmem>>, vector<1x16xf32>,
        %parallel_loop3A_813 = vector.shape_cast %parallel_loop3A_812 : vector<1x16xf32> to vector<16xf32>
        %parallel_loop3A_814 = vector.shape_cast %parallel_loop3A_809 : vector<16xf32> to vector<1x16xf32>
        tpu.vector_store %arg12[%parallel_loop3A_810, %parallel_loop3A_811], %parallel_loop3A_814 {strides = array<i32>} : memref<16x1024xf32, #tpu.memory_space<vmem>>, vector<1x16xf32>,
        %parallel_loop3A_815 = arith.index_cast %parallel_loop3A_114 : i32 to index
        %parallel_loop3A_816 = arith.constant 800 : index
        %parallel_loop3A_817 = tpu.vector_load %arg8[%parallel_loop3A_815, %parallel_loop3A_816] {strides = array<i32>} : memref<16x1024xf32, #tpu.memory_space<vmem>>, vector<1x16xf32>,
        %parallel_loop3A_818 = vector.shape_cast %parallel_loop3A_817 : vector<1x16xf32> to vector<16xf32>
        %parallel_loop3A_819 = arith.index_cast %parallel_loop3A_114 : i32 to index
        %parallel_loop3A_820 = arith.constant 800 : index
        %parallel_loop3A_821 = tpu.vector_load %arg10[%parallel_loop3A_819, %parallel_loop3A_820] {strides = array<i32>} : memref<16x1024xf32, #tpu.memory_space<vmem>>, vector<1x16xf32>,
        %parallel_loop3A_822 = vector.shape_cast %parallel_loop3A_821 : vector<1x16xf32> to vector<16xf32>
        %parallel_loop3A_823 = arith.addf %parallel_loop3A_818, %parallel_loop3A_822 : vector<16xf32>
        %parallel_loop3A_824 = arith.index_cast %parallel_loop3A_114 : i32 to index
        %parallel_loop3A_825 = arith.constant 800 : index
        %parallel_loop3A_826 = tpu.vector_load %arg12[%parallel_loop3A_824, %parallel_loop3A_825] {strides = array<i32>} : memref<16x1024xf32, #tpu.memory_space<vmem>>, vector<1x16xf32>,
        %parallel_loop3A_827 = vector.shape_cast %parallel_loop3A_826 : vector<1x16xf32> to vector<16xf32>
        %parallel_loop3A_828 = vector.shape_cast %parallel_loop3A_823 : vector<16xf32> to vector<1x16xf32>
        tpu.vector_store %arg12[%parallel_loop3A_824, %parallel_loop3A_825], %parallel_loop3A_828 {strides = array<i32>} : memref<16x1024xf32, #tpu.memory_space<vmem>>, vector<1x16xf32>,
        %parallel_loop3A_829 = arith.index_cast %parallel_loop3A_114 : i32 to index
        %parallel_loop3A_830 = arith.constant 816 : index
        %parallel_loop3A_831 = tpu.vector_load %arg8[%parallel_loop3A_829, %parallel_loop3A_830] {strides = array<i32>} : memref<16x1024xf32, #tpu.memory_space<vmem>>, vector<1x16xf32>,
        %parallel_loop3A_832 = vector.shape_cast %parallel_loop3A_831 : vector<1x16xf32> to vector<16xf32>
        %parallel_loop3A_833 = arith.index_cast %parallel_loop3A_114 : i32 to index
        %parallel_loop3A_834 = arith.constant 816 : index
        %parallel_loop3A_835 = tpu.vector_load %arg10[%parallel_loop3A_833, %parallel_loop3A_834] {strides = array<i32>} : memref<16x1024xf32, #tpu.memory_space<vmem>>, vector<1x16xf32>,
        %parallel_loop3A_836 = vector.shape_cast %parallel_loop3A_835 : vector<1x16xf32> to vector<16xf32>
        %parallel_loop3A_837 = arith.addf %parallel_loop3A_832, %parallel_loop3A_836 : vector<16xf32>
        %parallel_loop3A_838 = arith.index_cast %parallel_loop3A_114 : i32 to index
        %parallel_loop3A_839 = arith.constant 816 : index
        %parallel_loop3A_840 = tpu.vector_load %arg12[%parallel_loop3A_838, %parallel_loop3A_839] {strides = array<i32>} : memref<16x1024xf32, #tpu.memory_space<vmem>>, vector<1x16xf32>,
        %parallel_loop3A_841 = vector.shape_cast %parallel_loop3A_840 : vector<1x16xf32> to vector<16xf32>
        %parallel_loop3A_842 = vector.shape_cast %parallel_loop3A_837 : vector<16xf32> to vector<1x16xf32>
        tpu.vector_store %arg12[%parallel_loop3A_838, %parallel_loop3A_839], %parallel_loop3A_842 {strides = array<i32>} : memref<16x1024xf32, #tpu.memory_space<vmem>>, vector<1x16xf32>,
        %parallel_loop3A_843 = arith.index_cast %parallel_loop3A_114 : i32 to index
        %parallel_loop3A_844 = arith.constant 832 : index
        %parallel_loop3A_845 = tpu.vector_load %arg8[%parallel_loop3A_843, %parallel_loop3A_844] {strides = array<i32>} : memref<16x1024xf32, #tpu.memory_space<vmem>>, vector<1x16xf32>,
        %parallel_loop3A_846 = vector.shape_cast %parallel_loop3A_845 : vector<1x16xf32> to vector<16xf32>
        %parallel_loop3A_847 = arith.index_cast %parallel_loop3A_114 : i32 to index
        %parallel_loop3A_848 = arith.constant 832 : index
        %parallel_loop3A_849 = tpu.vector_load %arg10[%parallel_loop3A_847, %parallel_loop3A_848] {strides = array<i32>} : memref<16x1024xf32, #tpu.memory_space<vmem>>, vector<1x16xf32>,
        %parallel_loop3A_850 = vector.shape_cast %parallel_loop3A_849 : vector<1x16xf32> to vector<16xf32>
        %parallel_loop3A_851 = arith.addf %parallel_loop3A_846, %parallel_loop3A_850 : vector<16xf32>
        %parallel_loop3A_852 = arith.index_cast %parallel_loop3A_114 : i32 to index
        %parallel_loop3A_853 = arith.constant 832 : index
        %parallel_loop3A_854 = tpu.vector_load %arg12[%parallel_loop3A_852, %parallel_loop3A_853] {strides = array<i32>} : memref<16x1024xf32, #tpu.memory_space<vmem>>, vector<1x16xf32>,
        %parallel_loop3A_855 = vector.shape_cast %parallel_loop3A_854 : vector<1x16xf32> to vector<16xf32>
        %parallel_loop3A_856 = vector.shape_cast %parallel_loop3A_851 : vector<16xf32> to vector<1x16xf32>
        tpu.vector_store %arg12[%parallel_loop3A_852, %parallel_loop3A_853], %parallel_loop3A_856 {strides = array<i32>} : memref<16x1024xf32, #tpu.memory_space<vmem>>, vector<1x16xf32>,
        %parallel_loop3A_857 = arith.index_cast %parallel_loop3A_114 : i32 to index
        %parallel_loop3A_858 = arith.constant 848 : index
        %parallel_loop3A_859 = tpu.vector_load %arg8[%parallel_loop3A_857, %parallel_loop3A_858] {strides = array<i32>} : memref<16x1024xf32, #tpu.memory_space<vmem>>, vector<1x16xf32>,
        %parallel_loop3A_860 = vector.shape_cast %parallel_loop3A_859 : vector<1x16xf32> to vector<16xf32>
        %parallel_loop3A_861 = arith.index_cast %parallel_loop3A_114 : i32 to index
        %parallel_loop3A_862 = arith.constant 848 : index
        %parallel_loop3A_863 = tpu.vector_load %arg10[%parallel_loop3A_861, %parallel_loop3A_862] {strides = array<i32>} : memref<16x1024xf32, #tpu.memory_space<vmem>>, vector<1x16xf32>,
        %parallel_loop3A_864 = vector.shape_cast %parallel_loop3A_863 : vector<1x16xf32> to vector<16xf32>
        %parallel_loop3A_865 = arith.addf %parallel_loop3A_860, %parallel_loop3A_864 : vector<16xf32>
        %parallel_loop3A_866 = arith.index_cast %parallel_loop3A_114 : i32 to index
        %parallel_loop3A_867 = arith.constant 848 : index
        %parallel_loop3A_868 = tpu.vector_load %arg12[%parallel_loop3A_866, %parallel_loop3A_867] {strides = array<i32>} : memref<16x1024xf32, #tpu.memory_space<vmem>>, vector<1x16xf32>,
        %parallel_loop3A_869 = vector.shape_cast %parallel_loop3A_868 : vector<1x16xf32> to vector<16xf32>
        %parallel_loop3A_870 = vector.shape_cast %parallel_loop3A_865 : vector<16xf32> to vector<1x16xf32>
        tpu.vector_store %arg12[%parallel_loop3A_866, %parallel_loop3A_867], %parallel_loop3A_870 {strides = array<i32>} : memref<16x1024xf32, #tpu.memory_space<vmem>>, vector<1x16xf32>,
        %parallel_loop3A_871 = arith.index_cast %parallel_loop3A_114 : i32 to index
        %parallel_loop3A_872 = arith.constant 864 : index
        %parallel_loop3A_873 = tpu.vector_load %arg8[%parallel_loop3A_871, %parallel_loop3A_872] {strides = array<i32>} : memref<16x1024xf32, #tpu.memory_space<vmem>>, vector<1x16xf32>,
        %parallel_loop3A_874 = vector.shape_cast %parallel_loop3A_873 : vector<1x16xf32> to vector<16xf32>
        %parallel_loop3A_875 = arith.index_cast %parallel_loop3A_114 : i32 to index
        %parallel_loop3A_876 = arith.constant 864 : index
        %parallel_loop3A_877 = tpu.vector_load %arg10[%parallel_loop3A_875, %parallel_loop3A_876] {strides = array<i32>} : memref<16x1024xf32, #tpu.memory_space<vmem>>, vector<1x16xf32>,
        %parallel_loop3A_878 = vector.shape_cast %parallel_loop3A_877 : vector<1x16xf32> to vector<16xf32>
        %parallel_loop3A_879 = arith.addf %parallel_loop3A_874, %parallel_loop3A_878 : vector<16xf32>
        %parallel_loop3A_880 = arith.index_cast %parallel_loop3A_114 : i32 to index
        %parallel_loop3A_881 = arith.constant 864 : index
        %parallel_loop3A_882 = tpu.vector_load %arg12[%parallel_loop3A_880, %parallel_loop3A_881] {strides = array<i32>} : memref<16x1024xf32, #tpu.memory_space<vmem>>, vector<1x16xf32>,
        %parallel_loop3A_883 = vector.shape_cast %parallel_loop3A_882 : vector<1x16xf32> to vector<16xf32>
        %parallel_loop3A_884 = vector.shape_cast %parallel_loop3A_879 : vector<16xf32> to vector<1x16xf32>
        tpu.vector_store %arg12[%parallel_loop3A_880, %parallel_loop3A_881], %parallel_loop3A_884 {strides = array<i32>} : memref<16x1024xf32, #tpu.memory_space<vmem>>, vector<1x16xf32>,
        %parallel_loop3A_885 = arith.index_cast %parallel_loop3A_114 : i32 to index
        %parallel_loop3A_886 = arith.constant 880 : index
        %parallel_loop3A_887 = tpu.vector_load %arg8[%parallel_loop3A_885, %parallel_loop3A_886] {strides = array<i32>} : memref<16x1024xf32, #tpu.memory_space<vmem>>, vector<1x16xf32>,
        %parallel_loop3A_888 = vector.shape_cast %parallel_loop3A_887 : vector<1x16xf32> to vector<16xf32>
        %parallel_loop3A_889 = arith.index_cast %parallel_loop3A_114 : i32 to index
        %parallel_loop3A_890 = arith.constant 880 : index
        %parallel_loop3A_891 = tpu.vector_load %arg10[%parallel_loop3A_889, %parallel_loop3A_890] {strides = array<i32>} : memref<16x1024xf32, #tpu.memory_space<vmem>>, vector<1x16xf32>,
        %parallel_loop3A_892 = vector.shape_cast %parallel_loop3A_891 : vector<1x16xf32> to vector<16xf32>
        %parallel_loop3A_893 = arith.addf %parallel_loop3A_888, %parallel_loop3A_892 : vector<16xf32>
        %parallel_loop3A_894 = arith.index_cast %parallel_loop3A_114 : i32 to index
        %parallel_loop3A_895 = arith.constant 880 : index
        %parallel_loop3A_896 = tpu.vector_load %arg12[%parallel_loop3A_894, %parallel_loop3A_895] {strides = array<i32>} : memref<16x1024xf32, #tpu.memory_space<vmem>>, vector<1x16xf32>,
        %parallel_loop3A_897 = vector.shape_cast %parallel_loop3A_896 : vector<1x16xf32> to vector<16xf32>
        %parallel_loop3A_898 = vector.shape_cast %parallel_loop3A_893 : vector<16xf32> to vector<1x16xf32>
        tpu.vector_store %arg12[%parallel_loop3A_894, %parallel_loop3A_895], %parallel_loop3A_898 {strides = array<i32>} : memref<16x1024xf32, #tpu.memory_space<vmem>>, vector<1x16xf32>,
        %parallel_loop3A_899 = arith.index_cast %parallel_loop3A_114 : i32 to index
        %parallel_loop3A_900 = arith.constant 896 : index
        %parallel_loop3A_901 = tpu.vector_load %arg8[%parallel_loop3A_899, %parallel_loop3A_900] {strides = array<i32>} : memref<16x1024xf32, #tpu.memory_space<vmem>>, vector<1x16xf32>,
        %parallel_loop3A_902 = vector.shape_cast %parallel_loop3A_901 : vector<1x16xf32> to vector<16xf32>
        %parallel_loop3A_903 = arith.index_cast %parallel_loop3A_114 : i32 to index
        %parallel_loop3A_904 = arith.constant 896 : index
        %parallel_loop3A_905 = tpu.vector_load %arg10[%parallel_loop3A_903, %parallel_loop3A_904] {strides = array<i32>} : memref<16x1024xf32, #tpu.memory_space<vmem>>, vector<1x16xf32>,
        %parallel_loop3A_906 = vector.shape_cast %parallel_loop3A_905 : vector<1x16xf32> to vector<16xf32>
        %parallel_loop3A_907 = arith.addf %parallel_loop3A_902, %parallel_loop3A_906 : vector<16xf32>
        %parallel_loop3A_908 = arith.index_cast %parallel_loop3A_114 : i32 to index
        %parallel_loop3A_909 = arith.constant 896 : index
        %parallel_loop3A_910 = tpu.vector_load %arg12[%parallel_loop3A_908, %parallel_loop3A_909] {strides = array<i32>} : memref<16x1024xf32, #tpu.memory_space<vmem>>, vector<1x16xf32>,
        %parallel_loop3A_911 = vector.shape_cast %parallel_loop3A_910 : vector<1x16xf32> to vector<16xf32>
        %parallel_loop3A_912 = vector.shape_cast %parallel_loop3A_907 : vector<16xf32> to vector<1x16xf32>
        tpu.vector_store %arg12[%parallel_loop3A_908, %parallel_loop3A_909], %parallel_loop3A_912 {strides = array<i32>} : memref<16x1024xf32, #tpu.memory_space<vmem>>, vector<1x16xf32>,
        %parallel_loop3A_913 = arith.index_cast %parallel_loop3A_114 : i32 to index
        %parallel_loop3A_914 = arith.constant 912 : index
        %parallel_loop3A_915 = tpu.vector_load %arg8[%parallel_loop3A_913, %parallel_loop3A_914] {strides = array<i32>} : memref<16x1024xf32, #tpu.memory_space<vmem>>, vector<1x16xf32>,
        %parallel_loop3A_916 = vector.shape_cast %parallel_loop3A_915 : vector<1x16xf32> to vector<16xf32>
        %parallel_loop3A_917 = arith.index_cast %parallel_loop3A_114 : i32 to index
        %parallel_loop3A_918 = arith.constant 912 : index
        %parallel_loop3A_919 = tpu.vector_load %arg10[%parallel_loop3A_917, %parallel_loop3A_918] {strides = array<i32>} : memref<16x1024xf32, #tpu.memory_space<vmem>>, vector<1x16xf32>,
        %parallel_loop3A_920 = vector.shape_cast %parallel_loop3A_919 : vector<1x16xf32> to vector<16xf32>
        %parallel_loop3A_921 = arith.addf %parallel_loop3A_916, %parallel_loop3A_920 : vector<16xf32>
        %parallel_loop3A_922 = arith.index_cast %parallel_loop3A_114 : i32 to index
        %parallel_loop3A_923 = arith.constant 912 : index
        %parallel_loop3A_924 = tpu.vector_load %arg12[%parallel_loop3A_922, %parallel_loop3A_923] {strides = array<i32>} : memref<16x1024xf32, #tpu.memory_space<vmem>>, vector<1x16xf32>,
        %parallel_loop3A_925 = vector.shape_cast %parallel_loop3A_924 : vector<1x16xf32> to vector<16xf32>
        %parallel_loop3A_926 = vector.shape_cast %parallel_loop3A_921 : vector<16xf32> to vector<1x16xf32>
        tpu.vector_store %arg12[%parallel_loop3A_922, %parallel_loop3A_923], %parallel_loop3A_926 {strides = array<i32>} : memref<16x1024xf32, #tpu.memory_space<vmem>>, vector<1x16xf32>,
        %parallel_loop3A_927 = arith.index_cast %parallel_loop3A_114 : i32 to index
        %parallel_loop3A_928 = arith.constant 928 : index
        %parallel_loop3A_929 = tpu.vector_load %arg8[%parallel_loop3A_927, %parallel_loop3A_928] {strides = array<i32>} : memref<16x1024xf32, #tpu.memory_space<vmem>>, vector<1x16xf32>,
        %parallel_loop3A_930 = vector.shape_cast %parallel_loop3A_929 : vector<1x16xf32> to vector<16xf32>
        %parallel_loop3A_931 = arith.index_cast %parallel_loop3A_114 : i32 to index
        %parallel_loop3A_932 = arith.constant 928 : index
        %parallel_loop3A_933 = tpu.vector_load %arg10[%parallel_loop3A_931, %parallel_loop3A_932] {strides = array<i32>} : memref<16x1024xf32, #tpu.memory_space<vmem>>, vector<1x16xf32>,
        %parallel_loop3A_934 = vector.shape_cast %parallel_loop3A_933 : vector<1x16xf32> to vector<16xf32>
        %parallel_loop3A_935 = arith.addf %parallel_loop3A_930, %parallel_loop3A_934 : vector<16xf32>
        %parallel_loop3A_936 = arith.index_cast %parallel_loop3A_114 : i32 to index
        %parallel_loop3A_937 = arith.constant 928 : index
        %parallel_loop3A_938 = tpu.vector_load %arg12[%parallel_loop3A_936, %parallel_loop3A_937] {strides = array<i32>} : memref<16x1024xf32, #tpu.memory_space<vmem>>, vector<1x16xf32>,
        %parallel_loop3A_939 = vector.shape_cast %parallel_loop3A_938 : vector<1x16xf32> to vector<16xf32>
        %parallel_loop3A_940 = vector.shape_cast %parallel_loop3A_935 : vector<16xf32> to vector<1x16xf32>
        tpu.vector_store %arg12[%parallel_loop3A_936, %parallel_loop3A_937], %parallel_loop3A_940 {strides = array<i32>} : memref<16x1024xf32, #tpu.memory_space<vmem>>, vector<1x16xf32>,
        %parallel_loop3A_941 = arith.index_cast %parallel_loop3A_114 : i32 to index
        %parallel_loop3A_942 = arith.constant 944 : index
        %parallel_loop3A_943 = tpu.vector_load %arg8[%parallel_loop3A_941, %parallel_loop3A_942] {strides = array<i32>} : memref<16x1024xf32, #tpu.memory_space<vmem>>, vector<1x16xf32>,
        %parallel_loop3A_944 = vector.shape_cast %parallel_loop3A_943 : vector<1x16xf32> to vector<16xf32>
        %parallel_loop3A_945 = arith.index_cast %parallel_loop3A_114 : i32 to index
        %parallel_loop3A_946 = arith.constant 944 : index
        %parallel_loop3A_947 = tpu.vector_load %arg10[%parallel_loop3A_945, %parallel_loop3A_946] {strides = array<i32>} : memref<16x1024xf32, #tpu.memory_space<vmem>>, vector<1x16xf32>,
        %parallel_loop3A_948 = vector.shape_cast %parallel_loop3A_947 : vector<1x16xf32> to vector<16xf32>
        %parallel_loop3A_949 = arith.addf %parallel_loop3A_944, %parallel_loop3A_948 : vector<16xf32>
        %parallel_loop3A_950 = arith.index_cast %parallel_loop3A_114 : i32 to index
        %parallel_loop3A_951 = arith.constant 944 : index
        %parallel_loop3A_952 = tpu.vector_load %arg12[%parallel_loop3A_950, %parallel_loop3A_951] {strides = array<i32>} : memref<16x1024xf32, #tpu.memory_space<vmem>>, vector<1x16xf32>,
        %parallel_loop3A_953 = vector.shape_cast %parallel_loop3A_952 : vector<1x16xf32> to vector<16xf32>
        %parallel_loop3A_954 = vector.shape_cast %parallel_loop3A_949 : vector<16xf32> to vector<1x16xf32>
        tpu.vector_store %arg12[%parallel_loop3A_950, %parallel_loop3A_951], %parallel_loop3A_954 {strides = array<i32>} : memref<16x1024xf32, #tpu.memory_space<vmem>>, vector<1x16xf32>,
        %parallel_loop3A_955 = arith.index_cast %parallel_loop3A_114 : i32 to index
        %parallel_loop3A_956 = arith.constant 960 : index
        %parallel_loop3A_957 = tpu.vector_load %arg8[%parallel_loop3A_955, %parallel_loop3A_956] {strides = array<i32>} : memref<16x1024xf32, #tpu.memory_space<vmem>>, vector<1x16xf32>,
        %parallel_loop3A_958 = vector.shape_cast %parallel_loop3A_957 : vector<1x16xf32> to vector<16xf32>
        %parallel_loop3A_959 = arith.index_cast %parallel_loop3A_114 : i32 to index
        %parallel_loop3A_960 = arith.constant 960 : index
        %parallel_loop3A_961 = tpu.vector_load %arg10[%parallel_loop3A_959, %parallel_loop3A_960] {strides = array<i32>} : memref<16x1024xf32, #tpu.memory_space<vmem>>, vector<1x16xf32>,
        %parallel_loop3A_962 = vector.shape_cast %parallel_loop3A_961 : vector<1x16xf32> to vector<16xf32>
        %parallel_loop3A_963 = arith.addf %parallel_loop3A_958, %parallel_loop3A_962 : vector<16xf32>
        %parallel_loop3A_964 = arith.index_cast %parallel_loop3A_114 : i32 to index
        %parallel_loop3A_965 = arith.constant 960 : index
        %parallel_loop3A_966 = tpu.vector_load %arg12[%parallel_loop3A_964, %parallel_loop3A_965] {strides = array<i32>} : memref<16x1024xf32, #tpu.memory_space<vmem>>, vector<1x16xf32>,
        %parallel_loop3A_967 = vector.shape_cast %parallel_loop3A_966 : vector<1x16xf32> to vector<16xf32>
        %parallel_loop3A_968 = vector.shape_cast %parallel_loop3A_963 : vector<16xf32> to vector<1x16xf32>
        tpu.vector_store %arg12[%parallel_loop3A_964, %parallel_loop3A_965], %parallel_loop3A_968 {strides = array<i32>} : memref<16x1024xf32, #tpu.memory_space<vmem>>, vector<1x16xf32>,
        %parallel_loop3A_969 = arith.index_cast %parallel_loop3A_114 : i32 to index
        %parallel_loop3A_970 = arith.constant 976 : index
        %parallel_loop3A_971 = tpu.vector_load %arg8[%parallel_loop3A_969, %parallel_loop3A_970] {strides = array<i32>} : memref<16x1024xf32, #tpu.memory_space<vmem>>, vector<1x16xf32>,
        %parallel_loop3A_972 = vector.shape_cast %parallel_loop3A_971 : vector<1x16xf32> to vector<16xf32>
        %parallel_loop3A_973 = arith.index_cast %parallel_loop3A_114 : i32 to index
        %parallel_loop3A_974 = arith.constant 976 : index
        %parallel_loop3A_975 = tpu.vector_load %arg10[%parallel_loop3A_973, %parallel_loop3A_974] {strides = array<i32>} : memref<16x1024xf32, #tpu.memory_space<vmem>>, vector<1x16xf32>,
        %parallel_loop3A_976 = vector.shape_cast %parallel_loop3A_975 : vector<1x16xf32> to vector<16xf32>
        %parallel_loop3A_977 = arith.addf %parallel_loop3A_972, %parallel_loop3A_976 : vector<16xf32>
        %parallel_loop3A_978 = arith.index_cast %parallel_loop3A_114 : i32 to index
        %parallel_loop3A_979 = arith.constant 976 : index
        %parallel_loop3A_980 = tpu.vector_load %arg12[%parallel_loop3A_978, %parallel_loop3A_979] {strides = array<i32>} : memref<16x1024xf32, #tpu.memory_space<vmem>>, vector<1x16xf32>,
        %parallel_loop3A_981 = vector.shape_cast %parallel_loop3A_980 : vector<1x16xf32> to vector<16xf32>
        %parallel_loop3A_982 = vector.shape_cast %parallel_loop3A_977 : vector<16xf32> to vector<1x16xf32>
        tpu.vector_store %arg12[%parallel_loop3A_978, %parallel_loop3A_979], %parallel_loop3A_982 {strides = array<i32>} : memref<16x1024xf32, #tpu.memory_space<vmem>>, vector<1x16xf32>,
        %parallel_loop3A_983 = arith.index_cast %parallel_loop3A_114 : i32 to index
        %parallel_loop3A_984 = arith.constant 992 : index
        %parallel_loop3A_985 = tpu.vector_load %arg8[%parallel_loop3A_983, %parallel_loop3A_984] {strides = array<i32>} : memref<16x1024xf32, #tpu.memory_space<vmem>>, vector<1x16xf32>,
        %parallel_loop3A_986 = vector.shape_cast %parallel_loop3A_985 : vector<1x16xf32> to vector<16xf32>
        %parallel_loop3A_987 = arith.index_cast %parallel_loop3A_114 : i32 to index
        %parallel_loop3A_988 = arith.constant 992 : index
        %parallel_loop3A_989 = tpu.vector_load %arg10[%parallel_loop3A_987, %parallel_loop3A_988] {strides = array<i32>} : memref<16x1024xf32, #tpu.memory_space<vmem>>, vector<1x16xf32>,
        %parallel_loop3A_990 = vector.shape_cast %parallel_loop3A_989 : vector<1x16xf32> to vector<16xf32>
        %parallel_loop3A_991 = arith.addf %parallel_loop3A_986, %parallel_loop3A_990 : vector<16xf32>
        %parallel_loop3A_992 = arith.index_cast %parallel_loop3A_114 : i32 to index
        %parallel_loop3A_993 = arith.constant 992 : index
        %parallel_loop3A_994 = tpu.vector_load %arg12[%parallel_loop3A_992, %parallel_loop3A_993] {strides = array<i32>} : memref<16x1024xf32, #tpu.memory_space<vmem>>, vector<1x16xf32>,
        %parallel_loop3A_995 = vector.shape_cast %parallel_loop3A_994 : vector<1x16xf32> to vector<16xf32>
        %parallel_loop3A_996 = vector.shape_cast %parallel_loop3A_991 : vector<16xf32> to vector<1x16xf32>
        tpu.vector_store %arg12[%parallel_loop3A_992, %parallel_loop3A_993], %parallel_loop3A_996 {strides = array<i32>} : memref<16x1024xf32, #tpu.memory_space<vmem>>, vector<1x16xf32>,
        %parallel_loop3A_997 = arith.index_cast %parallel_loop3A_114 : i32 to index
        %parallel_loop3A_998 = arith.constant 1008 : index
        %parallel_loop3A_999 = tpu.vector_load %arg8[%parallel_loop3A_997, %parallel_loop3A_998] {strides = array<i32>} : memref<16x1024xf32, #tpu.memory_space<vmem>>, vector<1x16xf32>,
        %parallel_loop3A_1000 = vector.shape_cast %parallel_loop3A_999 : vector<1x16xf32> to vector<16xf32>
        %parallel_loop3A_1001 = arith.index_cast %parallel_loop3A_114 : i32 to index
        %parallel_loop3A_1002 = arith.constant 1008 : index
        %parallel_loop3A_1003 = tpu.vector_load %arg10[%parallel_loop3A_1001, %parallel_loop3A_1002] {strides = array<i32>} : memref<16x1024xf32, #tpu.memory_space<vmem>>, vector<1x16xf32>,
        %parallel_loop3A_1004 = vector.shape_cast %parallel_loop3A_1003 : vector<1x16xf32> to vector<16xf32>
        %parallel_loop3A_1005 = arith.addf %parallel_loop3A_1000, %parallel_loop3A_1004 : vector<16xf32>
        %parallel_loop3A_1006 = arith.index_cast %parallel_loop3A_114 : i32 to index
        %parallel_loop3A_1007 = arith.constant 1008 : index
        %parallel_loop3A_1008 = tpu.vector_load %arg12[%parallel_loop3A_1006, %parallel_loop3A_1007] {strides = array<i32>} : memref<16x1024xf32, #tpu.memory_space<vmem>>, vector<1x16xf32>,
        %parallel_loop3A_1009 = vector.shape_cast %parallel_loop3A_1008 : vector<1x16xf32> to vector<16xf32>
        %parallel_loop3A_1010 = vector.shape_cast %parallel_loop3A_1005 : vector<16xf32> to vector<1x16xf32>
        tpu.vector_store %arg12[%parallel_loop3A_1006, %parallel_loop3A_1007], %parallel_loop3A_1010 {strides = array<i32>} : memref<16x1024xf32, #tpu.memory_space<vmem>>, vector<1x16xf32>,
      } {sc.loop_unroll_factor = 1 : i64, sc.parallel_access}
      %mul3A_100 = arith.constant 16 : i32
      %mul3A_101 = arith.muli %add3A_78, %mul3A_100 : i32
      %add3A_102 = arith.addi %mul3A_2, %mul3A_101 : i32
      %dma_start3A_103 = arith.constant 0 : i32
      %dma_start3A_104 = tpu.memref_slice %arg5[%add3A_102, %dma_start3A_103] : memref<32768x1024xf32, #tpu.memory_space<hbm>> -> memref<16x1024xf32, #tpu.memory_space<hbm>>
      %dma_start3A_105 = arith.constant 0 : i32
      %dma_start3A_106 = tpu.memref_slice %arg5[%add3A_102, %dma_start3A_105] : memref<32768x1024xf32, #tpu.memory_space<hbm>> -> memref<16x1024xf32, #tpu.memory_space<hbm>>
      tpu.enqueue_dma source(%arg12 : memref<16x1024xf32, #tpu.memory_space<vmem>>) target(%dma_start3A_106 : memref<16x1024xf32, #tpu.memory_space<hbm>>) target_semaphore(%arg18 : memref<!tpu.dma_semaphore, #tpu.memory_space<semaphore_mem>>)
      %add3A_107 = arith.constant 2 : i32
      %add3A_108 = arith.addi %add3A_78, %add3A_107 : i32
      %lt3A_109 = arith.constant 64 : i32
      %lt3A_110 = arith.cmpi slt, %add3A_108, %lt3A_109 : i32
      %convert_element_type3A_111 = arith.extui %lt3A_110 : i1 to i32
      %cond3A_112 = arith.constant 0 : i32
      %cond3A_113 = arith.cmpi ne, %convert_element_type3A_111, %cond3A_112 : i32
      scf.if %cond3A_113 {
        %add3A_114 = arith.constant 2 : i32
        %add3A_115 = arith.addi %add3A_78, %add3A_114 : i32
        %mul3A_116 = arith.constant 16 : i32
        %mul3A_117 = arith.muli %add3A_115, %mul3A_116 : i32
        %add3A_118 = arith.addi %mul3A_2, %mul3A_117 : i32
        %mul3A_119 = arith.constant 16 : i32
        %mul3A_120 = arith.muli %add3A_115, %mul3A_119 : i32
        %dma_start3A_121 = arith.constant 0 : i32
        %dma_start3A_122 = tpu.memref_slice %arg2[%add3A_118, %dma_start3A_121] : memref<32768x1024xf32, #tpu.memory_space<hbm>> -> memref<16x1024xf32, #tpu.memory_space<hbm>>
        %dma_start3A_123 = arith.constant 0 : i32
        %dma_start3A_124 = tpu.memref_slice %arg2[%add3A_118, %dma_start3A_123] : memref<32768x1024xf32, #tpu.memory_space<hbm>> -> memref<16x1024xf32, #tpu.memory_space<hbm>>
        tpu.enqueue_dma source(%dma_start3A_124 : memref<16x1024xf32, #tpu.memory_space<hbm>>) target(%arg8 : memref<16x1024xf32, #tpu.memory_space<vmem>>) target_semaphore(%arg14 : memref<!tpu.dma_semaphore, #tpu.memory_space<semaphore_mem>>)
        %dma_start3A_125 = tpu.memref_slice %arg6[%mul3A_120] : memref<1024xi32, #tpu.memory_space<vmem>> -> memref<16xi32, #tpu.memory_space<vmem>>
        %dma_start3A_126 = arith.constant 0 : i32
        %dma_start3A_127 = arith.constant 0 : i32
        %dma_start3A_128 = tpu.memref_slice %arg4[%dma_start3A_126, %dma_start3A_127] : memref<8192x1024xf32, #tpu.memory_space<hbm>> -> memref<8192x1024xf32, #tpu.memory_space<hbm>>
        tpu.enqueue_indirect_dma source(%dma_start3A_128 : memref<8192x1024xf32, #tpu.memory_space<hbm>>) target(%arg10 : memref<16x1024xf32, #tpu.memory_space<vmem>>) offsets(%dma_start3A_125 : memref<16xi32, #tpu.memory_space<vmem>>) semaphore(%arg16 : memref<!tpu.dma_semaphore, #tpu.memory_space<semaphore_mem>>)
      } else {
      }
    }
    %scan3A_28 = arith.constant 32 : i32
    %add3A_29 = arith.constant 992 : i32
    %add3A_30 = arith.addi %mul3A_2, %add3A_29 : i32
    %dma_wait3A = arith.constant 0 : i32
    %dma_wait3A_31 = tpu.memref_slice %arg5[%add3A_30, %dma_wait3A] : memref<32768x1024xf32, #tpu.memory_space<hbm>> -> memref<16x1024xf32, #tpu.memory_space<hbm>>
    %dma_wait3A_32 = arith.constant 0 : i32
    %dma_wait3A_33 = tpu.memref_slice %arg5[%add3A_30, %dma_wait3A_32] : memref<32768x1024xf32, #tpu.memory_space<hbm>> -> memref<16x1024xf32, #tpu.memory_space<hbm>>
    tpu.wait_dma2 semaphore(%arg17 : memref<!tpu.dma_semaphore, #tpu.memory_space<semaphore_mem>>) src(%arg11 : memref<16x1024xf32, #tpu.memory_space<vmem>>) dst(%dma_wait3A_33 : memref<16x1024xf32, #tpu.memory_space<hbm>>)
    %add3A_34 = arith.constant 1008 : i32
    %add3A_35 = arith.addi %mul3A_2, %add3A_34 : i32
    %dma_wait3A_36 = arith.constant 0 : i32
    %dma_wait3A_37 = tpu.memref_slice %arg5[%add3A_35, %dma_wait3A_36] : memref<32768x1024xf32, #tpu.memory_space<hbm>> -> memref<16x1024xf32, #tpu.memory_space<hbm>>
    %dma_wait3A_38 = arith.constant 0 : i32
    %dma_wait3A_39 = tpu.memref_slice %arg5[%add3A_35, %dma_wait3A_38] : memref<32768x1024xf32, #tpu.memory_space<hbm>> -> memref<16x1024xf32, #tpu.memory_space<hbm>>
    tpu.wait_dma2 semaphore(%arg18 : memref<!tpu.dma_semaphore, #tpu.memory_space<semaphore_mem>>) src(%arg12 : memref<16x1024xf32, #tpu.memory_space<vmem>>) dst(%dma_wait3A_39 : memref<16x1024xf32, #tpu.memory_space<hbm>>)
    return
  }
}

</mosaic_0001>

<sc_bundles>
// kernel: kernel.3.cloned.1.call-start
scs
__scs_entry_jumppad:
0x0: {  	(pc) =	sbr.rel $0x88, $3  }
0x1: {  	(tag) =	ssettag $0x0;
	lr =	simm.s32 $0x1  }
0x2: {  	[smem:$0x3F9E] =	sst lr;
	_ =	strace $0xD0000000  }
0x3: {  	_ = 	snop  }
0x4: {  	_ = 	snop  }
0x5: {  	_ = 	snop  }
0x6: {  	_ = 	snop  }
0x7: {  	_ = 	snop  }
__scs_overlays_trampoline_lowered:
0x8: {  	[smem:$0x3FAD] =	sst s0  }
0x9: {  	[smem:$0x3FAE] =	sst s1  }
0xa: {  	[smem:$0x3FAF] =	sst s2  }
0xb: {  	[smem:$0x3FB0] =	sst s3  }
0xc: {  	[smem:$0x3FB1] =	sst s4  }
0xd: {  	[smem:$0x3FB2] =	sst s5  }
0xe: {  	[smem:$0x3FB3] =	sst s6  }
0xf: {  	[smem:$0x3FB4] =	sst s7  }
0x10: {  	[smem:$0x3FB5] =	sst s8  }
0x11: {  	[smem:$0x3FB6] =	sst s9;
	s0 =	simm.s32 @!p0 $0x0  }
0x12: {  	s1 =	sld [smem:$0x3F9C];
	s0 =	simm.s32 @p0 $0x1  }
0x13: {  	[smem:$0x3FB7] =	sst s0;
	s0 =	simm.s32 @!p1 $0x0  }
0x14: {  	s2 =	sld [smem:$0x3F9B];
	s0 =	simm.s32 @p1 $0x1  }
0x15: {  	[smem:$0x3FB8] =	sst s0;
	s0 =	simm.s32 @!p2 $0x0  }
0x16: {  	s3 =	sld [smem:$0x3FDB];
	s0 =	simm.s32 @p2 $0x1  }
0x17: {  	s4 =	simm.s32 $0x1BF5;
	[smem:$0x3FBA] =	sst s0  }
0x18: {  	s0 =	sld [smem:$0x3F9D];
	_ =	swait.ge [sflag:s4], $0x0  }
0x19: {  	s7 =	sld [smem:$0x3F9E]  }
0x1a: {  	s8 =	sadd.s32 $0xFFFFE003, lr  }
0x1b: {  	s9 =	sadd.s32 $0xFFFFFEF7, lr;
	s5 =	simm.s32 $0xFFFFFFFF;
	p2 =	slt.u32 s8, $0xFFFFF086  }
0x1c: {  	p1 =	slt.u32 s9, $0xF7A;
	s5 =	simm.s32 @!p2 $0x0  }
0x1d: {  	s5 =	simm.s32 @p1 $0x1;
	p0 =	seq.s32 s7, s2  }
0x1e: {  	s7 =	smul.u32 @!p0 $0xF7A, s2;
	p2 =	seq.s32 @!p0 s5, $0x0  }
0x1f: {  	s9 =	smul.u32 $0xF7A, s1;
	s8 =	simm.s32 @!p0 $0x1BF5;
	p2 =	por !p2, p0  }
0x20: {  	[sflag:s8] =	ssyncset.s32 @!p0 $0xFFFFF086;
	s6 =	sadd.s32 @!p0 s3, s7;
	s7 =	simm.s32 @!p0 $0x108  }
0x21: {  	s3 =	sadd.s32 s3, s9;
	s6 =	sadd.s32 @!p0 $0x88, s6;
	s7 =	simm.s32 @p2 $0x1082  }
0x22: {  	[simem:s7], [sflag:s8] =	dma.local @!p0 [hbm:s6], $0xF7A  }
0x23: {  	s9 =	sor.u32 $0xD0000000, s2;
	s6 =	simm.s32 $0x108;
	_ =	swait.ge @!p0 [sflag:s8], $0x0  }
0x24: {  	s3 =	sadd.s32 $0x88, s3;
	s6 =	simm.s32 @!p1 $0x1082;
	[sflag:s4] =	ssyncset.s32 $0xFFFFF086  }
0x25: {  	[simem:s6], [sflag:s4] =	dma.local [hbm:s3], $0xF7A  }
0x26: {  	[smem:$0x3F9E] =	sst s1;
	(tag) =	ssettag s2;
	_ =	strace s9  }
0x27: {  	s1 =	sld [smem:$0x3FAE]  }
0x28: {  	s2 =	sld [smem:$0x3FAF]  }
0x29: {  	s4 =	sld [smem:$0x3FB1]  }
0x2a: {  	p0 =	seq.s32 s5, $0x0;
	s5 =	sld [smem:$0x3FB2]  }
0x2b: {  	s6 =	sld [smem:$0x3FB3]  }
0x2c: {  	s7 =	sld [smem:$0x3FB4]  }
0x2d: {  	s3 =	simm.s32 $0x108;
	s8 =	sld [smem:$0x3FB5]  }
0x2e: {  	s3 =	simm.s32 @!p0 $0x1082;
	s9 =	sld [smem:$0x3FB6]  }
0x2f: {  	lr =	sadd.s32 s0, s3;
	s0 =	sld [smem:$0x3FAD]  }
0x30: {  	s3 =	sld [smem:$0x3FB0]  }
0x31: {  	[smem:$0x3FB9] =	sst s10  }
0x32: {  	s10 =	sld [smem:$0x3FB7];
	_ =	sdelay $0x3  }
0x33: {  	p0 =	seq.s32 s10, $0x1;
	s10 =	sld [smem:$0x3FB9];
	_ =	sdelay $0x3  }
0x34: {  	[smem:$0x3FB9] =	sst s10  }
0x35: {  	s10 =	sld [smem:$0x3FB8];
	_ =	sdelay $0x3  }
0x36: {  	p1 =	seq.s32 s10, $0x1;
	s10 =	sld [smem:$0x3FB9];
	_ =	sdelay $0x3  }
0x37: {  	[smem:$0x3FB9] =	sst s10  }
0x38: {  	s10 =	sld [smem:$0x3FBA]  }
0x39: {  	_ = 	snop;
	(pc) =	sbr.ind lr, $3  }
0x3a: {  	_ = 	snop  }
0x3b: {  	_ = 	snop  }
0x3c: {  	p2 =	seq.s32 s10, $0x1;
	s10 =	sld [smem:$0x3FB9]  }
0x3d: {  	_ =	shalt  }
0x3e: {  	_ =	shalt  }
0x3f: {  	_ =	shalt  }
0x40: {  	_ =	shalt  }
0x41: {  	_ =	shalt  }
0x42: {  	_ =	shalt  }
0x43: {  	_ =	shalt  }
0x44: {  	_ =	shalt  }
0x45: {  	_ =	shalt  }
0x46: {  	_ =	shalt  }
0x47: {  	_ =	shalt  }
0x48: {  	_ =	shalt  }
0x49: {  	_ =	shalt  }
0x4a: {  	_ =	shalt  }
0x4b: {  	_ =	shalt  }
0x4c: {  	_ =	shalt  }
0x4d: {  	_ =	shalt  }
0x4e: {  	_ =	shalt  }
0x4f: {  	_ =	shalt  }
0x50: {  	_ =	shalt  }
0x51: {  	_ =	shalt  }
0x52: {  	_ =	shalt  }
0x53: {  	_ =	shalt  }
0x54: {  	_ =	shalt  }
0x55: {  	_ =	shalt  }
0x56: {  	_ =	shalt  }
0x57: {  	_ =	shalt  }
0x58: {  	_ =	shalt  }
0x59: {  	_ =	shalt  }
0x5a: {  	_ =	shalt  }
0x5b: {  	_ =	shalt  }
0x5c: {  	_ =	shalt  }
0x5d: {  	_ =	shalt  }
0x5e: {  	_ =	shalt  }
0x5f: {  	_ =	shalt  }
0x60: {  	_ =	shalt  }
0x61: {  	_ =	shalt  }
0x62: {  	_ =	shalt  }
0x63: {  	_ =	shalt  }
0x64: {  	_ =	shalt  }
0x65: {  	_ =	shalt  }
0x66: {  	_ =	shalt  }
0x67: {  	_ =	shalt  }
0x68: {  	_ =	shalt  }
0x69: {  	_ =	shalt  }
0x6a: {  	_ =	shalt  }
0x6b: {  	_ =	shalt  }
0x6c: {  	_ =	shalt  }
0x6d: {  	_ =	shalt  }
0x6e: {  	_ =	shalt  }
0x6f: {  	_ =	shalt  }
0x70: {  	_ =	shalt  }
0x71: {  	_ =	shalt  }
0x72: {  	_ =	shalt  }
0x73: {  	_ =	shalt  }
0x74: {  	_ =	shalt  }
0x75: {  	_ =	shalt  }
0x76: {  	_ =	shalt  }
0x77: {  	_ =	shalt  }
0x78: {  	_ =	shalt  }
0x79: {  	_ =	shalt  }
0x7a: {  	_ =	shalt  }
0x7b: {  	_ =	shalt  }
0x7c: {  	_ =	shalt  }
0x7d: {  	_ =	shalt  }
0x7e: {  	_ =	shalt  }
0x7f: {  	_ =	shalt  }
0x80: {  	_ =	shalt  }
0x81: {  	_ =	shalt  }
0x82: {  	_ =	shalt  }
0x83: {  	_ =	shalt  }
0x84: {  	_ =	shalt  }
0x85: {  	_ =	shalt  }
0x86: {  	_ =	shalt  }
0x87: {  	_ =	shalt  }
.Lfunc_end0:
.L_simem_size_0:
called_computation_lowered:
.L_overlay_start_0:
0x88: {  	s2 =	sld [smem:$0x3FD9]  }
0x89: {  	s3 =	sld [smem:$0x3FFE];
	_ =	sdelay $0x1  }
0x8a: {  	s1 =	srdreg.scid  }
0x8b: {  	s0 =	sand.u32 $0x1, s1  }
0x8c: {  	s17 =	sshll.u32 s0, $0xA;
	s2 =	sadd.s32 s3, s2  }
0x8d: {  	s2 =	sadd.s32 s2, s17  }
0x8e: {  	[smem:$0x3FC5] =	sst s2  }
0x8f: {  	_ = 	snop  }
0x90: {  	s2 =	sld [smem:$0x3FC9]  }
0x91: {  	s18 =	sld [smem:$0x3FC7]  }
0x92: {  	s4 =	sld [smem:$0x3FD0];
	(tm) =	ssettm $0x1  }
0x93: {  	s5 =	sld [smem:$0x3FFB];
	_ =	sdelay $0x3  }
0x94: {  	_ =	strace s5  }
0x95: {  	s5 =	sld [smem:$0x3FFC];
	_ =	sdelay $0x3  }
0x96: {  	_ =	strace s5  }
0x97: {  	s5 =	sld [smem:$0x3FFD];
	_ =	sdelay $0x3  }
0x98: {  	_ =	strace s5  }
0x99: {  	_ =	strace $0x8FFFFFFF  }
0x9a: {  	s19 =	sld [smem:$0x3FDB];
	_ =	sdelay $0x1  }
0x9b: {  	s6 =	simm.s32 $_scs_section_size  }
0x9c: {  	s7 =	simm.s32 $_size__tile_overlayer_lowered;
	s8 =	simm.s32 $_tile_overlayer_lowered  }
0x9d: {  	s22 =	simm.s32 $0x1BFF;
	s21 =	sshll.u32 s8, $0x1;
	s5 =	sadd.s32 s6, s19  }
0x9e: {  	s9 =	simm.s32 $0x0;
	s20 =	sshll.u32 s7, $0x1;
	s7 =	sadd.s32 s21, s5  }
0x9f: {  	[timem:s9], [sflag:s22] =	dma.local [hbm:s7], s20  }
0xa0: {  	_ =	swait.ge [sflag:s22], s20  }
0xa1: {  	s6 =	ssub.s32 $0x0, s20;
	[sflag:s22] =	ssyncset.done $0x0  }
0xa2: {  	[sflag:s22] =	ssyncadd.s32 s6;
	_ =	sdelay $0x1  }
0xa3: {  	s23 =	simm.s32 $0x1B8B  }
0xa4: {  	_ =	swait.ge [sflag:s23], $0x1  }
0xa5: {  	[sflag:s23] =	ssyncset.done $0x0  }
0xa6: {  	s25 =	simm.s32 $0x1B8E;
	s24 =	sld [smem:$0x3FFE];
	[sflag:s23] =	ssyncadd.s32 $0xFFFFFFFF  }
0xa7: {  	s26 =	simm.s32 $execute0_lowered;
	[smem:$0x3FD2] =	sst s25  }
0xa8: {  	s7 =	sshll.u32 s26, $0x1;
	_ =	strace $0x80000046;
	[dreg:$0x1] =	wrdreg $0xFFFFFFFF  }
0xa9: {  	s28 =	simm.s32 $_size_execute0_lowered;
	s5 =	sadd.s32 s5, s7;
	[dreg:$0x0] =	wrdreg $0x0  }
0xaa: {  	s7 =	sshll.u32 s28, $0x1;
	[dreg:$0x2] =	wrdreg s5  }
0xab: {  	[dreg:$0x3] =	wrdreg s7  }
0xac: {  	[dreg:$0x4] =	wrdreg $0xC0  }
0xad: {  	_ =	task [dreg:s9], $0x5FFFF  }
0xae: {  	[dreg:$0x1] =	wrdreg $0xFFFFFFFF  }
0xaf: {  	[dreg:$0x0] =	wrdreg $0x60  }
0xb0: {  	[dreg:$0x2] =	wrdreg s2  }
0xb1: {  	[dreg:$0x3] =	wrdreg s24  }
0xb2: {  	[dreg:$0x4] =	wrdreg s18  }
0xb3: {  	[dreg:$0x5] =	wrdreg s4  }
0xb4: {  	[dreg:$0x6] =	wrdreg $0x9  }
0xb5: {  	_ =	task.clear_ibuf [dreg:s9], $0x7FFFF;
	_ =	strace $0x90000046  }
0xb6: {  	s29 =	simm.s32 $0x9;
	_ =	strace $0x80000048  }
0xb7: {  	_ =	swait.ge [sflag:s29], $0x1  }
0xb8: {  	[sflag:s29] =	ssyncadd.s32 $0xFFFFFFFF  }
0xb9: {  	_ =	strace $0x90000048  }
0xba: {  	_ =	sfence  }
0xbb: {  	s30 =	sld [smem:$0x0];
	_ =	sdelay $0x2  }
0xbc: {  	s31 =	sshll.u32 s1, $0xD;
	s1 =	sshrl.u32 s1, $0x2  }
0xbd: {  	s3 =	sand.u32 $0x4000, s31;
	s1 =	sadd.s32 s1, s30  }
0xbe: {  	s0 =	sor.u32 s3, s0;
	s1 =	sshll.u32 s1, $0x11  }
0xbf: {  	s0 =	sor.u32 s1, s0  }
0xc0: {  	s0 =	sadd.s32 $0x8F2B, s0  }
0xc1: {  	[sflag:s0] =	ssyncadd.remote.s32 $0x1  }
0xc2: {  	_ =	sfence.sel $0xFFFF  }
0xc3: {  	[dreg:$0x0] =	wrdreg $0xFFFFFFFF;
	(pc) =	sbr.abs _section_cstart, $3  }
0xc4: {  	[dreg:$0x1] =	wrdreg $0xFFFFFFFF  }
0xc5: {  	_ =	task.clear_ibuf [dreg:s9], $0x2FFFF;
	_ =	strace $0x9FFFFFFF  }
0xc6: {  	(tm) =	ssettm $0x7FFFFFFF  }
0xc7: {  	_ =	shalt  }
tec
execute0_lowered:
.L_overlay_start_1:
0x0: {  	(tag) =	ssettag $0x1  }
0x1: {  	s1 =	rddreg [dreg:$0x0]  }
0x2: {  	s0 =	rddreg [dreg:$0x1]  }
0x3: {  	s3 =	rddreg [dreg:$0x2]  }
0x4: {  	s8 =	rddreg [dreg:$0x3]  }
0x5: {  	s2 =	srdreg.scid;
	s4 =	stileid.u32  }
0x6: {  	s5 =	simm.s32 $0x0;
	s30 =	simm.s32 $0xDC00;
	s31 =	simm.s32 $0xE400  }
0x7: {  	s16 =	simm.s32 $0xFC00;
	s17 =	simm.s32 $0x1;
	s18 =	simm.s32 $0x3  }
0x8: {  	s19 =	simm.s32 $0x10400;
	s20 =	simm.s32 $0x2;
	s21 =	simm.s32 $0x4  }
0x9: {  	s22 =	simm.s32 $0x14400;
	s2 =	sand.u32 $0x1, s2;
	s4 =	sshll.u32 s4, $0xB  }
0xa: {  	[smem:$0x7FF] =	sst s5;
	s9 =	sadd.s32 $0x100, s3;
	s10 =	sadd.s32 $0x200, s3  }
0xb: {  	s11 =	sadd.s32 $0x300, s3;
	s29 =	smov.u32 s8;
	s6 =	sshll.u32 s2, $0xA  }
0xc: {  	s2 =	ssub.s32 $0x2, s2;
	_ =	strace $0x80000047;
	s6 =	sor.u32 s6, s4  }
0xd: {  	s7 =	sshrl.u32 s2, $0x1;
	s4 =	sshrl.u32 s6, $0x3;
	s25 =	sshll.u32 s6, $0x7  }
.Ltmp0:
0xe: {  	s2 =	ssub.s32 s2, s7;
	s26 =	sadd.s32 s1, s25;
	(pc) =	sbr.rel .LBB2_1-.Ltmp0, $4  }
0xf: {  	s0 =	sadd.s32 s4, s0;
	s28 =	smax.u32 s2, $0x1;
	[dreg:$0x6] =	wrdreg s26  }
0x10: {  	v2 =	vlaneseq.u32;
	s13 =	sadd.s32 s8, s25;
	s0 =	sadd.s32 $0x400, s0;
	[dreg:$0x8] =	wrdreg s28  }
0x11: {  	v0 =	vand.u32 $0x7, v2;
	v1 =	vshrl.u32 v2, $0x3;
	s2 =	simm.s32 $0xF400;
	[dreg:$0x5] =	wrdreg s0;
	s0 =	sadd.s32 $0x800, s26  }
0x12: {  	vm0 =	vmmov $0xffff;
	v2 =	vor.u32 $0x8, v2;
	[tilespmem:$0x1FFF0] =	vst v0;
	v1 =	vmul.u32 $0x8, v1;
	s8 =	simm.s32 $0x0;
	[dreg:$0x7] =	wrdreg s0;
	s0 =	simm.s32 $0xEC00  }
.LBB2_8:
0x13: {  	s4 =	simm.s32 $0x5  }
0x14: {  	_ =	swait.ge [sflag:s4], $0x4000  }
0x15: {  	[sflag:s4] =	ssyncset.done $0x0  }
0x16: {  	s7 =	simm.s32 $0x6;
	[sflag:s4] =	ssyncadd.s32 $0xFFFFC000  }
0x17: {  	_ =	swait.ge [sflag:s7], $0x4000  }
0x18: {  	s8 =	rddreg [dreg:$0x9]  }
0x19: {  	s28 =	rddreg [dreg:$0x8];
	s8 =	sadd.s32 $0x1, s8  }
0x1a: {  	p0 =	sne.s32 s8, s28  }
.Ltmp1:
0x1b: {  	_ = 	snop;
	(pc) =	sbr.rel @!p0 .LBB2_9-.Ltmp1, $3  }
0x1c: {  	_ =	sdelay $0x1  }
0x1d: {  	[sflag:s7] =	ssyncset.done $0x0  }
0x1e: {  	[sflag:s7] =	ssyncadd.s32 $0xFFFFC000  }
.LBB2_1:
0x1f: {  	[dreg:$0x9] =	wrdreg s8  }
0x20: {  	s4 =	rddreg [dreg:$0x5];
	s23 =	simm.s32 $0x7  }
0x21: {  	[tilespmem:s5], [sflag:$0x7] =	stream.linear.gather [hbm4b:s4+s5], $0x400, $0x38;
	[tilespmem:$0x18400] =	vst v63  }
0x22: {  	_ =	swait.ge [sflag:s23], $0x400  }
0x23: {  	[sflag:s23] =	ssyncset.done $0x0  }
0x24: {  	s7 =	simm.s32 $0x400;
	s24 =	rddreg [dreg:$0x6];
	[sflag:s23] =	ssyncadd.s32 $0xFFFFFC00  }
0x25: {  	[tilespmem:s7], [sflag:$0x1] =	stream.linear.gather [hbm4b:s24+s5], $0x4000, $0x38;
	[tilespmem:$0x18400] =	vst v63  }
0x26: {  	v3 =	vld [tilespmem:$0x0];
	_ =	sdelay $0x2  }
0x27: {  	v0 =	vld [tilespmem:$0x1FFF0];
	_ =	sdelay $0x1  }
0x28: {  	v4 =	vshll.u32 v3, $0x3  }
0x29: {  	v3 =	vand.u32 $0x7, v3;
	v4 =	vand.u32 $0xFFFFFFC0, v4  }
0x2a: {  	v3 =	vor.u32 v3, v4  }
0x2b: {  	v4 =	vperm.xlane v3, v0;
	_ =	sdelay $0x1  }
0x2c: {  	v4 =	vadd.s32 v1, v4;
	_ =	sdelay $0x3  }
0x2d: {  	s25 =	simm.s32 $0x8400  }
0x2e: {  	[tilespmem:s25], [sflag:$0x3] =	stream.indirect_vreg.gather [hbm4b:s3+s5], $0x80, v4, vm0, $0xb8;
	[tilespmem:$0x18400] =	vst v63  }
0x2f: {  	s26 =	simm.s32 $0x8C00;
	v3 =	vperm.xlane v3, v2  }
0x30: {  	[tilespmem:s26], [sflag:$0x3] =	stream.indirect_vreg.gather [hbm4b:s9+s5], $0x80, v4, vm0, $0xb8;
	[tilespmem:$0x18400] =	vst v63  }
0x31: {  	s28 =	simm.s32 $0x9400;
	v3 =	vadd.s32 v1, v3  }
0x32: {  	[tilespmem:s28], [sflag:$0x3] =	stream.indirect_vreg.gather [hbm4b:s10+s5], $0x80, v4, vm0, $0xb8;
	[tilespmem:$0x18400] =	vst v63  }
0x33: {  	s7 =	simm.s32 $0x9C00  }
0x34: {  	[tilespmem:s7], [sflag:$0x3] =	stream.indirect_vreg.gather [hbm4b:s11+s5], $0x80, v4, vm0, $0xb8;
	[tilespmem:$0x18400] =	vst v63  }
0x35: {  	s8 =	simm.s32 $0xA400  }
0x36: {  	[tilespmem:s8], [sflag:$0x3] =	stream.indirect_vreg.gather [hbm4b:s3+s5], $0x80, v3, vm0, $0xb8;
	[tilespmem:$0x18400] =	vst v63  }
0x37: {  	s12 =	simm.s32 $0xAC00  }
0x38: {  	[tilespmem:s12], [sflag:$0x3] =	stream.indirect_vreg.gather [hbm4b:s9+s5], $0x80, v3, vm0, $0xb8;
	[tilespmem:$0x18400] =	vst v63  }
0x39: {  	s14 =	simm.s32 $0xB400  }
0x3a: {  	[tilespmem:s14], [sflag:$0x3] =	stream.indirect_vreg.gather [hbm4b:s10+s5], $0x80, v3, vm0, $0xb8;
	[tilespmem:$0x18400] =	vst v63  }
0x3b: {  	s15 =	simm.s32 $0xBC00  }
0x3c: {  	[tilespmem:s15], [sflag:$0x3] =	stream.indirect_vreg.gather [hbm4b:s11+s5], $0x80, v3, vm0, $0xb8;
	[tilespmem:$0x18400] =	vst v63  }
0x3d: {  	s23 =	rddreg [dreg:$0x7];
	s24 =	simm.s32 $0x4400  }
0x3e: {  	[tilespmem:s24], [sflag:$0x2] =	stream.linear.gather [hbm4b:s23+s5], $0x4000, $0x38;
	[tilespmem:$0x18400] =	vst v63  }
0x3f: {  	v3 =	vld [tilespmem:$0x10];
	_ =	sdelay $0x4  }
0x40: {  	v63 =	vshll.u32 v3, $0x3  }
0x41: {  	v3 =	vand.u32 $0x7, v3;
	v4 =	vand.u32 $0xFFFFFFC0, v63  }
0x42: {  	v3 =	vor.u32 v3, v4  }
0x43: {  	v4 =	vperm.xlane v3, v0;
	_ =	sdelay $0x1  }
0x44: {  	v4 =	vadd.s32 v1, v4;
	_ =	sdelay $0x3  }
0x45: {  	s25 =	simm.s32 $0xC400  }
0x46: {  	[tilespmem:s25], [sflag:$0x4] =	stream.indirect_vreg.gather [hbm4b:s3+s5], $0x80, v4, vm0, $0xb8;
	[tilespmem:$0x18400] =	vst v63  }
0x47: {  	s26 =	simm.s32 $0xCC00;
	v3 =	vperm.xlane v3, v2  }
0x48: {  	[tilespmem:s26], [sflag:$0x4] =	stream.indirect_vreg.gather [hbm4b:s9+s5], $0x80, v4, vm0, $0xb8;
	[tilespmem:$0x18400] =	vst v63  }
0x49: {  	s28 =	simm.s32 $0xD400;
	v3 =	vadd.s32 v1, v3  }
0x4a: {  	[tilespmem:s28], [sflag:$0x4] =	stream.indirect_vreg.gather [hbm4b:s10+s5], $0x80, v4, vm0, $0xb8;
	[tilespmem:$0x18400] =	vst v63  }
0x4b: {  	_ = 	snop  }
0x4c: {  	[tilespmem:s30], [sflag:$0x4] =	stream.indirect_vreg.gather [hbm4b:s11+s5], $0x80, v4, vm0, $0xb8;
	[tilespmem:$0x18400] =	vst v63  }
0x4d: {  	_ = 	snop  }
0x4e: {  	[tilespmem:s31], [sflag:$0x4] =	stream.indirect_vreg.gather [hbm4b:s3+s5], $0x80, v3, vm0, $0xb8;
	[tilespmem:$0x18400] =	vst v63  }
0x4f: {  	_ = 	snop  }
0x50: {  	[tilespmem:s0], [sflag:$0x4] =	stream.indirect_vreg.gather [hbm4b:s9+s5], $0x80, v3, vm0, $0xb8;
	[tilespmem:$0x18400] =	vst v63  }
0x51: {  	_ = 	snop  }
0x52: {  	[tilespmem:s2], [sflag:$0x4] =	stream.indirect_vreg.gather [hbm4b:s10+s5], $0x80, v3, vm0, $0xb8;
	[tilespmem:$0x18400] =	vst v63  }
0x53: {  	s12 =	simm.s32 $0x0  }
0x54: {  	[tilespmem:s16], [sflag:$0x4] =	stream.indirect_vreg.gather [hbm4b:s11+s5], $0x80, v3, vm0, $0xb8;
	[tilespmem:$0x18400] =	vst v63  }
.LBB2_2:
0x55: {  	_ =	swait.ge [sflag:s17], $0x4000  }
0x56: {  	[sflag:s17] =	ssyncset.done $0x0  }
0x57: {  	[sflag:s17] =	ssyncadd.s32 $0xFFFFC000  }
0x58: {  	_ =	swait.ge [sflag:s18], $0x4000  }
0x59: {  	p0 =	seq.s32 s12, $0x0;
	[sflag:s18] =	ssyncset.done $0x0  }
0x5a: {  	s4 =	simm.s32 @!p0 $0x5;
	[sflag:s18] =	ssyncadd.s32 $0xFFFFC000  }
0x5b: {  	s8 =	simm.s32 $0x0;
	s7 =	simm.s32 $0x0;
	_ =	swait.ge @!p0 [sflag:s4], $0x4000  }
0x5c: {  	s7 =	sand.u32 $0x2000, s7;
	s14 =	sand.u32 $0x380, s8;
	[sflag:s4] =	ssyncset.done @!p0 $0x0  }
0x5d: {  	s15 =	sor.u32 s14, s7;
	[sflag:s4] =	ssyncadd.s32 @!p0 $0xFFFFC000  }
0x5e: {  	v3 =	vld [tilespmem:s15+$0x400]  }
0x5f: {  	v4 =	vld [tilespmem:s15+$0x8400]  }
0x60: {  	v5 =	vld [tilespmem:s15+$0x410]  }
0x61: {  	v6 =	vld [tilespmem:s15+$0x8410]  }
0x62: {  	v7 =	vld [tilespmem:s15+$0x420]  }
0x63: {  	v8 =	vld [tilespmem:s15+$0x8420]  }
0x64: {  	v9 =	vld [tilespmem:s15+$0x430]  }
0x65: {  	v10 =	vld [tilespmem:s15+$0x8430]  }
0x66: {  	v11 =	vld [tilespmem:s15+$0x440]  }
0x67: {  	v12 =	vld [tilespmem:s15+$0x8440]  }
0x68: {  	v13 =	vld [tilespmem:s15+$0x450]  }
0x69: {  	v14 =	vld [tilespmem:s15+$0x8450]  }
0x6a: {  	v15 =	vld [tilespmem:s15+$0x460]  }
0x6b: {  	v16 =	vld [tilespmem:s15+$0x8460]  }
0x6c: {  	v17 =	vld [tilespmem:s15+$0x470]  }
0x6d: {  	v18 =	vld [tilespmem:s15+$0x8470]  }
0x6e: {  	v19 =	vld [tilespmem:s15+$0x800]  }
0x6f: {  	v20 =	vld [tilespmem:s15+$0x8800]  }
0x70: {  	v21 =	vld [tilespmem:s15+$0x810]  }
0x71: {  	v22 =	vld [tilespmem:s15+$0x8810]  }
0x72: {  	v23 =	vld [tilespmem:s15+$0x820]  }
0x73: {  	v24 =	vld [tilespmem:s15+$0x8820]  }
0x74: {  	v25 =	vld [tilespmem:s15+$0x830]  }
0x75: {  	v26 =	vld [tilespmem:s15+$0x8830]  }
0x76: {  	v27 =	vld [tilespmem:s15+$0x840]  }
0x77: {  	v28 =	vld [tilespmem:s15+$0x8840]  }
0x78: {  	v29 =	vld [tilespmem:s15+$0x850]  }
0x79: {  	v30 =	vld [tilespmem:s15+$0x8850]  }
0x7a: {  	v31 =	vld [tilespmem:s15+$0x860]  }
0x7b: {  	v32 =	vld [tilespmem:s15+$0x8860]  }
0x7c: {  	v33 =	vld [tilespmem:s15+$0x870]  }
0x7d: {  	v34 =	vld [tilespmem:s15+$0x8870]  }
0x7e: {  	v35 =	vld [tilespmem:s15+$0xC00]  }
0x7f: {  	v36 =	vld [tilespmem:s15+$0x8C00]  }
0x80: {  	v37 =	vld [tilespmem:s15+$0xC10]  }
0x81: {  	v38 =	vld [tilespmem:s15+$0x8C10]  }
0x82: {  	v39 =	vld [tilespmem:s15+$0xC20]  }
0x83: {  	v40 =	vld [tilespmem:s15+$0x8C20]  }
0x84: {  	v41 =	vld [tilespmem:s15+$0xC30]  }
0x85: {  	v42 =	vld [tilespmem:s15+$0x8C30]  }
0x86: {  	v43 =	vld [tilespmem:s15+$0xC40]  }
0x87: {  	v44 =	vld [tilespmem:s15+$0x8C40]  }
0x88: {  	v45 =	vld [tilespmem:s15+$0xC50]  }
0x89: {  	v46 =	vld [tilespmem:s15+$0x8C50]  }
0x8a: {  	v47 =	vld [tilespmem:s15+$0xC60]  }
0x8b: {  	v48 =	vld [tilespmem:s15+$0x8C60]  }
0x8c: {  	v49 =	vld [tilespmem:s15+$0xC70]  }
0x8d: {  	v50 =	vld [tilespmem:s15+$0x8C70]  }
0x8e: {  	v51 =	vld [tilespmem:s15+$0x1000]  }
0x8f: {  	v52 =	vld [tilespmem:s15+$0x9000]  }
0x90: {  	v53 =	vld [tilespmem:s15+$0x1010]  }
0x91: {  	v54 =	vld [tilespmem:s15+$0x9010]  }
0x92: {  	v55 =	vld [tilespmem:s15+$0x1020]  }
0x93: {  	v56 =	vld [tilespmem:s15+$0x9020]  }
0x94: {  	v57 =	vld [tilespmem:s15+$0x1030]  }
0x95: {  	v58 =	vld [tilespmem:s15+$0x9030]  }
0x96: {  	v59 =	vld [tilespmem:s15+$0x1040]  }
0x97: {  	v60 =	vld [tilespmem:s15+$0x9040]  }
0x98: {  	v61 =	vld [tilespmem:s15+$0x1050]  }
0x99: {  	v62 =	vld [tilespmem:s15+$0x9050]  }
0x9a: {  	v63 =	vld [tilespmem:s15+$0x1060]  }
0x9b: {  	v0 =	vld [tilespmem:s15+$0x1070];
	v3 =	vadd.f32 v4, v3  }
0x9c: {  	v4 =	vld [tilespmem:s15+$0x9060];
	v5 =	vadd.f32 v6, v5  }
0x9d: {  	v6 =	vadd.f32 v8, v7;
	v8 =	vld [tilespmem:s15+$0x9410];
	[tilespmem:s15+$0x10400] =	vst v3  }
0x9e: {  	v7 =	vadd.f32 v10, v9;
	v9 =	vld [tilespmem:s15+$0x1420];
	[tilespmem:s15+$0x10410] =	vst v5  }
0x9f: {  	v12 =	vadd.f32 v12, v11;
	v10 =	vld [tilespmem:s15+$0x9420];
	[tilespmem:s15+$0x10420] =	vst v6  }
0xa0: {  	v14 =	vadd.f32 v14, v13;
	v15 =	vadd.f32 v16, v15;
	v11 =	vld [tilespmem:s15+$0x1430];
	[tilespmem:s15+$0x10430] =	vst v7  }
0xa1: {  	v16 =	vadd.f32 v18, v17;
	v17 =	vadd.f32 v20, v19;
	v13 =	vld [tilespmem:s15+$0x1440];
	[tilespmem:s15+$0x10440] =	vst v12  }
0xa2: {  	v20 =	vadd.f32 v26, v25;
	v25 =	vadd.f32 v36, v35;
	v36 =	vld [tilespmem:s15+$0x1840];
	[tilespmem:s15+$0x10450] =	vst v14  }
0xa3: {  	v18 =	vadd.f32 v22, v21;
	v26 =	vadd.f32 v38, v37;
	v38 =	vld [tilespmem:s15+$0x9840];
	[tilespmem:s15+$0x10460] =	vst v15  }
0xa4: {  	v21 =	vadd.f32 v28, v27;
	v27 =	vadd.f32 v40, v39;
	v40 =	vld [tilespmem:s15+$0x1850];
	[tilespmem:s15+$0x10470] =	vst v16  }
0xa5: {  	v19 =	vadd.f32 v24, v23;
	v28 =	vadd.f32 v42, v41;
	v42 =	vld [tilespmem:s15+$0x9850];
	[tilespmem:s15+$0x10800] =	vst v17  }
0xa6: {  	v22 =	vadd.f32 v30, v29;
	v29 =	vadd.f32 v44, v43;
	v43 =	vld [tilespmem:s15+$0x1860];
	[tilespmem:s15+$0x10810] =	vst v18  }
0xa7: {  	v30 =	vadd.f32 v46, v45;
	v46 =	vld [tilespmem:s15+$0x9C10];
	[tilespmem:s15+$0x10820] =	vst v19  }
0xa8: {  	v23 =	vadd.f32 v32, v31;
	v31 =	vadd.f32 v48, v47;
	v48 =	vld [tilespmem:s15+$0x1C20];
	[tilespmem:s15+$0x10830] =	vst v20  }
0xa9: {  	v32 =	vadd.f32 v50, v49;
	v50 =	vld [tilespmem:s15+$0x9C20];
	[tilespmem:s15+$0x10840] =	vst v21  }
0xaa: {  	v24 =	vadd.f32 v34, v33;
	v33 =	vadd.f32 v52, v51;
	v52 =	vld [tilespmem:s15+$0x1C30];
	[tilespmem:s15+$0x10850] =	vst v22  }
0xab: {  	v34 =	vadd.f32 v54, v53;
	v54 =	vld [tilespmem:s15+$0x9C30];
	[tilespmem:s15+$0x10860] =	vst v23  }
0xac: {  	v35 =	vadd.f32 v56, v55;
	v56 =	vld [tilespmem:s15+$0x1C40];
	[tilespmem:s15+$0x10870] =	vst v24  }
0xad: {  	v37 =	vadd.f32 v58, v57;
	v58 =	vld [tilespmem:s15+$0x9C40];
	[tilespmem:s15+$0x10C00] =	vst v25  }
0xae: {  	v3 =	vld [tilespmem:s15+$0x9070];
	[tilespmem:s15+$0x10C10] =	vst v26  }
0xaf: {  	v5 =	vld [tilespmem:s15+$0x1400];
	[tilespmem:s15+$0x10C20] =	vst v27  }
0xb0: {  	v6 =	vld [tilespmem:s15+$0x9400];
	[tilespmem:s15+$0x10C30] =	vst v28  }
0xb1: {  	v7 =	vld [tilespmem:s15+$0x1410];
	[tilespmem:s15+$0x10C40] =	vst v29  }
0xb2: {  	v12 =	vld [tilespmem:s15+$0x9430];
	[tilespmem:s15+$0x10C50] =	vst v30  }
0xb3: {  	v14 =	vld [tilespmem:s15+$0x9440];
	[tilespmem:s15+$0x10C60] =	vst v31  }
0xb4: {  	v15 =	vld [tilespmem:s15+$0x1450];
	[tilespmem:s15+$0x10C70] =	vst v32  }
0xb5: {  	v16 =	vld [tilespmem:s15+$0x9450];
	[tilespmem:s15+$0x11000] =	vst v33  }
0xb6: {  	v17 =	vld [tilespmem:s15+$0x1460];
	[tilespmem:s15+$0x11010] =	vst v34  }
0xb7: {  	v39 =	vadd.f32 v60, v59;
	v18 =	vld [tilespmem:s15+$0x9460];
	[tilespmem:s15+$0x11020] =	vst v35  }
0xb8: {  	v41 =	vadd.f32 v62, v61;
	v19 =	vld [tilespmem:s15+$0x1470];
	[tilespmem:s15+$0x11030] =	vst v37  }
0xb9: {  	v20 =	vld [tilespmem:s15+$0x9470];
	[tilespmem:s15+$0x11040] =	vst v39;
	v4 =	vadd.f32 v4, v63  }
0xba: {  	v21 =	vld [tilespmem:s15+$0x1800];
	[tilespmem:s15+$0x11050] =	vst v41;
	v59 =	vadd.f32 v38, v36  }
0xbb: {  	v22 =	vld [tilespmem:s15+$0x9800];
	v61 =	vadd.f32 v42, v40;
	[tilespmem:s15+$0x11060] =	vst v4  }
0xbc: {  	v23 =	vld [tilespmem:s15+$0x1810];
	v0 =	vadd.f32 v3, v0;
	[tilespmem:s15+$0x11840] =	vst v59  }
0xbd: {  	v24 =	vld [tilespmem:s15+$0x9810];
	v4 =	vadd.f32 v6, v5;
	[tilespmem:s15+$0x11850] =	vst v61  }
0xbe: {  	v25 =	vld [tilespmem:s15+$0x1820];
	v5 =	vadd.f32 v8, v7;
	[tilespmem:s15+$0x11070] =	vst v0  }
0xbf: {  	v26 =	vld [tilespmem:s15+$0x9820];
	v6 =	vadd.f32 v10, v9;
	[tilespmem:s15+$0x11400] =	vst v4  }
0xc0: {  	v27 =	vld [tilespmem:s15+$0x1830];
	v7 =	vadd.f32 v12, v11;
	[tilespmem:s15+$0x11410] =	vst v5  }
0xc1: {  	v28 =	vld [tilespmem:s15+$0x9830];
	v44 =	vadd.f32 v14, v13;
	[tilespmem:s15+$0x11420] =	vst v6  }
0xc2: {  	v3 =	vld [tilespmem:s15+$0x9860];
	v45 =	vadd.f32 v16, v15;
	[tilespmem:s15+$0x11430] =	vst v7  }
0xc3: {  	v47 =	vadd.f32 v18, v17;
	v0 =	vld [tilespmem:s15+$0x1870];
	[tilespmem:s15+$0x11440] =	vst v44  }
0xc4: {  	v49 =	vadd.f32 v20, v19;
	v4 =	vld [tilespmem:s15+$0x9870];
	[tilespmem:s15+$0x11450] =	vst v45  }
0xc5: {  	v51 =	vadd.f32 v22, v21;
	v5 =	vld [tilespmem:s15+$0x1C00];
	[tilespmem:s15+$0x11460] =	vst v47  }
0xc6: {  	v53 =	vadd.f32 v24, v23;
	v6 =	vld [tilespmem:s15+$0x9C00];
	[tilespmem:s15+$0x11470] =	vst v49  }
0xc7: {  	v55 =	vadd.f32 v26, v25;
	v7 =	vld [tilespmem:s15+$0x1C10];
	[tilespmem:s15+$0x11800] =	vst v51  }
0xc8: {  	v60 =	vld [tilespmem:s15+$0x1C50];
	v57 =	vadd.f32 v28, v27;
	[tilespmem:s15+$0x11810] =	vst v53  }
0xc9: {  	v62 =	vld [tilespmem:s15+$0x9C50];
	[tilespmem:s15+$0x11820] =	vst v55;
	v3 =	vadd.f32 v3, v43  }
0xca: {  	v63 =	vld [tilespmem:s15+$0x1C60];
	[tilespmem:s15+$0x11830] =	vst v57;
	v0 =	vadd.f32 v4, v0  }
0xcb: {  	[tilespmem:s15+$0x11860] =	vst v3;
	v3 =	vld [tilespmem:s15+$0x9C60];
	v4 =	vadd.f32 v6, v5  }
0xcc: {  	v5 =	vadd.f32 v46, v7;
	v6 =	vld [tilespmem:s15+$0x9C70];
	[tilespmem:s15+$0x11870] =	vst v0  }
0xcd: {  	v0 =	vld [tilespmem:s15+$0x1C70];
	[tilespmem:s15+$0x11C00] =	vst v4;
	v4 =	vadd.f32 v50, v48  }
0xce: {  	[tilespmem:s15+$0x11C10] =	vst v5;
	v5 =	vadd.f32 v54, v52  }
0xcf: {  	[tilespmem:s15+$0x11C20] =	vst v4;
	v4 =	vadd.f32 v58, v56  }
0xd0: {  	[tilespmem:s15+$0x11C30] =	vst v5;
	v5 =	vadd.f32 v62, v60  }
0xd1: {  	s23 =	simm.s32 $0xFFFFC000;
	s24 =	simm.s32 $0x80;
	s28 =	sand.u32 $0x7, s8;
	v3 =	vadd.f32 v3, v63;
	[tilespmem:s15+$0x11C40] =	vst v4  }
0xd2: {  	s14 =	sshll.u32 s12, $0x5;
	s7 =	simm.s32 $0x0;
	s4 =	sshll.u32 s28, $0x7;
	[tilespmem:s15+$0x11C50] =	vst v5;
	v4 =	vadd.f32 v6, v0  }
.LBB2_3:
0xd3: {  	p1 =	sne.s32 s24, $0x780;
	s4 =	sadd.s32 s4, s8;
	[tilespmem:s15+$0x11C60] =	vst v3;
	s23 =	sadd.s32 $0x400, s23  }
0xd4: {  	s25 =	sadd.s32 $0x4000, s23;
	[tilespmem:s15+$0x11C70] =	vst v4;
	s26 =	sor.u32 $0x1C00, s4  }
0xd5: {  	s15 =	sand.u32 $0x2000, s25;
	s25 =	sand.u32 $0x380, s24;
	v0 =	vld [tilespmem:s26+$0x400]  }
0xd6: {  	s15 =	sor.u32 s25, s15;
	v7 =	vld [tilespmem:s26+$0x8400]  }
0xd7: {  	v3 =	vld [tilespmem:s15+$0x400]  }
0xd8: {  	v6 =	vld [tilespmem:s15+$0x8400]  }
0xd9: {  	v4 =	vld [tilespmem:s15+$0x410]  }
0xda: {  	v8 =	vld [tilespmem:s15+$0x8410]  }
0xdb: {  	v5 =	vld [tilespmem:s15+$0x420];
	v0 =	vadd.f32 v7, v0  }
0xdc: {  	v9 =	vld [tilespmem:s15+$0x8420]  }
0xdd: {  	s25 =	sor.u32 $0x1C10, s4;
	v7 =	vld [tilespmem:s15+$0x430];
	[tilespmem:s26+$0x10400] =	vst v0  }
0xde: {  	v0 =	vld [tilespmem:s25+$0x400]  }
0xdf: {  	v12 =	vld [tilespmem:s25+$0x8400]  }
0xe0: {  	v13 =	vld [tilespmem:s15+$0x8430]  }
0xe1: {  	v10 =	vld [tilespmem:s15+$0x440]  }
0xe2: {  	v14 =	vld [tilespmem:s15+$0x8440]  }
0xe3: {  	v11 =	vld [tilespmem:s15+$0x450]  }
0xe4: {  	v15 =	vld [tilespmem:s15+$0x8450];
	v0 =	vadd.f32 v12, v0  }
0xe5: {  	v12 =	vld [tilespmem:s15+$0x460]  }
0xe6: {  	v16 =	vld [tilespmem:s15+$0x8460];
	[tilespmem:s25+$0x10400] =	vst v0;
	s25 =	sor.u32 $0x1C20, s4  }
0xe7: {  	v0 =	vld [tilespmem:s25+$0x400]  }
0xe8: {  	v20 =	vld [tilespmem:s25+$0x8400]  }
0xe9: {  	v17 =	vld [tilespmem:s15+$0x470]  }
0xea: {  	v21 =	vld [tilespmem:s15+$0x8470]  }
0xeb: {  	v18 =	vld [tilespmem:s15+$0x800]  }
0xec: {  	v22 =	vld [tilespmem:s15+$0x8800]  }
0xed: {  	v19 =	vld [tilespmem:s15+$0x810];
	v0 =	vadd.f32 v20, v0  }
0xee: {  	v23 =	vld [tilespmem:s15+$0x8810]  }
0xef: {  	v20 =	vld [tilespmem:s15+$0x820];
	[tilespmem:s25+$0x10400] =	vst v0;
	s25 =	sor.u32 $0x1C30, s4  }
0xf0: {  	v0 =	vld [tilespmem:s25+$0x400]  }
0xf1: {  	v26 =	vld [tilespmem:s25+$0x8400]  }
0xf2: {  	v27 =	vld [tilespmem:s15+$0x8820]  }
0xf3: {  	v24 =	vld [tilespmem:s15+$0x830]  }
0xf4: {  	v28 =	vld [tilespmem:s15+$0x8830]  }
0xf5: {  	v25 =	vld [tilespmem:s15+$0x840]  }
0xf6: {  	v29 =	vld [tilespmem:s15+$0x8840];
	v0 =	vadd.f32 v26, v0  }
0xf7: {  	v26 =	vld [tilespmem:s15+$0x850]  }
0xf8: {  	v30 =	vld [tilespmem:s15+$0x8850];
	[tilespmem:s25+$0x10400] =	vst v0;
	s25 =	sor.u32 $0x1C40, s4  }
0xf9: {  	v0 =	vld [tilespmem:s25+$0x400]  }
0xfa: {  	v34 =	vld [tilespmem:s25+$0x8400]  }
0xfb: {  	v31 =	vld [tilespmem:s15+$0x860]  }
0xfc: {  	v35 =	vld [tilespmem:s15+$0x8860]  }
0xfd: {  	v32 =	vld [tilespmem:s15+$0x870]  }
0xfe: {  	v36 =	vld [tilespmem:s15+$0x8870]  }
0xff: {  	v33 =	vld [tilespmem:s15+$0xC00];
	v0 =	vadd.f32 v34, v0  }
0x100: {  	v37 =	vld [tilespmem:s15+$0x8C00]  }
0x101: {  	v34 =	vld [tilespmem:s15+$0xC10];
	[tilespmem:s25+$0x10400] =	vst v0;
	s25 =	sor.u32 $0x1C50, s4  }
0x102: {  	v0 =	vld [tilespmem:s25+$0x400]  }
0x103: {  	v40 =	vld [tilespmem:s25+$0x8400]  }
0x104: {  	v41 =	vld [tilespmem:s15+$0x8C10]  }
0x105: {  	v38 =	vld [tilespmem:s15+$0xC20]  }
0x106: {  	v42 =	vld [tilespmem:s15+$0x8C20]  }
0x107: {  	v39 =	vld [tilespmem:s15+$0xC30]  }
0x108: {  	v43 =	vld [tilespmem:s15+$0x8C30];
	v0 =	vadd.f32 v40, v0  }
0x109: {  	v40 =	vld [tilespmem:s15+$0xC40]  }
0x10a: {  	v44 =	vld [tilespmem:s15+$0x8C40];
	[tilespmem:s25+$0x10400] =	vst v0;
	s25 =	sor.u32 $0x1C60, s4  }
0x10b: {  	v0 =	vld [tilespmem:s25+$0x400]  }
0x10c: {  	v48 =	vld [tilespmem:s25+$0x8400]  }
0x10d: {  	v45 =	vld [tilespmem:s15+$0xC50]  }
0x10e: {  	v49 =	vld [tilespmem:s15+$0x8C50]  }
0x10f: {  	v46 =	vld [tilespmem:s15+$0xC60]  }
0x110: {  	v50 =	vld [tilespmem:s15+$0x8C60]  }
0x111: {  	v47 =	vld [tilespmem:s15+$0xC70];
	v0 =	vadd.f32 v48, v0  }
0x112: {  	v51 =	vld [tilespmem:s15+$0x8C70]  }
0x113: {  	s4 =	sor.u32 $0x1C70, s4;
	v48 =	vld [tilespmem:s15+$0x1000];
	[tilespmem:s25+$0x10400] =	vst v0  }
0x114: {  	v0 =	vld [tilespmem:s4+$0x400]  }
0x115: {  	v52 =	vld [tilespmem:s4+$0x8400]  }
0x116: {  	v53 =	vld [tilespmem:s15+$0x9000]  }
0x117: {  	v54 =	vld [tilespmem:s15+$0x1010]  }
0x118: {  	v55 =	vld [tilespmem:s15+$0x9010]  }
0x119: {  	v56 =	vld [tilespmem:s15+$0x1020]  }
0x11a: {  	v57 =	vld [tilespmem:s15+$0x9020];
	v0 =	vadd.f32 v52, v0  }
0x11b: {  	v52 =	vld [tilespmem:s15+$0x1030]  }
0x11c: {  	v58 =	vld [tilespmem:s15+$0x9030];
	[tilespmem:s4+$0x10400] =	vst v0  }
0x11d: {  	v0 =	vld [tilespmem:s15+$0x1040]  }
0x11e: {  	v59 =	vld [tilespmem:s15+$0x9040]  }
0x11f: {  	v60 =	vld [tilespmem:s15+$0x1050]  }
0x120: {  	v61 =	vld [tilespmem:s15+$0x9050]  }
0x121: {  	v62 =	vld [tilespmem:s15+$0x1060]  }
0x122: {  	v3 =	vadd.f32 v6, v3;
	v6 =	vld [tilespmem:s15+$0x9060]  }
0x123: {  	v4 =	vadd.f32 v8, v4;
	v8 =	vld [tilespmem:s15+$0x1070]  }
0x124: {  	[tilespmem:s15+$0x10400] =	vst v3;
	v3 =	vadd.f32 v9, v5;
	v5 =	vld [tilespmem:s15+$0x9070]  }
0x125: {  	[tilespmem:s15+$0x10410] =	vst v4;
	v4 =	vadd.f32 v13, v7;
	v7 =	vld [tilespmem:s15+$0x1400]  }
0x126: {  	[tilespmem:s15+$0x10420] =	vst v3;
	v3 =	vadd.f32 v14, v10;
	v9 =	vld [tilespmem:s15+$0x9400]  }
0x127: {  	[tilespmem:s15+$0x10430] =	vst v4;
	v4 =	vadd.f32 v15, v11;
	v10 =	vld [tilespmem:s15+$0x1410]  }
0x128: {  	[tilespmem:s15+$0x10440] =	vst v3;
	v3 =	vadd.f32 v16, v12;
	v11 =	vld [tilespmem:s15+$0x9410]  }
0x129: {  	[tilespmem:s15+$0x10450] =	vst v4;
	v4 =	vadd.f32 v21, v17;
	v12 =	vld [tilespmem:s15+$0x1420]  }
0x12a: {  	[tilespmem:s15+$0x10460] =	vst v3;
	v3 =	vadd.f32 v22, v18;
	v13 =	vld [tilespmem:s15+$0x9420]  }
0x12b: {  	[tilespmem:s15+$0x10470] =	vst v4;
	v4 =	vadd.f32 v23, v19;
	v14 =	vld [tilespmem:s15+$0x1430]  }
0x12c: {  	[tilespmem:s15+$0x10800] =	vst v3;
	v3 =	vadd.f32 v27, v20;
	v15 =	vld [tilespmem:s15+$0x9430]  }
0x12d: {  	[tilespmem:s15+$0x10810] =	vst v4;
	v4 =	vadd.f32 v28, v24;
	v16 =	vld [tilespmem:s15+$0x1440]  }
0x12e: {  	[tilespmem:s15+$0x10820] =	vst v3;
	v3 =	vadd.f32 v29, v25;
	v17 =	vld [tilespmem:s15+$0x9440]  }
0x12f: {  	[tilespmem:s15+$0x10830] =	vst v4;
	v4 =	vadd.f32 v30, v26;
	v18 =	vld [tilespmem:s15+$0x1450]  }
0x130: {  	[tilespmem:s15+$0x10840] =	vst v3;
	v3 =	vadd.f32 v35, v31;
	v19 =	vld [tilespmem:s15+$0x9450]  }
0x131: {  	[tilespmem:s15+$0x10850] =	vst v4;
	v4 =	vadd.f32 v36, v32;
	v20 =	vld [tilespmem:s15+$0x1460]  }
0x132: {  	[tilespmem:s15+$0x10860] =	vst v3;
	v3 =	vadd.f32 v37, v33;
	v21 =	vld [tilespmem:s15+$0x9460]  }
0x133: {  	[tilespmem:s15+$0x10870] =	vst v4;
	v4 =	vadd.f32 v41, v34;
	v22 =	vld [tilespmem:s15+$0x1470]  }
0x134: {  	[tilespmem:s15+$0x10C00] =	vst v3;
	v3 =	vadd.f32 v42, v38;
	v23 =	vld [tilespmem:s15+$0x9470]  }
0x135: {  	[tilespmem:s15+$0x10C10] =	vst v4;
	v4 =	vadd.f32 v43, v39;
	v24 =	vld [tilespmem:s15+$0x1800]  }
0x136: {  	[tilespmem:s15+$0x10C20] =	vst v3;
	v3 =	vadd.f32 v44, v40;
	v25 =	vld [tilespmem:s15+$0x9800]  }
0x137: {  	[tilespmem:s15+$0x10C30] =	vst v4;
	v4 =	vadd.f32 v49, v45;
	v26 =	vld [tilespmem:s15+$0x1810]  }
0x138: {  	[tilespmem:s15+$0x10C40] =	vst v3;
	v3 =	vadd.f32 v50, v46;
	v27 =	vld [tilespmem:s15+$0x9810]  }
0x139: {  	[tilespmem:s15+$0x10C50] =	vst v4;
	v4 =	vadd.f32 v51, v47;
	v28 =	vld [tilespmem:s15+$0x1820]  }
0x13a: {  	[tilespmem:s15+$0x10C60] =	vst v3;
	v3 =	vadd.f32 v53, v48;
	v29 =	vld [tilespmem:s15+$0x9820]  }
0x13b: {  	[tilespmem:s15+$0x10C70] =	vst v4;
	v4 =	vadd.f32 v55, v54;
	v30 =	vld [tilespmem:s15+$0x1830]  }
0x13c: {  	[tilespmem:s15+$0x11000] =	vst v3;
	v3 =	vadd.f32 v57, v56;
	v31 =	vld [tilespmem:s15+$0x9830]  }
0x13d: {  	[tilespmem:s15+$0x11010] =	vst v4;
	v4 =	vadd.f32 v58, v52;
	v32 =	vld [tilespmem:s15+$0x1840]  }
0x13e: {  	v0 =	vadd.f32 v59, v0;
	[tilespmem:s15+$0x11020] =	vst v3;
	v3 =	vld [tilespmem:s15+$0x9840]  }
0x13f: {  	[tilespmem:s15+$0x11030] =	vst v4;
	v4 =	vadd.f32 v61, v60;
	v33 =	vld [tilespmem:s15+$0x1850]  }
0x140: {  	[tilespmem:s15+$0x11040] =	vst v0;
	v0 =	vadd.f32 v6, v62;
	v6 =	vld [tilespmem:s15+$0x9850]  }
0x141: {  	[tilespmem:s15+$0x11050] =	vst v4;
	v4 =	vadd.f32 v5, v8;
	v5 =	vld [tilespmem:s15+$0x1860]  }
0x142: {  	[tilespmem:s15+$0x11060] =	vst v0;
	v0 =	vadd.f32 v9, v7;
	v7 =	vld [tilespmem:s15+$0x9860]  }
0x143: {  	[tilespmem:s15+$0x11070] =	vst v4;
	v4 =	vadd.f32 v11, v10;
	v8 =	vld [tilespmem:s15+$0x1870]  }
0x144: {  	[tilespmem:s15+$0x11400] =	vst v0;
	v0 =	vadd.f32 v13, v12;
	v9 =	vld [tilespmem:s15+$0x9870]  }
0x145: {  	[tilespmem:s15+$0x11410] =	vst v4;
	v4 =	vadd.f32 v15, v14;
	v10 =	vld [tilespmem:s15+$0x1C00]  }
0x146: {  	[tilespmem:s15+$0x11420] =	vst v0;
	v0 =	vadd.f32 v17, v16;
	v11 =	vld [tilespmem:s15+$0x9C00]  }
0x147: {  	[tilespmem:s15+$0x11430] =	vst v4;
	v4 =	vadd.f32 v19, v18;
	v12 =	vld [tilespmem:s15+$0x1C10]  }
0x148: {  	[tilespmem:s15+$0x11440] =	vst v0;
	v0 =	vadd.f32 v21, v20;
	v13 =	vld [tilespmem:s15+$0x9C10]  }
0x149: {  	[tilespmem:s15+$0x11450] =	vst v4;
	v4 =	vadd.f32 v23, v22;
	v14 =	vld [tilespmem:s15+$0x1C20]  }
0x14a: {  	[tilespmem:s15+$0x11460] =	vst v0;
	v0 =	vadd.f32 v25, v24;
	v15 =	vld [tilespmem:s15+$0x9C20]  }
0x14b: {  	[tilespmem:s15+$0x11470] =	vst v4;
	v4 =	vadd.f32 v27, v26;
	v16 =	vld [tilespmem:s15+$0x1C30]  }
0x14c: {  	[tilespmem:s15+$0x11800] =	vst v0;
	v0 =	vadd.f32 v29, v28;
	v17 =	vld [tilespmem:s15+$0x9C30]  }
0x14d: {  	[tilespmem:s15+$0x11810] =	vst v4;
	v4 =	vadd.f32 v31, v30;
	v18 =	vld [tilespmem:s15+$0x1C40]  }
0x14e: {  	[tilespmem:s15+$0x11820] =	vst v0;
	v0 =	vadd.f32 v3, v32;
	v3 =	vld [tilespmem:s15+$0x9C40]  }
0x14f: {  	[tilespmem:s15+$0x11830] =	vst v4;
	v4 =	vadd.f32 v6, v33;
	v6 =	vld [tilespmem:s15+$0x1C50]  }
0x150: {  	[tilespmem:s15+$0x11840] =	vst v0;
	v0 =	vadd.f32 v7, v5;
	v5 =	vld [tilespmem:s15+$0x9C50]  }
0x151: {  	[tilespmem:s15+$0x11850] =	vst v4;
	v4 =	vadd.f32 v9, v8;
	v7 =	vld [tilespmem:s15+$0x1C60]  }
0x152: {  	[tilespmem:s15+$0x11860] =	vst v0;
	v0 =	vadd.f32 v11, v10;
	v8 =	vld [tilespmem:s15+$0x9C60]  }
0x153: {  	[tilespmem:s15+$0x11870] =	vst v4;
	v4 =	vadd.f32 v13, v12;
	v9 =	vld [tilespmem:s15+$0x1C70]  }
0x154: {  	[tilespmem:s15+$0x11C00] =	vst v0;
	v0 =	vadd.f32 v15, v14;
	v10 =	vld [tilespmem:s15+$0x9C70]  }
.Ltmp2:
0x155: {  	[tilespmem:s15+$0x11C10] =	vst v4;
	v4 =	vadd.f32 v17, v16;
	(pc) =	sbr.rel @p1 .LBB2_3-.Ltmp2, $4  }
0x156: {  	[tilespmem:s15+$0x11C20] =	vst v0;
	v0 =	vadd.f32 v3, v18  }
0x157: {  	s7 =	sadd.s32 $0x1, s7;
	[tilespmem:s15+$0x11C30] =	vst v4;
	v4 =	vadd.f32 v5, v6  }
0x158: {  	s4 =	sand.u32 $0x7, s7;
	v3 =	vadd.f32 v8, v7;
	[tilespmem:s15+$0x11C40] =	vst v0  }
0x159: {  	s8 =	sadd.s32 $0x400, s8;
	s24 =	sadd.s32 $0x80, s24;
	s4 =	sshll.u32 s4, $0x7;
	[tilespmem:s15+$0x11C50] =	vst v4;
	v4 =	vadd.f32 v10, v9  }
0x15a: {  	s4 =	sadd.s32 s4, s8;
	[tilespmem:s15+$0x11C60] =	vst v3  }
0x15b: {  	[tilespmem:s15+$0x11C70] =	vst v4;
	s7 =	sor.u32 $0x1C00, s4  }
0x15c: {  	v0 =	vld [tilespmem:s7+$0x400]  }
0x15d: {  	v3 =	vld [tilespmem:s7+$0x8400];
	_ =	sdelay $0x4  }
0x15e: {  	v0 =	vadd.f32 v3, v0;
	_ =	sdelay $0x1  }
0x15f: {  	s23 =	sor.u32 $0x1C10, s4;
	[tilespmem:s7+$0x10400] =	vst v0  }
0x160: {  	v0 =	vld [tilespmem:s23+$0x400]  }
0x161: {  	v3 =	vld [tilespmem:s23+$0x8400];
	_ =	sdelay $0x4  }
0x162: {  	v0 =	vadd.f32 v3, v0;
	_ =	sdelay $0x1  }
0x163: {  	s24 =	sor.u32 $0x1C20, s4;
	[tilespmem:s23+$0x10400] =	vst v0  }
0x164: {  	v0 =	vld [tilespmem:s24+$0x400]  }
0x165: {  	v3 =	vld [tilespmem:s24+$0x8400];
	_ =	sdelay $0x4  }
0x166: {  	v0 =	vadd.f32 v3, v0;
	_ =	sdelay $0x1  }
0x167: {  	s25 =	sor.u32 $0x1C30, s4;
	[tilespmem:s24+$0x10400] =	vst v0  }
0x168: {  	v0 =	vld [tilespmem:s25+$0x400]  }
0x169: {  	v3 =	vld [tilespmem:s25+$0x8400];
	_ =	sdelay $0x4  }
0x16a: {  	v0 =	vadd.f32 v3, v0;
	_ =	sdelay $0x1  }
0x16b: {  	s26 =	sor.u32 $0x1C40, s4;
	[tilespmem:s25+$0x10400] =	vst v0  }
0x16c: {  	v0 =	vld [tilespmem:s26+$0x400]  }
0x16d: {  	v3 =	vld [tilespmem:s26+$0x8400];
	_ =	sdelay $0x4  }
0x16e: {  	v0 =	vadd.f32 v3, v0;
	_ =	sdelay $0x1  }
0x16f: {  	s28 =	sor.u32 $0x1C50, s4;
	[tilespmem:s26+$0x10400] =	vst v0  }
0x170: {  	v0 =	vld [tilespmem:s28+$0x400]  }
0x171: {  	v3 =	vld [tilespmem:s28+$0x8400];
	_ =	sdelay $0x4  }
0x172: {  	v0 =	vadd.f32 v3, v0;
	_ =	sdelay $0x1  }
0x173: {  	s8 =	sor.u32 $0x1C60, s4;
	[tilespmem:s28+$0x10400] =	vst v0  }
0x174: {  	v0 =	vld [tilespmem:s8+$0x400]  }
0x175: {  	v3 =	vld [tilespmem:s8+$0x8400];
	_ =	sdelay $0x4  }
0x176: {  	v0 =	vadd.f32 v3, v0;
	_ =	sdelay $0x1  }
0x177: {  	s4 =	sor.u32 $0x1C70, s4;
	[tilespmem:s8+$0x10400] =	vst v0  }
0x178: {  	v0 =	vld [tilespmem:s4+$0x400]  }
0x179: {  	v3 =	vld [tilespmem:s4+$0x8400];
	_ =	sdelay $0x4  }
0x17a: {  	v0 =	vadd.f32 v3, v0  }
0x17b: {  	p1 =	seq.s32 s12, $0x1F;
	s15 =	sshll.u32 s12, $0xC  }
0x17c: {  	s23 =	sadd.s32 s15, s13;
	[tilespmem:s4+$0x10400] =	vst v0;
	s4 =	sadd.s32 @!p1 $0x20, s14  }
0x17d: {  	[hbm4b:s23+s5] =	stream.linear.scatter [tilespmem:s19], [sflag:$0x5], $0x4000, $0x38;
	[tilespmem:$0x18400] =	vst v63  }
0x17e: {  	s4 =	sadd.s32 @!p1 s6, s4  }
0x17f: {  	s4 =	sshll.u32 @!p1 s4, $0x7  }
0x180: {  	s7 =	simm.s32 @!p1 $0x0;
	s8 =	simm.s32 @!p1 $0x400;
	s4 =	sadd.s32 @!p1 s1, s4  }
0x181: {  	[tilespmem:s8], [sflag:$0x1] =	stream.linear.gather @!p1 [hbm4b:s4+s7], $0x4000, $0x38;
	[tilespmem:$0x18400] =	vst v63  }
0x182: {  	v0 =	vld @!p1 [tilespmem:s14+$0x20];
	_ =	sdelay $0x4  }
0x183: {  	v3 =	vshll.u32 @!p1 v0, $0x3  }
0x184: {  	v4 =	vlaneseq.u32 @!p1;
	v0 =	vand.u32 @!p1 $0x7, v0;
	v3 =	vand.u32 @!p1 $0xFFFFFFC0, v3  }
0x185: {  	v5 =	vshrl.u32 @!p1 v4, $0x3;
	v0 =	vor.u32 @!p1 v0, v3;
	v3 =	vand.u32 @!p1 $0x7, v4  }
0x186: {  	v5 =	vmul.u32 @!p1 $0x8, v5;
	v3 =	vperm.xlane @!p1 v0, v3;
	_ =	sdelay $0x1  }
0x187: {  	v3 =	vadd.s32 @!p1 v5, v3;
	_ =	sdelay $0x3  }
0x188: {  	vm1 =	vmmov @!p1 $0xffff;
	s4 =	simm.s32 @!p1 $0x8400  }
0x189: {  	v4 =	vor.u32 @!p1 $0x8, v4;
	[tilespmem:s4], [sflag:$0x3] =	stream.indirect_vreg.gather @!p1 [hbm4b:s3+s7], $0x80, v3, vm1, $0xb8;
	[tilespmem:$0x18400] =	vst v63  }
0x18a: {  	v0 =	vperm.xlane @!p1 v0, v4;
	s4 =	simm.s32 @!p1 $0x8C00  }
0x18b: {  	[tilespmem:s4], [sflag:$0x3] =	stream.indirect_vreg.gather @!p1 [hbm4b:s9+s7], $0x80, v3, vm1, $0xb8;
	[tilespmem:$0x18400] =	vst v63  }
0x18c: {  	v0 =	vadd.s32 @!p1 v5, v0;
	s4 =	simm.s32 @!p1 $0x9400  }
0x18d: {  	[tilespmem:s4], [sflag:$0x3] =	stream.indirect_vreg.gather @!p1 [hbm4b:s10+s7], $0x80, v3, vm1, $0xb8;
	[tilespmem:$0x18400] =	vst v63  }
0x18e: {  	s4 =	simm.s32 @!p1 $0x9C00  }
0x18f: {  	[tilespmem:s4], [sflag:$0x3] =	stream.indirect_vreg.gather @!p1 [hbm4b:s11+s7], $0x80, v3, vm1, $0xb8;
	[tilespmem:$0x18400] =	vst v63  }
0x190: {  	s4 =	simm.s32 @!p1 $0xA400  }
0x191: {  	[tilespmem:s4], [sflag:$0x3] =	stream.indirect_vreg.gather @!p1 [hbm4b:s3+s7], $0x80, v0, vm1, $0xb8;
	[tilespmem:$0x18400] =	vst v63  }
0x192: {  	s4 =	simm.s32 @!p1 $0xAC00  }
0x193: {  	[tilespmem:s4], [sflag:$0x3] =	stream.indirect_vreg.gather @!p1 [hbm4b:s9+s7], $0x80, v0, vm1, $0xb8;
	[tilespmem:$0x18400] =	vst v63  }
0x194: {  	s4 =	simm.s32 @!p1 $0xB400  }
0x195: {  	[tilespmem:s4], [sflag:$0x3] =	stream.indirect_vreg.gather @!p1 [hbm4b:s10+s7], $0x80, v0, vm1, $0xb8;
	[tilespmem:$0x18400] =	vst v63  }
0x196: {  	s4 =	simm.s32 @!p1 $0xBC00  }
0x197: {  	[tilespmem:s4], [sflag:$0x3] =	stream.indirect_vreg.gather @!p1 [hbm4b:s11+s7], $0x80, v0, vm1, $0xb8;
	[tilespmem:$0x18400] =	vst v63  }
0x198: {  	_ =	swait.ge [sflag:s20], $0x4000  }
0x199: {  	[sflag:s20] =	ssyncset.done $0x0  }
0x19a: {  	[sflag:s20] =	ssyncadd.s32 $0xFFFFC000  }
0x19b: {  	_ =	swait.ge [sflag:s21], $0x4000  }
0x19c: {  	[sflag:s21] =	ssyncset.done $0x0  }
0x19d: {  	s4 =	simm.s32 @!p0 $0x6;
	[sflag:s21] =	ssyncadd.s32 $0xFFFFC000  }
0x19e: {  	s24 =	simm.s32 $0x0;
	s8 =	simm.s32 $0x0;
	_ =	swait.ge @!p0 [sflag:s4], $0x4000  }
0x19f: {  	s25 =	sand.u32 $0x380, s8;
	s7 =	sand.u32 $0x2000, s24;
	[sflag:s4] =	ssyncset.done @!p0 $0x0  }
0x1a0: {  	s15 =	sor.u32 s25, s7;
	[sflag:s4] =	ssyncadd.s32 @!p0 $0xFFFFC000  }
0x1a1: {  	v0 =	vld [tilespmem:s15+$0x4400]  }
0x1a2: {  	v3 =	vld [tilespmem:s15+$0xC400]  }
0x1a3: {  	v4 =	vld [tilespmem:s15+$0x4410]  }
0x1a4: {  	v5 =	vld [tilespmem:s15+$0xC410]  }
0x1a5: {  	v6 =	vld [tilespmem:s15+$0x4420]  }
0x1a6: {  	v7 =	vld [tilespmem:s15+$0xC420]  }
0x1a7: {  	v8 =	vld [tilespmem:s15+$0x4430]  }
0x1a8: {  	v9 =	vld [tilespmem:s15+$0xC430]  }
0x1a9: {  	v10 =	vld [tilespmem:s15+$0x4440]  }
0x1aa: {  	v11 =	vld [tilespmem:s15+$0xC440]  }
0x1ab: {  	v12 =	vld [tilespmem:s15+$0x4450]  }
0x1ac: {  	v13 =	vld [tilespmem:s15+$0xC450]  }
0x1ad: {  	v14 =	vld [tilespmem:s15+$0x4460]  }
0x1ae: {  	v15 =	vld [tilespmem:s15+$0xC460]  }
0x1af: {  	v16 =	vld [tilespmem:s15+$0x4470]  }
0x1b0: {  	v17 =	vld [tilespmem:s15+$0xC470]  }
0x1b1: {  	v18 =	vld [tilespmem:s15+$0x4800]  }
0x1b2: {  	v19 =	vld [tilespmem:s15+$0xC800]  }
0x1b3: {  	v20 =	vld [tilespmem:s15+$0x4810]  }
0x1b4: {  	v21 =	vld [tilespmem:s15+$0xC810]  }
0x1b5: {  	v22 =	vld [tilespmem:s15+$0x4820]  }
0x1b6: {  	v23 =	vld [tilespmem:s15+$0xC820]  }
0x1b7: {  	v24 =	vld [tilespmem:s15+$0x4830]  }
0x1b8: {  	v25 =	vld [tilespmem:s15+$0xC830]  }
0x1b9: {  	v26 =	vld [tilespmem:s15+$0x4840]  }
0x1ba: {  	v27 =	vld [tilespmem:s15+$0xC840]  }
0x1bb: {  	v28 =	vld [tilespmem:s15+$0x4850]  }
0x1bc: {  	v29 =	vld [tilespmem:s15+$0xC850]  }
0x1bd: {  	v30 =	vld [tilespmem:s15+$0x4860]  }
0x1be: {  	v31 =	vld [tilespmem:s15+$0xC860]  }
0x1bf: {  	v32 =	vld [tilespmem:s15+$0x4870]  }
0x1c0: {  	v33 =	vld [tilespmem:s15+$0xC870]  }
0x1c1: {  	v34 =	vld [tilespmem:s15+$0x4C00]  }
0x1c2: {  	v35 =	vld [tilespmem:s15+$0xCC00]  }
0x1c3: {  	v36 =	vld [tilespmem:s15+$0x4C10]  }
0x1c4: {  	v37 =	vld [tilespmem:s15+$0xCC10]  }
0x1c5: {  	v38 =	vld [tilespmem:s15+$0x4C20]  }
0x1c6: {  	v39 =	vld [tilespmem:s15+$0xCC20]  }
0x1c7: {  	v40 =	vld [tilespmem:s15+$0x4C30]  }
0x1c8: {  	v41 =	vld [tilespmem:s15+$0xCC30]  }
0x1c9: {  	v42 =	vld [tilespmem:s15+$0x4C40]  }
0x1ca: {  	v43 =	vld [tilespmem:s15+$0xCC40]  }
0x1cb: {  	v44 =	vld [tilespmem:s15+$0x4C50]  }
0x1cc: {  	v45 =	vld [tilespmem:s15+$0xCC50]  }
0x1cd: {  	v46 =	vld [tilespmem:s15+$0x4C60]  }
0x1ce: {  	v47 =	vld [tilespmem:s15+$0xCC60]  }
0x1cf: {  	v48 =	vld [tilespmem:s15+$0x4C70]  }
0x1d0: {  	v49 =	vld [tilespmem:s15+$0xCC70]  }
0x1d1: {  	v50 =	vld [tilespmem:s15+$0x5000]  }
0x1d2: {  	v51 =	vld [tilespmem:s15+$0xD000]  }
0x1d3: {  	v52 =	vld [tilespmem:s15+$0x5010]  }
0x1d4: {  	v53 =	vld [tilespmem:s15+$0xD010]  }
0x1d5: {  	v54 =	vld [tilespmem:s15+$0x5020]  }
0x1d6: {  	v55 =	vld [tilespmem:s15+$0xD020]  }
0x1d7: {  	v56 =	vld [tilespmem:s15+$0x5030]  }
0x1d8: {  	v57 =	vld [tilespmem:s15+$0xD030]  }
0x1d9: {  	v58 =	vld [tilespmem:s15+$0x5040]  }
0x1da: {  	v59 =	vld [tilespmem:s15+$0xD040]  }
0x1db: {  	v60 =	vld [tilespmem:s15+$0x5050]  }
0x1dc: {  	v61 =	vld [tilespmem:s15+$0xD050]  }
0x1dd: {  	v62 =	vld [tilespmem:s15+$0x5060]  }
0x1de: {  	v63 =	vld [tilespmem:s15+$0x5070];
	v0 =	vadd.f32 v3, v0  }
0x1df: {  	v3 =	vld [tilespmem:s15+$0xD060];
	v4 =	vadd.f32 v5, v4  }
0x1e0: {  	v5 =	vadd.f32 v7, v6;
	v6 =	vadd.f32 v9, v8;
	v8 =	vld [tilespmem:s15+$0x5420];
	[tilespmem:s15+$0x14400] =	vst v0  }
0x1e1: {  	v9 =	vld [tilespmem:s15+$0xD420];
	[tilespmem:s15+$0x14410] =	vst v4  }
0x1e2: {  	v7 =	vadd.f32 v11, v10;
	v10 =	vld [tilespmem:s15+$0x5430];
	[tilespmem:s15+$0x14420] =	vst v5  }
0x1e3: {  	v13 =	vadd.f32 v13, v12;
	v11 =	vld [tilespmem:s15+$0xD430];
	[tilespmem:s15+$0x14430] =	vst v6  }
0x1e4: {  	v15 =	vadd.f32 v15, v14;
	v16 =	vadd.f32 v17, v16;
	v12 =	vld [tilespmem:s15+$0x5440];
	[tilespmem:s15+$0x14440] =	vst v7  }
0x1e5: {  	v17 =	vadd.f32 v19, v18;
	v18 =	vadd.f32 v21, v20;
	v14 =	vld [tilespmem:s15+$0x5450];
	[tilespmem:s15+$0x14450] =	vst v13  }
0x1e6: {  	v21 =	vadd.f32 v27, v26;
	v26 =	vadd.f32 v37, v36;
	v36 =	vld [tilespmem:s15+$0x5840];
	[tilespmem:s15+$0x14460] =	vst v15  }
0x1e7: {  	v19 =	vadd.f32 v23, v22;
	v27 =	vadd.f32 v39, v38;
	v38 =	vld [tilespmem:s15+$0xD840];
	[tilespmem:s15+$0x14470] =	vst v16  }
0x1e8: {  	v22 =	vadd.f32 v29, v28;
	v28 =	vadd.f32 v41, v40;
	v40 =	vld [tilespmem:s15+$0x5850];
	[tilespmem:s15+$0x14800] =	vst v17  }
0x1e9: {  	v20 =	vadd.f32 v25, v24;
	v29 =	vadd.f32 v43, v42;
	v42 =	vld [tilespmem:s15+$0xD850];
	[tilespmem:s15+$0x14810] =	vst v18  }
0x1ea: {  	v43 =	vld [tilespmem:s15+$0x5860];
	[tilespmem:s15+$0x14820] =	vst v19  }
0x1eb: {  	v23 =	vadd.f32 v31, v30;
	v31 =	vadd.f32 v47, v46;
	v46 =	vld [tilespmem:s15+$0xDC10];
	[tilespmem:s15+$0x14830] =	vst v20  }
0x1ec: {  	v24 =	vadd.f32 v33, v32;
	v32 =	vadd.f32 v49, v48;
	v48 =	vld [tilespmem:s15+$0x5C20];
	[tilespmem:s15+$0x14840] =	vst v21  }
0x1ed: {  	v33 =	vadd.f32 v51, v50;
	v50 =	vld [tilespmem:s15+$0xDC20];
	[tilespmem:s15+$0x14850] =	vst v22  }
0x1ee: {  	v25 =	vadd.f32 v35, v34;
	v34 =	vadd.f32 v53, v52;
	v52 =	vld [tilespmem:s15+$0x5C30];
	[tilespmem:s15+$0x14860] =	vst v23  }
0x1ef: {  	v35 =	vadd.f32 v55, v54;
	v54 =	vld [tilespmem:s15+$0xDC30];
	[tilespmem:s15+$0x14870] =	vst v24  }
0x1f0: {  	v37 =	vadd.f32 v57, v56;
	v56 =	vld [tilespmem:s15+$0x5C40];
	[tilespmem:s15+$0x14C00] =	vst v25  }
0x1f1: {  	v39 =	vadd.f32 v59, v58;
	v58 =	vld [tilespmem:s15+$0xDC40];
	[tilespmem:s15+$0x14C10] =	vst v26  }
0x1f2: {  	v0 =	vld [tilespmem:s15+$0xD070];
	[tilespmem:s15+$0x14C20] =	vst v27  }
0x1f3: {  	v30 =	vadd.f32 v45, v44;
	v4 =	vld [tilespmem:s15+$0x5400];
	[tilespmem:s15+$0x14C30] =	vst v28  }
0x1f4: {  	v5 =	vld [tilespmem:s15+$0xD400];
	[tilespmem:s15+$0x14C40] =	vst v29  }
0x1f5: {  	v6 =	vld [tilespmem:s15+$0x5410];
	[tilespmem:s15+$0x14C50] =	vst v30  }
0x1f6: {  	v7 =	vld [tilespmem:s15+$0xD410];
	[tilespmem:s15+$0x14C60] =	vst v31  }
0x1f7: {  	v13 =	vld [tilespmem:s15+$0xD440];
	[tilespmem:s15+$0x14C70] =	vst v32  }
0x1f8: {  	v15 =	vld [tilespmem:s15+$0xD450];
	[tilespmem:s15+$0x15000] =	vst v33  }
0x1f9: {  	v16 =	vld [tilespmem:s15+$0x5460];
	[tilespmem:s15+$0x15010] =	vst v34  }
0x1fa: {  	v17 =	vld [tilespmem:s15+$0xD460];
	[tilespmem:s15+$0x15020] =	vst v35  }
0x1fb: {  	v41 =	vadd.f32 v61, v60;
	v18 =	vld [tilespmem:s15+$0x5470];
	[tilespmem:s15+$0x15030] =	vst v37  }
0x1fc: {  	v19 =	vld [tilespmem:s15+$0xD470];
	[tilespmem:s15+$0x15040] =	vst v39;
	v3 =	vadd.f32 v3, v62  }
0x1fd: {  	v20 =	vld [tilespmem:s15+$0x5800];
	[tilespmem:s15+$0x15050] =	vst v41;
	v59 =	vadd.f32 v38, v36  }
0x1fe: {  	v21 =	vld [tilespmem:s15+$0xD800];
	v61 =	vadd.f32 v42, v40;
	[tilespmem:s15+$0x15060] =	vst v3  }
0x1ff: {  	v22 =	vld [tilespmem:s15+$0x5810];
	v0 =	vadd.f32 v0, v63;
	[tilespmem:s15+$0x15840] =	vst v59  }
0x200: {  	v23 =	vld [tilespmem:s15+$0xD810];
	v4 =	vadd.f32 v5, v4;
	[tilespmem:s15+$0x15850] =	vst v61  }
0x201: {  	v24 =	vld [tilespmem:s15+$0x5820];
	v5 =	vadd.f32 v7, v6;
	[tilespmem:s15+$0x15070] =	vst v0  }
0x202: {  	v25 =	vld [tilespmem:s15+$0xD820];
	v6 =	vadd.f32 v9, v8;
	[tilespmem:s15+$0x15400] =	vst v4  }
0x203: {  	v26 =	vld [tilespmem:s15+$0x5830];
	v7 =	vadd.f32 v11, v10;
	[tilespmem:s15+$0x15410] =	vst v5  }
0x204: {  	v27 =	vld [tilespmem:s15+$0xD830];
	v44 =	vadd.f32 v13, v12;
	[tilespmem:s15+$0x15420] =	vst v6  }
0x205: {  	v3 =	vld [tilespmem:s15+$0xD860];
	v45 =	vadd.f32 v15, v14;
	[tilespmem:s15+$0x15430] =	vst v7  }
0x206: {  	v47 =	vadd.f32 v17, v16;
	v0 =	vld [tilespmem:s15+$0x5870];
	[tilespmem:s15+$0x15440] =	vst v44  }
0x207: {  	v49 =	vadd.f32 v19, v18;
	v4 =	vld [tilespmem:s15+$0xD870];
	[tilespmem:s15+$0x15450] =	vst v45  }
0x208: {  	v51 =	vadd.f32 v21, v20;
	v5 =	vld [tilespmem:s15+$0x5C00];
	[tilespmem:s15+$0x15460] =	vst v47  }
0x209: {  	v53 =	vadd.f32 v23, v22;
	v6 =	vld [tilespmem:s15+$0xDC00];
	[tilespmem:s15+$0x15470] =	vst v49  }
0x20a: {  	v55 =	vadd.f32 v25, v24;
	v7 =	vld [tilespmem:s15+$0x5C10];
	[tilespmem:s15+$0x15800] =	vst v51  }
0x20b: {  	v60 =	vld [tilespmem:s15+$0x5C50];
	v57 =	vadd.f32 v27, v26;
	[tilespmem:s15+$0x15810] =	vst v53  }
0x20c: {  	v62 =	vld [tilespmem:s15+$0xDC50];
	[tilespmem:s15+$0x15820] =	vst v55;
	v3 =	vadd.f32 v3, v43  }
0x20d: {  	v63 =	vld [tilespmem:s15+$0x5C60];
	[tilespmem:s15+$0x15830] =	vst v57;
	v0 =	vadd.f32 v4, v0  }
0x20e: {  	[tilespmem:s15+$0x15860] =	vst v3;
	v3 =	vld [tilespmem:s15+$0xDC60];
	v4 =	vadd.f32 v6, v5  }
0x20f: {  	v5 =	vadd.f32 v46, v7;
	v6 =	vld [tilespmem:s15+$0xDC70];
	[tilespmem:s15+$0x15870] =	vst v0  }
0x210: {  	v0 =	vld [tilespmem:s15+$0x5C70];
	[tilespmem:s15+$0x15C00] =	vst v4;
	v4 =	vadd.f32 v50, v48  }
0x211: {  	[tilespmem:s15+$0x15C10] =	vst v5;
	v5 =	vadd.f32 v54, v52  }
0x212: {  	[tilespmem:s15+$0x15C20] =	vst v4;
	v4 =	vadd.f32 v58, v56  }
0x213: {  	s26 =	sadd.s32 s14, s6;
	[tilespmem:s15+$0x15C30] =	vst v5;
	v5 =	vadd.f32 v62, v60  }
0x214: {  	s23 =	sadd.s32 $0x10, s26;
	s28 =	sand.u32 $0x7, s8;
	s24 =	simm.s32 $0xFFFFC000;
	v3 =	vadd.f32 v3, v63;
	[tilespmem:s15+$0x15C40] =	vst v4  }
0x215: {  	s25 =	sshll.u32 s28, $0x7;
	s7 =	simm.s32 $0x80;
	s4 =	simm.s32 $0x0;
	[tilespmem:s15+$0x15C50] =	vst v5;
	v4 =	vadd.f32 v6, v0  }
.LBB2_5:
0x216: {  	p0 =	sne.s32 s7, $0x780;
	s25 =	sadd.s32 s25, s8;
	[tilespmem:s15+$0x15C60] =	vst v3;
	s24 =	sadd.s32 $0x400, s24  }
0x217: {  	s26 =	sadd.s32 $0x4000, s24;
	[tilespmem:s15+$0x15C70] =	vst v4;
	s28 =	sor.u32 $0x1C00, s25  }
0x218: {  	s15 =	sand.u32 $0x2000, s26;
	s26 =	sand.u32 $0x380, s7;
	v0 =	vld [tilespmem:s28+$0x4400]  }
0x219: {  	s15 =	sor.u32 s26, s15;
	v7 =	vld [tilespmem:s28+$0xC400]  }
0x21a: {  	v3 =	vld [tilespmem:s15+$0x4400]  }
0x21b: {  	v6 =	vld [tilespmem:s15+$0xC400]  }
0x21c: {  	v4 =	vld [tilespmem:s15+$0x4410]  }
0x21d: {  	v8 =	vld [tilespmem:s15+$0xC410]  }
0x21e: {  	v5 =	vld [tilespmem:s15+$0x4420];
	v0 =	vadd.f32 v7, v0  }
0x21f: {  	v9 =	vld [tilespmem:s15+$0xC420]  }
0x220: {  	s26 =	sor.u32 $0x1C10, s25;
	v7 =	vld [tilespmem:s15+$0x4430];
	[tilespmem:s28+$0x14400] =	vst v0  }
0x221: {  	v0 =	vld [tilespmem:s26+$0x4400]  }
0x222: {  	v12 =	vld [tilespmem:s26+$0xC400]  }
0x223: {  	v13 =	vld [tilespmem:s15+$0xC430]  }
0x224: {  	v10 =	vld [tilespmem:s15+$0x4440]  }
0x225: {  	v14 =	vld [tilespmem:s15+$0xC440]  }
0x226: {  	v11 =	vld [tilespmem:s15+$0x4450]  }
0x227: {  	v15 =	vld [tilespmem:s15+$0xC450];
	v0 =	vadd.f32 v12, v0  }
0x228: {  	v12 =	vld [tilespmem:s15+$0x4460]  }
0x229: {  	v16 =	vld [tilespmem:s15+$0xC460];
	[tilespmem:s26+$0x14400] =	vst v0;
	s26 =	sor.u32 $0x1C20, s25  }
0x22a: {  	v0 =	vld [tilespmem:s26+$0x4400]  }
0x22b: {  	v20 =	vld [tilespmem:s26+$0xC400]  }
0x22c: {  	v17 =	vld [tilespmem:s15+$0x4470]  }
0x22d: {  	v21 =	vld [tilespmem:s15+$0xC470]  }
0x22e: {  	v18 =	vld [tilespmem:s15+$0x4800]  }
0x22f: {  	v22 =	vld [tilespmem:s15+$0xC800]  }
0x230: {  	v19 =	vld [tilespmem:s15+$0x4810];
	v0 =	vadd.f32 v20, v0  }
0x231: {  	v23 =	vld [tilespmem:s15+$0xC810]  }
0x232: {  	v20 =	vld [tilespmem:s15+$0x4820];
	[tilespmem:s26+$0x14400] =	vst v0;
	s26 =	sor.u32 $0x1C30, s25  }
0x233: {  	v0 =	vld [tilespmem:s26+$0x4400]  }
0x234: {  	v26 =	vld [tilespmem:s26+$0xC400]  }
0x235: {  	v27 =	vld [tilespmem:s15+$0xC820]  }
0x236: {  	v24 =	vld [tilespmem:s15+$0x4830]  }
0x237: {  	v28 =	vld [tilespmem:s15+$0xC830]  }
0x238: {  	v25 =	vld [tilespmem:s15+$0x4840]  }
0x239: {  	v29 =	vld [tilespmem:s15+$0xC840];
	v0 =	vadd.f32 v26, v0  }
0x23a: {  	v26 =	vld [tilespmem:s15+$0x4850]  }
0x23b: {  	v30 =	vld [tilespmem:s15+$0xC850];
	[tilespmem:s26+$0x14400] =	vst v0;
	s26 =	sor.u32 $0x1C40, s25  }
0x23c: {  	v0 =	vld [tilespmem:s26+$0x4400]  }
0x23d: {  	v34 =	vld [tilespmem:s26+$0xC400]  }
0x23e: {  	v31 =	vld [tilespmem:s15+$0x4860]  }
0x23f: {  	v35 =	vld [tilespmem:s15+$0xC860]  }
0x240: {  	v32 =	vld [tilespmem:s15+$0x4870]  }
0x241: {  	v36 =	vld [tilespmem:s15+$0xC870]  }
0x242: {  	v33 =	vld [tilespmem:s15+$0x4C00];
	v0 =	vadd.f32 v34, v0  }
0x243: {  	v37 =	vld [tilespmem:s15+$0xCC00]  }
0x244: {  	v34 =	vld [tilespmem:s15+$0x4C10];
	[tilespmem:s26+$0x14400] =	vst v0;
	s26 =	sor.u32 $0x1C50, s25  }
0x245: {  	v0 =	vld [tilespmem:s26+$0x4400]  }
0x246: {  	v40 =	vld [tilespmem:s26+$0xC400]  }
0x247: {  	v41 =	vld [tilespmem:s15+$0xCC10]  }
0x248: {  	v38 =	vld [tilespmem:s15+$0x4C20]  }
0x249: {  	v42 =	vld [tilespmem:s15+$0xCC20]  }
0x24a: {  	v39 =	vld [tilespmem:s15+$0x4C30]  }
0x24b: {  	v43 =	vld [tilespmem:s15+$0xCC30];
	v0 =	vadd.f32 v40, v0  }
0x24c: {  	v40 =	vld [tilespmem:s15+$0x4C40]  }
0x24d: {  	v44 =	vld [tilespmem:s15+$0xCC40];
	[tilespmem:s26+$0x14400] =	vst v0;
	s26 =	sor.u32 $0x1C60, s25  }
0x24e: {  	v0 =	vld [tilespmem:s26+$0x4400]  }
0x24f: {  	v48 =	vld [tilespmem:s26+$0xC400]  }
0x250: {  	v45 =	vld [tilespmem:s15+$0x4C50]  }
0x251: {  	v49 =	vld [tilespmem:s15+$0xCC50]  }
0x252: {  	v46 =	vld [tilespmem:s15+$0x4C60]  }
0x253: {  	v50 =	vld [tilespmem:s15+$0xCC60]  }
0x254: {  	v47 =	vld [tilespmem:s15+$0x4C70];
	v0 =	vadd.f32 v48, v0  }
0x255: {  	v51 =	vld [tilespmem:s15+$0xCC70]  }
0x256: {  	s25 =	sor.u32 $0x1C70, s25;
	v48 =	vld [tilespmem:s15+$0x5000];
	[tilespmem:s26+$0x14400] =	vst v0  }
0x257: {  	v0 =	vld [tilespmem:s25+$0x4400]  }
0x258: {  	v52 =	vld [tilespmem:s25+$0xC400]  }
0x259: {  	v53 =	vld [tilespmem:s15+$0xD000]  }
0x25a: {  	v54 =	vld [tilespmem:s15+$0x5010]  }
0x25b: {  	v55 =	vld [tilespmem:s15+$0xD010]  }
0x25c: {  	v56 =	vld [tilespmem:s15+$0x5020]  }
0x25d: {  	v57 =	vld [tilespmem:s15+$0xD020];
	v0 =	vadd.f32 v52, v0  }
0x25e: {  	v52 =	vld [tilespmem:s15+$0x5030]  }
0x25f: {  	v58 =	vld [tilespmem:s15+$0xD030];
	[tilespmem:s25+$0x14400] =	vst v0  }
0x260: {  	v0 =	vld [tilespmem:s15+$0x5040]  }
0x261: {  	v59 =	vld [tilespmem:s15+$0xD040]  }
0x262: {  	v60 =	vld [tilespmem:s15+$0x5050]  }
0x263: {  	v61 =	vld [tilespmem:s15+$0xD050]  }
0x264: {  	v62 =	vld [tilespmem:s15+$0x5060]  }
0x265: {  	v3 =	vadd.f32 v6, v3;
	v6 =	vld [tilespmem:s15+$0xD060]  }
0x266: {  	v4 =	vadd.f32 v8, v4;
	v8 =	vld [tilespmem:s15+$0x5070]  }
0x267: {  	[tilespmem:s15+$0x14400] =	vst v3;
	v3 =	vadd.f32 v9, v5;
	v5 =	vld [tilespmem:s15+$0xD070]  }
0x268: {  	[tilespmem:s15+$0x14410] =	vst v4;
	v4 =	vadd.f32 v13, v7;
	v7 =	vld [tilespmem:s15+$0x5400]  }
0x269: {  	[tilespmem:s15+$0x14420] =	vst v3;
	v3 =	vadd.f32 v14, v10;
	v9 =	vld [tilespmem:s15+$0xD400]  }
0x26a: {  	[tilespmem:s15+$0x14430] =	vst v4;
	v4 =	vadd.f32 v15, v11;
	v10 =	vld [tilespmem:s15+$0x5410]  }
0x26b: {  	[tilespmem:s15+$0x14440] =	vst v3;
	v3 =	vadd.f32 v16, v12;
	v11 =	vld [tilespmem:s15+$0xD410]  }
0x26c: {  	[tilespmem:s15+$0x14450] =	vst v4;
	v4 =	vadd.f32 v21, v17;
	v12 =	vld [tilespmem:s15+$0x5420]  }
0x26d: {  	[tilespmem:s15+$0x14460] =	vst v3;
	v3 =	vadd.f32 v22, v18;
	v13 =	vld [tilespmem:s15+$0xD420]  }
0x26e: {  	[tilespmem:s15+$0x14470] =	vst v4;
	v4 =	vadd.f32 v23, v19;
	v14 =	vld [tilespmem:s15+$0x5430]  }
0x26f: {  	[tilespmem:s15+$0x14800] =	vst v3;
	v3 =	vadd.f32 v27, v20;
	v15 =	vld [tilespmem:s15+$0xD430]  }
0x270: {  	[tilespmem:s15+$0x14810] =	vst v4;
	v4 =	vadd.f32 v28, v24;
	v16 =	vld [tilespmem:s15+$0x5440]  }
0x271: {  	[tilespmem:s15+$0x14820] =	vst v3;
	v3 =	vadd.f32 v29, v25;
	v17 =	vld [tilespmem:s15+$0xD440]  }
0x272: {  	[tilespmem:s15+$0x14830] =	vst v4;
	v4 =	vadd.f32 v30, v26;
	v18 =	vld [tilespmem:s15+$0x5450]  }
0x273: {  	[tilespmem:s15+$0x14840] =	vst v3;
	v3 =	vadd.f32 v35, v31;
	v19 =	vld [tilespmem:s15+$0xD450]  }
0x274: {  	[tilespmem:s15+$0x14850] =	vst v4;
	v4 =	vadd.f32 v36, v32;
	v20 =	vld [tilespmem:s15+$0x5460]  }
0x275: {  	[tilespmem:s15+$0x14860] =	vst v3;
	v3 =	vadd.f32 v37, v33;
	v21 =	vld [tilespmem:s15+$0xD460]  }
0x276: {  	[tilespmem:s15+$0x14870] =	vst v4;
	v4 =	vadd.f32 v41, v34;
	v22 =	vld [tilespmem:s15+$0x5470]  }
0x277: {  	[tilespmem:s15+$0x14C00] =	vst v3;
	v3 =	vadd.f32 v42, v38;
	v23 =	vld [tilespmem:s15+$0xD470]  }
0x278: {  	[tilespmem:s15+$0x14C10] =	vst v4;
	v4 =	vadd.f32 v43, v39;
	v24 =	vld [tilespmem:s15+$0x5800]  }
0x279: {  	[tilespmem:s15+$0x14C20] =	vst v3;
	v3 =	vadd.f32 v44, v40;
	v25 =	vld [tilespmem:s15+$0xD800]  }
0x27a: {  	[tilespmem:s15+$0x14C30] =	vst v4;
	v4 =	vadd.f32 v49, v45;
	v26 =	vld [tilespmem:s15+$0x5810]  }
0x27b: {  	[tilespmem:s15+$0x14C40] =	vst v3;
	v3 =	vadd.f32 v50, v46;
	v27 =	vld [tilespmem:s15+$0xD810]  }
0x27c: {  	[tilespmem:s15+$0x14C50] =	vst v4;
	v4 =	vadd.f32 v51, v47;
	v28 =	vld [tilespmem:s15+$0x5820]  }
0x27d: {  	[tilespmem:s15+$0x14C60] =	vst v3;
	v3 =	vadd.f32 v53, v48;
	v29 =	vld [tilespmem:s15+$0xD820]  }
0x27e: {  	[tilespmem:s15+$0x14C70] =	vst v4;
	v4 =	vadd.f32 v55, v54;
	v30 =	vld [tilespmem:s15+$0x5830]  }
0x27f: {  	[tilespmem:s15+$0x15000] =	vst v3;
	v3 =	vadd.f32 v57, v56;
	v31 =	vld [tilespmem:s15+$0xD830]  }
0x280: {  	[tilespmem:s15+$0x15010] =	vst v4;
	v4 =	vadd.f32 v58, v52;
	v32 =	vld [tilespmem:s15+$0x5840]  }
0x281: {  	v0 =	vadd.f32 v59, v0;
	[tilespmem:s15+$0x15020] =	vst v3;
	v3 =	vld [tilespmem:s15+$0xD840]  }
0x282: {  	[tilespmem:s15+$0x15030] =	vst v4;
	v4 =	vadd.f32 v61, v60;
	v33 =	vld [tilespmem:s15+$0x5850]  }
0x283: {  	[tilespmem:s15+$0x15040] =	vst v0;
	v0 =	vadd.f32 v6, v62;
	v6 =	vld [tilespmem:s15+$0xD850]  }
0x284: {  	[tilespmem:s15+$0x15050] =	vst v4;
	v4 =	vadd.f32 v5, v8;
	v5 =	vld [tilespmem:s15+$0x5860]  }
0x285: {  	[tilespmem:s15+$0x15060] =	vst v0;
	v0 =	vadd.f32 v9, v7;
	v7 =	vld [tilespmem:s15+$0xD860]  }
0x286: {  	[tilespmem:s15+$0x15070] =	vst v4;
	v4 =	vadd.f32 v11, v10;
	v8 =	vld [tilespmem:s15+$0x5870]  }
0x287: {  	[tilespmem:s15+$0x15400] =	vst v0;
	v0 =	vadd.f32 v13, v12;
	v9 =	vld [tilespmem:s15+$0xD870]  }
0x288: {  	[tilespmem:s15+$0x15410] =	vst v4;
	v4 =	vadd.f32 v15, v14;
	v10 =	vld [tilespmem:s15+$0x5C00]  }
0x289: {  	[tilespmem:s15+$0x15420] =	vst v0;
	v0 =	vadd.f32 v17, v16;
	v11 =	vld [tilespmem:s15+$0xDC00]  }
0x28a: {  	[tilespmem:s15+$0x15430] =	vst v4;
	v4 =	vadd.f32 v19, v18;
	v12 =	vld [tilespmem:s15+$0x5C10]  }
0x28b: {  	[tilespmem:s15+$0x15440] =	vst v0;
	v0 =	vadd.f32 v21, v20;
	v13 =	vld [tilespmem:s15+$0xDC10]  }
0x28c: {  	[tilespmem:s15+$0x15450] =	vst v4;
	v4 =	vadd.f32 v23, v22;
	v14 =	vld [tilespmem:s15+$0x5C20]  }
0x28d: {  	[tilespmem:s15+$0x15460] =	vst v0;
	v0 =	vadd.f32 v25, v24;
	v15 =	vld [tilespmem:s15+$0xDC20]  }
0x28e: {  	[tilespmem:s15+$0x15470] =	vst v4;
	v4 =	vadd.f32 v27, v26;
	v16 =	vld [tilespmem:s15+$0x5C30]  }
0x28f: {  	[tilespmem:s15+$0x15800] =	vst v0;
	v0 =	vadd.f32 v29, v28;
	v17 =	vld [tilespmem:s15+$0xDC30]  }
0x290: {  	[tilespmem:s15+$0x15810] =	vst v4;
	v4 =	vadd.f32 v31, v30;
	v18 =	vld [tilespmem:s15+$0x5C40]  }
0x291: {  	[tilespmem:s15+$0x15820] =	vst v0;
	v0 =	vadd.f32 v3, v32;
	v3 =	vld [tilespmem:s15+$0xDC40]  }
0x292: {  	[tilespmem:s15+$0x15830] =	vst v4;
	v4 =	vadd.f32 v6, v33;
	v6 =	vld [tilespmem:s15+$0x5C50]  }
0x293: {  	[tilespmem:s15+$0x15840] =	vst v0;
	v0 =	vadd.f32 v7, v5;
	v5 =	vld [tilespmem:s15+$0xDC50]  }
0x294: {  	[tilespmem:s15+$0x15850] =	vst v4;
	v4 =	vadd.f32 v9, v8;
	v7 =	vld [tilespmem:s15+$0x5C60]  }
0x295: {  	[tilespmem:s15+$0x15860] =	vst v0;
	v0 =	vadd.f32 v11, v10;
	v8 =	vld [tilespmem:s15+$0xDC60]  }
0x296: {  	[tilespmem:s15+$0x15870] =	vst v4;
	v4 =	vadd.f32 v13, v12;
	v9 =	vld [tilespmem:s15+$0x5C70]  }
0x297: {  	[tilespmem:s15+$0x15C00] =	vst v0;
	v0 =	vadd.f32 v15, v14;
	v10 =	vld [tilespmem:s15+$0xDC70]  }
.Ltmp3:
0x298: {  	[tilespmem:s15+$0x15C10] =	vst v4;
	v4 =	vadd.f32 v17, v16;
	(pc) =	sbr.rel @p0 .LBB2_5-.Ltmp3, $4  }
0x299: {  	[tilespmem:s15+$0x15C20] =	vst v0;
	v0 =	vadd.f32 v3, v18  }
0x29a: {  	s4 =	sadd.s32 $0x1, s4;
	[tilespmem:s15+$0x15C30] =	vst v4;
	v4 =	vadd.f32 v5, v6  }
0x29b: {  	s25 =	sand.u32 $0x7, s4;
	v3 =	vadd.f32 v8, v7;
	[tilespmem:s15+$0x15C40] =	vst v0  }
0x29c: {  	s8 =	sadd.s32 $0x400, s8;
	s7 =	sadd.s32 $0x80, s7;
	s25 =	sshll.u32 s25, $0x7;
	[tilespmem:s15+$0x15C50] =	vst v4;
	v4 =	vadd.f32 v10, v9  }
0x29d: {  	s4 =	sadd.s32 s25, s8;
	[tilespmem:s15+$0x15C60] =	vst v3  }
0x29e: {  	[tilespmem:s15+$0x15C70] =	vst v4;
	s7 =	sor.u32 $0x1C00, s4  }
0x29f: {  	v0 =	vld [tilespmem:s7+$0x4400]  }
0x2a0: {  	v3 =	vld [tilespmem:s7+$0xC400];
	_ =	sdelay $0x4  }
0x2a1: {  	v0 =	vadd.f32 v3, v0;
	_ =	sdelay $0x1  }
0x2a2: {  	s26 =	sor.u32 $0x1C10, s4;
	[tilespmem:s7+$0x14400] =	vst v0  }
0x2a3: {  	v0 =	vld [tilespmem:s26+$0x4400]  }
0x2a4: {  	v3 =	vld [tilespmem:s26+$0xC400];
	_ =	sdelay $0x4  }
0x2a5: {  	v0 =	vadd.f32 v3, v0;
	_ =	sdelay $0x1  }
0x2a6: {  	s28 =	sor.u32 $0x1C20, s4;
	[tilespmem:s26+$0x14400] =	vst v0  }
0x2a7: {  	v0 =	vld [tilespmem:s28+$0x4400]  }
0x2a8: {  	v3 =	vld [tilespmem:s28+$0xC400];
	_ =	sdelay $0x4  }
0x2a9: {  	v0 =	vadd.f32 v3, v0;
	_ =	sdelay $0x1  }
0x2aa: {  	s8 =	sor.u32 $0x1C30, s4;
	[tilespmem:s28+$0x14400] =	vst v0  }
0x2ab: {  	v0 =	vld [tilespmem:s8+$0x4400]  }
0x2ac: {  	v3 =	vld [tilespmem:s8+$0xC400];
	_ =	sdelay $0x4  }
0x2ad: {  	v0 =	vadd.f32 v3, v0;
	_ =	sdelay $0x1  }
0x2ae: {  	s15 =	sor.u32 $0x1C40, s4;
	[tilespmem:s8+$0x14400] =	vst v0  }
0x2af: {  	v0 =	vld [tilespmem:s15+$0x4400]  }
0x2b0: {  	v3 =	vld [tilespmem:s15+$0xC400];
	_ =	sdelay $0x4  }
0x2b1: {  	v0 =	vadd.f32 v3, v0;
	_ =	sdelay $0x1  }
0x2b2: {  	s24 =	sor.u32 $0x1C50, s4;
	[tilespmem:s15+$0x14400] =	vst v0  }
0x2b3: {  	v0 =	vld [tilespmem:s24+$0x4400]  }
0x2b4: {  	v3 =	vld [tilespmem:s24+$0xC400];
	_ =	sdelay $0x4  }
0x2b5: {  	v0 =	vadd.f32 v3, v0;
	_ =	sdelay $0x1  }
0x2b6: {  	s25 =	sor.u32 $0x1C60, s4;
	[tilespmem:s24+$0x14400] =	vst v0  }
0x2b7: {  	v0 =	vld [tilespmem:s25+$0x4400]  }
0x2b8: {  	v3 =	vld [tilespmem:s25+$0xC400];
	_ =	sdelay $0x4  }
0x2b9: {  	v0 =	vadd.f32 v3, v0;
	_ =	sdelay $0x1  }
0x2ba: {  	s4 =	sor.u32 $0x1C70, s4;
	[tilespmem:s25+$0x14400] =	vst v0  }
0x2bb: {  	v0 =	vld [tilespmem:s4+$0x4400]  }
0x2bc: {  	v3 =	vld [tilespmem:s4+$0xC400];
	_ =	sdelay $0x3  }
.Ltmp4:
0x2bd: {  	_ = 	snop;
	(pc) =	sbr.rel @p1 .LBB2_8-.Ltmp4, $4  }
0x2be: {  	v0 =	vadd.f32 v3, v0  }
0x2bf: {  	s26 =	sshll.u32 s23, $0x7  }
0x2c0: {  	s28 =	sadd.s32 s29, s26;
	[tilespmem:s4+$0x14400] =	vst v0  }
0x2c1: {  	[hbm4b:s28+s5] =	stream.linear.scatter [tilespmem:s22], [sflag:$0x6], $0x4000, $0x38;
	[tilespmem:$0x18400] =	vst v63  }
0x2c2: {  	s4 =	sadd.s32 $0x30, s14  }
0x2c3: {  	s4 =	sadd.s32 s6, s4  }
0x2c4: {  	s4 =	sshll.u32 s4, $0x7  }
0x2c5: {  	s7 =	simm.s32 $0x4400;
	s4 =	sadd.s32 s1, s4  }
0x2c6: {  	[tilespmem:s7], [sflag:$0x2] =	stream.linear.gather [hbm4b:s4+s5], $0x4000, $0x38;
	[tilespmem:$0x18400] =	vst v63  }
0x2c7: {  	v0 =	vld [tilespmem:s14+$0x30];
	_ =	sdelay $0x4  }
0x2c8: {  	v3 =	vshll.u32 v0, $0x3  }
0x2c9: {  	v0 =	vand.u32 $0x7, v0;
	v3 =	vand.u32 $0xFFFFFFC0, v3  }
0x2ca: {  	v0 =	vor.u32 v0, v3;
	v3 =	vld [tilespmem:$0x1FFF0];
	_ =	sdelay $0x4  }
0x2cb: {  	v3 =	vperm.xlane v0, v3;
	_ =	sdelay $0x1  }
0x2cc: {  	v3 =	vadd.s32 v1, v3;
	_ =	sdelay $0x3  }
0x2cd: {  	s25 =	simm.s32 $0xC400  }
0x2ce: {  	[tilespmem:s25], [sflag:$0x4] =	stream.indirect_vreg.gather [hbm4b:s3+s5], $0x80, v3, vm0, $0xb8;
	[tilespmem:$0x18400] =	vst v63  }
0x2cf: {  	s26 =	simm.s32 $0xCC00;
	v0 =	vperm.xlane v0, v2  }
0x2d0: {  	[tilespmem:s26], [sflag:$0x4] =	stream.indirect_vreg.gather [hbm4b:s9+s5], $0x80, v3, vm0, $0xb8;
	[tilespmem:$0x18400] =	vst v63  }
0x2d1: {  	s28 =	simm.s32 $0xD400;
	v0 =	vadd.s32 v1, v0  }
0x2d2: {  	[tilespmem:s28], [sflag:$0x4] =	stream.indirect_vreg.gather [hbm4b:s10+s5], $0x80, v3, vm0, $0xb8;
	[tilespmem:$0x18400] =	vst v63  }
0x2d3: {  	_ = 	snop  }
0x2d4: {  	[tilespmem:s30], [sflag:$0x4] =	stream.indirect_vreg.gather [hbm4b:s11+s5], $0x80, v3, vm0, $0xb8;
	[tilespmem:$0x18400] =	vst v63  }
0x2d5: {  	_ = 	snop  }
0x2d6: {  	[tilespmem:s31], [sflag:$0x4] =	stream.indirect_vreg.gather [hbm4b:s3+s5], $0x80, v0, vm0, $0xb8;
	[tilespmem:$0x18400] =	vst v63  }
0x2d7: {  	_ = 	snop  }
0x2d8: {  	[tilespmem:s0], [sflag:$0x4] =	stream.indirect_vreg.gather [hbm4b:s9+s5], $0x80, v0, vm0, $0xb8;
	[tilespmem:$0x18400] =	vst v63  }
.Ltmp5:
0x2d9: {  	_ = 	snop;
	(pc) =	sbr.rel .LBB2_2-.Ltmp5, $4  }
0x2da: {  	_ = 	snop  }
0x2db: {  	[tilespmem:s2], [sflag:$0x4] =	stream.indirect_vreg.gather [hbm4b:s10+s5], $0x80, v0, vm0, $0xb8;
	[tilespmem:$0x18400] =	vst v63  }
0x2dc: {  	s12 =	sadd.s32 $0x1, s12  }
0x2dd: {  	[tilespmem:s16], [sflag:$0x4] =	stream.indirect_vreg.gather [hbm4b:s11+s5], $0x80, v0, vm0, $0xb8;
	[tilespmem:$0x18400] =	vst v63  }
.LBB2_9:
0x2de: {  	_ =	sfence.sel $0x180000  }
0x2df: {  	[bflag:$0x0] =	sbarrier.arrive $0xFFFF  }
0x2e0: {  	_ =	strace $0x90000047  }
0x2e1: {  	s0 =	stileid.u32;
	[bflag:$0x2] =	sbarrier.arrive $0xFFFF  }
0x2e2: {  	p0 =	sne.s32 s0, $0x0;
	s0 =	rddreg [dreg:$0x4]  }
0x2e3: {  	s0 =	sadd.s32 @!p0 $0x100000, s0  }
0x2e4: {  	[sflag:s0] =	ssyncadd.tile.s32 @!p0 $0x1;
	_ =	shalt  }
.Lfunc_end2:
_tile_overlayer_lowered:
.L_overlay_start_2:
0x2e5: {  	(tag) =	ssettag $0x2  }
0x2e6: {  	s0 =	rddreg [dreg:$0x0];
	s2 =	stileid.u32  }
0x2e7: {  	s1 =	rddreg [dreg:$0x1];
	p0 =	sne.s32 s2, $0x0  }
0x2e8: {  	s3 =	rddreg [dreg:$0x2];
	[bflag:$0x3] =	sbarrier.arrive $0xFFFF;
	s2 =	simm.s32 @!p0 $0x1C07  }
0x2e9: {  	[timem:s3], [sflag:s2] =	dma.local @!p0 [hbm:s0], s1  }
0x2ea: {  	s0 =	simm.s32 @!p0 $0x7  }
0x2eb: {  	_ =	swait.ge @!p0 [sflag:s0], s1  }
0x2ec: {  	s1 =	ssub.s32 @!p0 $0x0, s1;
	[sflag:s0] =	ssyncset.done @!p0 $0x0  }
0x2ed: {  	[sflag:s0] =	ssyncadd.s32 @!p0 s1  }
0x2ee: {  	[bflag:$0x3] =	sbarrier.arrive $0xFFFF  }
0x2ef: {  	_ =	shalt  }

</sc_bundles>
